<compile_context>
chip_gen: v7x
topology: tpu7x:2x2x1
jax: 0.10.2.dev20260603
libtpu: 0.0.44.dev20260713+nightly
codegen_flags: <defaults>
</compile_context>

<pallas_src>
import jax
import jax.numpy as jnp
import numpy as np
from jax import lax
from jax.experimental import pallas as pl
from jax.experimental.pallas import tpu as pltpu
from jax.experimental.pallas import tpu_sc as plsc

N = 10000
E = 320000
CZ = 128
CE = 16
H = 8
C = 16
D = 2 * CZ + CE

NBLK = 10
NB = N // NBLK
EBLK = 160
EB = E // EBLK

SROW = 288
DROW = 272
PROW = 144
NPAD = 10112

NW = 32
BCH = 16
EPAD = 323584
EWP = EPAD // NW
NCH = EWP // BCH


def _a1_body(x_ref, p_ref, wq_ref, bq_ref, wkx_ref, wvx_ref, wkp_ref,
             wvp_ref, gk_ref, s_ref, src_ref, dst_ref):
    xb = x_ref[...]
    pb = p_ref[...]
    S = s_ref[...]
    q = jnp.dot(xb, wq_ref[...], preferred_element_type=jnp.float32) + bq_ref[...]
    Kx = jnp.dot(xb, wkx_ref[...], preferred_element_type=jnp.float32)
    Vx = jnp.dot(xb, wvx_ref[...], preferred_element_type=jnp.float32)
    Kp = jnp.dot(pb, wkp_ref[...], preferred_element_type=jnp.float32)
    Vp = jnp.dot(pb, wvp_ref[...], preferred_element_type=jnp.float32)
    dqKx = jnp.dot(q * Kx, S, preferred_element_type=jnp.float32)
    dqg = jnp.dot(q * gk_ref[...], S, preferred_element_type=jnp.float32)
    sx = jnp.sum(xb, axis=1, keepdims=True)
    ssx = jnp.sum(xb * xb, axis=1, keepdims=True)
    sp = jnp.sum(pb, axis=1, keepdims=True)
    ssp = jnp.sum(pb * pb, axis=1, keepdims=True)
    z8 = jnp.zeros((xb.shape[0], 8), jnp.float32)
    z6 = jnp.zeros((xb.shape[0], 6), jnp.float32)
    z14 = jnp.zeros((xb.shape[0], 14), jnp.float32)
    src_ref[:, 0:128] = q
    src_ref[:, 128:256] = Vx
    src_ref[:, 256:288] = jnp.concatenate([dqKx, z8, dqg, sx, ssx, z6], axis=1)
    dst_ref[:, 0:128] = Kp
    dst_ref[:, 128:256] = Vp
    dst_ref[:, 256:272] = jnp.concatenate([sp, ssp, z14], axis=1)


def _stage_a1(x, p, wq4, bq4, wkx, wvx, wkp, wvp, gk, S, interpret=False):
    full = lambda shp: pl.BlockSpec(shp, lambda i: (0,) * len(shp))
    return pl.pallas_call(
        _a1_body,
        grid=(NBLK,),
        in_specs=[
            pl.BlockSpec((NB, CZ), lambda i: (i, 0)),
            pl.BlockSpec((NB, CZ), lambda i: (i, 0)),
            full((CZ, H * C)), full((1, H * C)),
            full((CZ, H * C)), full((CZ, H * C)),
            full((CZ, H * C)), full((CZ, H * C)),
            full((1, H * C)), full((H * C, H)),
        ],
        out_specs=[
            pl.BlockSpec((NB, SROW), lambda i: (i, 0)),
            pl.BlockSpec((NB, DROW), lambda i: (i, 0)),
        ],
        out_shape=[
            jax.ShapeDtypeStruct((NPAD, SROW), jnp.float32),
            jax.ShapeDtypeStruct((NPAD, DROW), jnp.float32),
        ],
        interpret=interpret,
    )(x, p, wq4, bq4, wkx, wvx, wkp, wvp, gk, S)


def _a2_body(ea_ref, wka_ref, wva_ref, we_ref, ek_ref, ev_ref, ew_ref, ss_ref):
    eb = ea_ref[...]
    ek_ref[...] = jnp.dot(eb, wka_ref[...], preferred_element_type=jnp.float32)
    ev_ref[...] = jnp.dot(eb, wva_ref[...], preferred_element_type=jnp.float32)
    ew_ref[...] = jnp.dot(eb, we_ref[...], preferred_element_type=jnp.float32)
    sa = jnp.sum(eb, axis=1, keepdims=True)
    ssa = jnp.sum(eb * eb, axis=1, keepdims=True)
    z14 = jnp.zeros((eb.shape[0], 14), jnp.float32)
    ss_ref[...] = jnp.concatenate([sa, ssa, z14], axis=1)


def _stage_a2(ea, wka, wva, we, interpret=False):
    full = lambda shp: pl.BlockSpec(shp, lambda i: (0,) * len(shp))
    return pl.pallas_call(
        _a2_body,
        grid=(EBLK,),
        in_specs=[
            pl.BlockSpec((EB, CE), lambda i: (i, 0)),
            full((CE, H * C)), full((CE, H * C)), full((CE, H * C)),
        ],
        out_specs=[
            pl.BlockSpec((EB, H * C), lambda i: (i, 0)),
            pl.BlockSpec((EB, H * C), lambda i: (i, 0)),
            pl.BlockSpec((EB, H * C), lambda i: (i, 0)),
            pl.BlockSpec((EB, CE), lambda i: (i, 0)),
        ],
        out_shape=[
            jax.ShapeDtypeStruct((EPAD, H * C), jnp.float32),
            jax.ShapeDtypeStruct((EPAD, H * C), jnp.float32),
            jax.ShapeDtypeStruct((EPAD, H * C), jnp.float32),
            jax.ShapeDtypeStruct((EPAD, CE), jnp.float32),
        ],
        interpret=interpret,
    )(ea, wka, wva, we)


def _rsqrt16(v):
    i = lax.bitcast_convert_type(v, jnp.int32)
    i = jnp.int32(0x5F3759DF) - (i >> 1)
    y = lax.bitcast_convert_type(i, jnp.float32)
    for _ in range(3):
        y = y * (1.5 - 0.5 * v * y * y)
    return y


def _b_body(idx_hbm, stab_hbm, dtab_hbm, ek_hbm, ev_hbm, ew_hbm, ss_hbm,
            gv_hbm, cv_hbm,
            acc_hbm,
            idx0, idx1, srows, drows, ekb, evb, ewb, ssb, pay, gvv, cvv,
            acc_sh,
            isem0, isem1, ssem0, ssem1, dsem0, dsem1, lsem0, lsem1):
    c = lax.axis_index("c")
    s = lax.axis_index("s")
    wid = s * 2 + c
    lanes = lax.iota(jnp.int32, 16)

    pltpu.sync_copy(gv_hbm, gvv)
    pltpu.sync_copy(cv_hbm, cvv)

    def _zero(i, _):
        pay_z = jnp.zeros((16,), jnp.float32)
        for j in range(PROW // 16):
            pay[i, pl.ds(j * 16, 16)] = pay_z
        return 0
    lax.fori_loop(0, 2 * BCH, _zero, 0)
    myrows = NPAD // 16
    nz = myrows // (2 * BCH)
    for r in range(nz):
        pltpu.sync_copy(pay, acc_sh.at[pl.ds(s * myrows + r * 2 * BCH, 2 * BCH)])
    rem = myrows - nz * 2 * BCH
    pltpu.sync_copy(pay.at[pl.ds(0, rem)],
                    acc_sh.at[pl.ds(s * myrows + nz * 2 * BCH, rem)])

    gvs = tuple(gvv[h] for h in range(H))
    cvs = tuple(cvv[h] for h in range(H))

    idxs = (idx0, idx1)
    isems = (isem0, isem1)
    ssems = (ssem0, ssem1)
    dsems = (dsem0, dsem1)
    lsems = (lsem0, lsem1)
    row0 = wid * NCH
    ebase = wid * EWP

    def _issue_gathers(b, ch):
        off = b * BCH
        eoff = ebase + ch * BCH
        pltpu.async_copy(stab_hbm.at[idxs[b].at[0]],
                         srows.at[pl.ds(off, BCH)], ssems[b])
        pltpu.async_copy(dtab_hbm.at[idxs[b].at[1]],
                         drows.at[pl.ds(off, BCH)], dsems[b])
        pltpu.async_copy(ek_hbm.at[pl.ds(eoff, BCH)],
                         ekb.at[pl.ds(off, BCH)], lsems[b])
        pltpu.async_copy(ev_hbm.at[pl.ds(eoff, BCH)],
                         evb.at[pl.ds(off, BCH)], lsems[b])
        pltpu.async_copy(ew_hbm.at[pl.ds(eoff, BCH)],
                         ewb.at[pl.ds(off, BCH)], lsems[b])
        pltpu.async_copy(ss_hbm.at[pl.ds(eoff, BCH)],
                         ssb.at[pl.ds(off, BCH)], lsems[b])

    def _wait_gathers(b):
        off = b * BCH
        pltpu.make_async_copy(stab_hbm.at[pl.ds(0, BCH)],
                              srows.at[pl.ds(off, BCH)], ssems[b]).wait()
        pltpu.make_async_copy(dtab_hbm.at[pl.ds(0, BCH)],
                              drows.at[pl.ds(off, BCH)], dsems[b]).wait()
        pltpu.make_async_copy(ek_hbm.at[pl.ds(0, BCH)],
                              ekb.at[pl.ds(off, BCH)], lsems[b]).wait()
        pltpu.make_async_copy(ev_hbm.at[pl.ds(0, BCH)],
                              evb.at[pl.ds(off, BCH)], lsems[b]).wait()
        pltpu.make_async_copy(ew_hbm.at[pl.ds(0, BCH)],
                              ewb.at[pl.ds(off, BCH)], lsems[b]).wait()
        pltpu.make_async_copy(ss_hbm.at[pl.ds(0, BCH)],
                              ssb.at[pl.ds(off, BCH)], lsems[b]).wait()

    plsc.subcore_barrier()

    pltpu.sync_copy(idx_hbm.at[row0], idx0)
    pltpu.async_copy(idx_hbm.at[row0 + 1], idx1, isem1)
    _issue_gathers(0, 0)

    def _edge(boff, e):
        r = boff + e
        dq2 = srows[r, pl.ds(272, 16)]
        dvec = drows[r, pl.ds(256, 16)]
        evec = ssb[r, pl.ds(0, 16)]
        mu = jnp.full((16,), (evec[0] + dq2[8] + dvec[0]) * (1.0 / D))
        msq = jnp.full((16,), (evec[1] + dq2[9] + dvec[1]) * (1.0 / D))
        rstd = _rsqrt16(msq - mu * mu + 1e-5)
        sv = jnp.zeros((16,), jnp.float32)
        for h in range(H):
            qh = srows[r, pl.ds(h * 16, 16)]
            kh = ekb[r, pl.ds(h * 16, 16)] + drows[r, pl.ds(h * 16, 16)]
            sh = jnp.sum(qh * kh)
            sv = jnp.where(lanes == h, jnp.full((16,), sh), sv)
        dq1 = srows[r, pl.ds(256, 16)]
        score = (sv + dq1 - mu * dq2) * rstd
        ex = jnp.where(lanes < H, jnp.exp(score), 0.0)
        pay[r, pl.ds(128, 16)] = ex
        rm = rstd * mu
        for h in range(H):
            Uh = (evb[r, pl.ds(h * 16, 16)]
                  + drows[r, pl.ds(128 + h * 16, 16)]
                  + srows[r, pl.ds(128 + h * 16, 16)])
            vvh = rstd * Uh - rm * gvs[h] + cvs[h]
            exh = jnp.full((16,), ex[h])
            pay[r, pl.ds(h * 16, 16)] = exh * ewb[r, pl.ds(h * 16, 16)] * vvh

    def _pair(it, _):
        for b in (0, 1):
            ch = 2 * it + b
            nb = 1 - b

            @pl.when(ch + 1 < NCH)
            def _prep():
                pltpu.make_async_copy(idx_hbm.at[row0], idxs[nb],
                                      isems[nb]).wait()
                _issue_gathers(nb, ch + 1)

            _wait_gathers(b)
            boff = b * BCH

            def _edge_b(e, _, boff=boff):
                _edge(boff, e)
                return 0
            lax.fori_loop(0, BCH, _edge_b, 0)
            pltpu.sync_copy(pay.at[pl.ds(boff, BCH)],
                            acc_sh.at[idxs[b].at[0]], add=True)

            @pl.when(ch + 2 < NCH)
            def _pref_idx():
                pltpu.async_copy(idx_hbm.at[row0 + ch + 2], idxs[b], isems[b])
        return 0

    lax.fori_loop(0, NCH // 2, _pair, 0)
    plsc.subcore_barrier()
    pltpu.sync_copy(acc_sh.at[pl.ds(s * myrows, myrows)],
                    acc_hbm.at[c, pl.ds(s * myrows, myrows)])


def _stage_b(idx3, stab, dtab, ek, ev, ew, ss, gv, cv):
    mesh = plsc.VectorSubcoreMesh(core_axis_name="c", subcore_axis_name="s")
    kfn = pl.kernel(
        _b_body,
        mesh=mesh,
        compiler_params=pltpu.CompilerParams(
            needs_layout_passes=False, use_tc_tiling_on_sc=False),
        out_type=jax.ShapeDtypeStruct((2, NPAD, PROW), jnp.float32),
        scratch_types=[
            pltpu.VMEM((2, BCH), jnp.int32),
            pltpu.VMEM((2, BCH), jnp.int32),
            pltpu.VMEM((2 * BCH, SROW), jnp.float32),
            pltpu.VMEM((2 * BCH, DROW), jnp.float32),
            pltpu.VMEM((2 * BCH, H * C), jnp.float32),
            pltpu.VMEM((2 * BCH, H * C), jnp.float32),
            pltpu.VMEM((2 * BCH, H * C), jnp.float32),
            pltpu.VMEM((2 * BCH, CE), jnp.float32),
            pltpu.VMEM((2 * BCH, PROW), jnp.float32),
            pltpu.VMEM((H, 16), jnp.float32),
            pltpu.VMEM((H, 16), jnp.float32),
            pltpu.VMEM_SHARED((NPAD, PROW), jnp.float32),
            pltpu.SemaphoreType.DMA,
            pltpu.SemaphoreType.DMA,
            pltpu.SemaphoreType.DMA,
            pltpu.SemaphoreType.DMA,
            pltpu.SemaphoreType.DMA,
            pltpu.SemaphoreType.DMA,
            pltpu.SemaphoreType.DMA,
            pltpu.SemaphoreType.DMA,
        ],
    )
    return kfn(idx3, stab, dtab, ek, ev, ew, ss, gv, cv)


def _c_body(acc_ref, r_ref, wo1_ref, bo1_ref, wo2_ref, bo2_ref, out_ref):
    asum = acc_ref[0] + acc_ref[1]
    num = asum[:, 0:128]
    den = asum[:, 128:136]
    denb = jnp.dot(den, r_ref[...], preferred_element_type=jnp.float32)
    out0 = jnp.where(denb != 0.0, num / denb, 0.0)
    h1 = jnp.dot(out0, wo1_ref[...], preferred_element_type=jnp.float32) + bo1_ref[...]
    h1 = h1 * (1.0 / (1.0 + jnp.exp(-h1)))
    out_ref[...] = jnp.dot(h1, wo2_ref[...], preferred_element_type=jnp.float32) + bo2_ref[...]


def _stage_c(acc, Rm, wo1, bo1, wo2, bo2, interpret=False):
    bo1 = bo1.reshape(1, 2 * CZ)
    bo2 = bo2.reshape(1, CZ)
    full = lambda shp: pl.BlockSpec(shp, lambda i: (0,) * len(shp))
    return pl.pallas_call(
        _c_body,
        grid=(NBLK,),
        in_specs=[
            pl.BlockSpec((2, NB, PROW), lambda i: (0, i, 0)),
            full((H, H * C)),
            full((CZ, 2 * CZ)), full((1, 2 * CZ)),
            full((2 * CZ, CZ)), full((1, CZ)),
        ],
        out_specs=pl.BlockSpec((NB, CZ), lambda i: (i, 0)),
        out_shape=jax.ShapeDtypeStruct((N, CZ), jnp.float32),
        interpret=interpret,
    )(acc, Rm, wo1, bo1, wo2, bo2)


def kernel(x, p, edge_index, edge_attr, ln_gamma, ln_beta, Wq, bq, Wk, bk,
           Wv, bv, We, Wo1, bo1, Wo2, bo2):
    f32 = jnp.float32
    Wkg = ln_gamma[:, None] * Wk
    Wvg = ln_gamma[:, None] * Wv
    scale = f32(1.0 / np.sqrt(C))
    wq4 = Wq * scale
    bq4 = (bq * scale).reshape(1, H * C)
    wka, wkx, wkp = Wkg[:CE], Wkg[CE:CE + CZ], Wkg[CE + CZ:]
    wva, wvx, wvp = Wvg[:CE], Wvg[CE:CE + CZ], Wvg[CE + CZ:]
    gk = (ln_gamma @ Wk).reshape(1, H * C)
    gv = (ln_gamma @ Wv).reshape(H, C)
    cv = (ln_beta @ Wv + bv).reshape(H, C)
    ii = np.arange(H * C)
    S = jnp.asarray((ii[:, None] // C == np.arange(H)[None, :]).astype(np.float32))
    Rm = jnp.asarray((ii[None, :] // C == np.arange(H)[:, None]).astype(np.float32))

    src = jnp.concatenate([edge_index[0].astype(jnp.int32),
                           jnp.full((EPAD - E,), NPAD - 1, jnp.int32)])
    dst = jnp.concatenate([edge_index[1].astype(jnp.int32),
                           jnp.zeros((EPAD - E,), jnp.int32)])
    idx3 = jnp.stack([src.reshape(-1, BCH), dst.reshape(-1, BCH)], axis=1)

    stab, dtab = _stage_a1(x, p, wq4, bq4, wkx, wvx, wkp, wvp, gk, S)
    ek, ev, ew, ss = _stage_a2(edge_attr, wka, wva, We)
    acc = _stage_b(idx3, stab, dtab, ek, ev, ew, ss, gv, cv)
    return _stage_c(acc, Rm, Wo1, bo1, Wo2, bo2)

# --- scband reference (transcript-rebuilt; emitter-appended) ---
"""Pipeline reference for scband-inter-attention-21131239096480 (READ-ONLY COPY).

The authoritative reference and input builder live on the scoring server;
editing this copy changes nothing except your own understanding.
"""

import jax, jax.numpy as jnp
import numpy as np

N = 10000
E = 320000
CZ = 128
CE = 16
H = 8
C = 16


def setup_inputs(seed: int = 0) -> dict:
    key = jax.random.key(seed)
    ks = jax.random.split(key, 12)
    def w(k, shape):
        return jax.random.normal(k, shape, jnp.float32) * 0.05
    return {
        "x": jax.random.normal(ks[0], (N, CZ), jnp.float32),
        "p": jax.random.normal(ks[1], (N, CZ), jnp.float32),
        "edge_index": jax.random.randint(ks[2], (2, E), 0, N),
        "edge_attr": jax.random.normal(ks[3], (E, CE), jnp.float32),
        "ln_gamma": jnp.ones((2 * CZ + CE,), jnp.float32),
        "ln_beta": jnp.zeros((2 * CZ + CE,), jnp.float32),
        "Wq": w(ks[4], (CZ, H * C)),
        "bq": jnp.zeros((H * C,), jnp.float32),
        "Wk": w(ks[5], (2 * CZ + CE, H * C)),
        "bk": jnp.zeros((H * C,), jnp.float32),
        "Wv": w(ks[6], (2 * CZ + CE, H * C)),
        "bv": jnp.zeros((H * C,), jnp.float32),
        "We": w(ks[7], (CE, H * C)),
        "Wo1": w(ks[8], (CZ, 2 * CZ)),
        "bo1": jnp.zeros((2 * CZ,), jnp.float32),
        "Wo2": w(ks[9], (2 * CZ, CZ)),
        "bo2": jnp.zeros((CZ,), jnp.float32),
    }


def reference(x, p, edge_index, edge_attr, ln_gamma, ln_beta, Wq, bq, Wk, bk, Wv, bv, We, Wo1, bo1, Wo2, bo2):
    src = edge_index[0]
    dst = edge_index[1]
    hi = x[src]
    hj = p[dst]
    xf = jnp.concatenate([edge_attr, hi, hj], axis=-1)
    mu = xf.mean(axis=-1, keepdims=True)
    var = xf.var(axis=-1, keepdims=True)
    xf = (xf - mu) / jnp.sqrt(var + 1e-5) * ln_gamma + ln_beta
    q = (x @ Wq + bq).reshape(-1, H, C)
    k = (xf @ Wk + bk).reshape(-1, H, C)
    v = (xf @ Wv + bv).reshape(-1, H, C)
    scores = (q[src] * k / np.sqrt(C)).sum(-1)  # [E, H]
    mx = jax.ops.segment_max(scores, src, num_segments=N)
    ex = jnp.exp(scores - mx[src])
    dn = jax.ops.segment_sum(ex, src, num_segments=N)
    alpha = ex / dn[src]  # scatter_softmax over dst==src segments
    v = v * (edge_attr @ We).reshape(-1, H, C)
    m = alpha[..., None] * v
    out = jax.ops.segment_sum(m, src, num_segments=N).reshape(N, H * C)
    h = out @ Wo1 + bo1
    h = h * jax.nn.sigmoid(h)  # SiLU
    return h @ Wo2 + bo2

if __name__ == "__main__":
    import jax
    _d = setup_inputs()
    print(jax.jit(kernel)(*tuple(_d.values())))

</pallas_src>

<mosaic_0001>
#map = affine_map<(d0, d1) -> (0, 0, 0)>
#map1 = affine_map<(d0, d1) -> (0, 0)>
module attributes {stable_mosaic.version = 14 : i64} {
  func.func @_b_body(%arg0: i32, %arg1: i32, %arg2: memref<20224x2x16xi32, #tpu.memory_space<hbm>>, %arg3: memref<10112x288xf32, #tpu.memory_space<hbm>>, %arg4: memref<10112x272xf32, #tpu.memory_space<hbm>>, %arg5: memref<323584x128xf32, #tpu.memory_space<hbm>>, %arg6: memref<323584x128xf32, #tpu.memory_space<hbm>>, %arg7: memref<323584x128xf32, #tpu.memory_space<hbm>>, %arg8: memref<323584x16xf32, #tpu.memory_space<hbm>>, %arg9: memref<8x16xf32, #tpu.memory_space<hbm>>, %arg10: memref<8x16xf32, #tpu.memory_space<hbm>>, %arg11: memref<2x10112x144xf32, #tpu.memory_space<hbm>>, %arg12: memref<2x16xi32, #tpu.memory_space<vmem>>, %arg13: memref<2x16xi32, #tpu.memory_space<vmem>>, %arg14: memref<32x288xf32, #tpu.memory_space<vmem>>, %arg15: memref<32x272xf32, #tpu.memory_space<vmem>>, %arg16: memref<32x128xf32, #tpu.memory_space<vmem>>, %arg17: memref<32x128xf32, #tpu.memory_space<vmem>>, %arg18: memref<32x128xf32, #tpu.memory_space<vmem>>, %arg19: memref<32x16xf32, #tpu.memory_space<vmem>>, %arg20: memref<32x144xf32, #tpu.memory_space<vmem>>, %arg21: memref<8x16xf32, #tpu.memory_space<vmem>>, %arg22: memref<8x16xf32, #tpu.memory_space<vmem>>, %arg23: memref<10112x144xf32, #tpu.memory_space<vmem_shared>>, %arg24: memref<!tpu.dma_semaphore, #tpu.memory_space<semaphore_mem>>, %arg25: memref<!tpu.dma_semaphore, #tpu.memory_space<semaphore_mem>>, %arg26: memref<!tpu.dma_semaphore, #tpu.memory_space<semaphore_mem>>, %arg27: memref<!tpu.dma_semaphore, #tpu.memory_space<semaphore_mem>>, %arg28: memref<!tpu.dma_semaphore, #tpu.memory_space<semaphore_mem>>, %arg29: memref<!tpu.dma_semaphore, #tpu.memory_space<semaphore_mem>>, %arg30: memref<!tpu.dma_semaphore, #tpu.memory_space<semaphore_mem>>, %arg31: memref<!tpu.dma_semaphore, #tpu.memory_space<semaphore_mem>>) attributes {dimension_semantics = [#tpu.dimension_semantics<core_parallel>, #tpu.dimension_semantics<subcore_parallel>], iteration_bounds = array<i64: 2, 16>, scalar_prefetch = 0 : i64, scratch_operands = 20 : i64, tpu.core_type = #tpu.core_type<sc_vector_subcore>, window_params = [{transform_indices = #map}, {transform_indices = #map1}, {transform_indices = #map1}, {transform_indices = #map1}, {transform_indices = #map1}, {transform_indices = #map1}, {transform_indices = #map1}, {transform_indices = #map1}, {transform_indices = #map1}, {transform_indices = #map}]} {
    %mul3A = arith.constant 2 : i32
    %mul3A_0 = arith.muli %arg1, %mul3A : i32
    %add3A = arith.addi %mul3A_0, %arg0 : i32
    %iota3A = tpu.iota {dimensions = array<i32: 0>} : vector<16xi32>
    "tpu.region"() ({
      %run_scoped3A = tpu.sem_alloc : memref<!tpu.dma_semaphore, #tpu.memory_space<semaphore_mem>>
      tpu.enqueue_dma source(%arg9 : memref<8x16xf32, #tpu.memory_space<hbm>>) target(%arg21 : memref<8x16xf32, #tpu.memory_space<vmem>>) target_semaphore(%run_scoped3A : memref<!tpu.dma_semaphore, #tpu.memory_space<semaphore_mem>>)
      tpu.wait_dma2 semaphore(%run_scoped3A : memref<!tpu.dma_semaphore, #tpu.memory_space<semaphore_mem>>) src(%arg9 : memref<8x16xf32, #tpu.memory_space<hbm>>) dst(%arg21 : memref<8x16xf32, #tpu.memory_space<vmem>>)
      tpu.yield
    }) : () -> ()
    "tpu.region"() ({
      %run_scoped3A = tpu.sem_alloc : memref<!tpu.dma_semaphore, #tpu.memory_space<semaphore_mem>>
      tpu.enqueue_dma source(%arg10 : memref<8x16xf32, #tpu.memory_space<hbm>>) target(%arg22 : memref<8x16xf32, #tpu.memory_space<vmem>>) target_semaphore(%run_scoped3A : memref<!tpu.dma_semaphore, #tpu.memory_space<semaphore_mem>>)
      tpu.wait_dma2 semaphore(%run_scoped3A : memref<!tpu.dma_semaphore, #tpu.memory_space<semaphore_mem>>) src(%arg10 : memref<8x16xf32, #tpu.memory_space<hbm>>) dst(%arg22 : memref<8x16xf32, #tpu.memory_space<vmem>>)
      tpu.yield
    }) : () -> ()
    %scan3A = arith.constant 0 : i32
    %scan3A_1 = arith.constant 0 : i32
    %scan3A_2 = arith.constant 32 : i32
    %scan3A_3 = arith.addi %scan3A_1, %scan3A_2 : i32
    %scan3A_4 = arith.constant 1 : i32
    %scan3A_5 = scf.for %scan3A_237 = %scan3A_1 to %scan3A_3 step %scan3A_4 iter_args(%scan3A_238 = %scan3A) -> (i32)  : i32 {
      %broadcast_in_dim3A = arith.constant 0.000000e+00 : f32
      %broadcast_in_dim3A_239 = vector.broadcast %broadcast_in_dim3A : f32 to vector<16xf32>
      %swap3A = arith.index_cast %scan3A_237 : i32 to index
      %swap3A_240 = arith.constant 0 : index
      %swap3A_241 = tpu.vector_load %arg20[%swap3A, %swap3A_240] {strides = array<i32>} : memref<32x144xf32, #tpu.memory_space<vmem>>, vector<16xf32>,
      tpu.vector_store %arg20[%swap3A, %swap3A_240], %broadcast_in_dim3A_239 {strides = array<i32>} : memref<32x144xf32, #tpu.memory_space<vmem>>, vector<16xf32>,
      %swap3A_242 = arith.index_cast %scan3A_237 : i32 to index
      %swap3A_243 = arith.constant 16 : index
      %swap3A_244 = tpu.vector_load %arg20[%swap3A_242, %swap3A_243] {strides = array<i32>} : memref<32x144xf32, #tpu.memory_space<vmem>>, vector<16xf32>,
      tpu.vector_store %arg20[%swap3A_242, %swap3A_243], %broadcast_in_dim3A_239 {strides = array<i32>} : memref<32x144xf32, #tpu.memory_space<vmem>>, vector<16xf32>,
      %swap3A_245 = arith.index_cast %scan3A_237 : i32 to index
      %swap3A_246 = arith.constant 32 : index
      %swap3A_247 = tpu.vector_load %arg20[%swap3A_245, %swap3A_246] {strides = array<i32>} : memref<32x144xf32, #tpu.memory_space<vmem>>, vector<16xf32>,
      tpu.vector_store %arg20[%swap3A_245, %swap3A_246], %broadcast_in_dim3A_239 {strides = array<i32>} : memref<32x144xf32, #tpu.memory_space<vmem>>, vector<16xf32>,
      %swap3A_248 = arith.index_cast %scan3A_237 : i32 to index
      %swap3A_249 = arith.constant 48 : index
      %swap3A_250 = tpu.vector_load %arg20[%swap3A_248, %swap3A_249] {strides = array<i32>} : memref<32x144xf32, #tpu.memory_space<vmem>>, vector<16xf32>,
      tpu.vector_store %arg20[%swap3A_248, %swap3A_249], %broadcast_in_dim3A_239 {strides = array<i32>} : memref<32x144xf32, #tpu.memory_space<vmem>>, vector<16xf32>,
      %swap3A_251 = arith.index_cast %scan3A_237 : i32 to index
      %swap3A_252 = arith.constant 64 : index
      %swap3A_253 = tpu.vector_load %arg20[%swap3A_251, %swap3A_252] {strides = array<i32>} : memref<32x144xf32, #tpu.memory_space<vmem>>, vector<16xf32>,
      tpu.vector_store %arg20[%swap3A_251, %swap3A_252], %broadcast_in_dim3A_239 {strides = array<i32>} : memref<32x144xf32, #tpu.memory_space<vmem>>, vector<16xf32>,
      %swap3A_254 = arith.index_cast %scan3A_237 : i32 to index
      %swap3A_255 = arith.constant 80 : index
      %swap3A_256 = tpu.vector_load %arg20[%swap3A_254, %swap3A_255] {strides = array<i32>} : memref<32x144xf32, #tpu.memory_space<vmem>>, vector<16xf32>,
      tpu.vector_store %arg20[%swap3A_254, %swap3A_255], %broadcast_in_dim3A_239 {strides = array<i32>} : memref<32x144xf32, #tpu.memory_space<vmem>>, vector<16xf32>,
      %swap3A_257 = arith.index_cast %scan3A_237 : i32 to index
      %swap3A_258 = arith.constant 96 : index
      %swap3A_259 = tpu.vector_load %arg20[%swap3A_257, %swap3A_258] {strides = array<i32>} : memref<32x144xf32, #tpu.memory_space<vmem>>, vector<16xf32>,
      tpu.vector_store %arg20[%swap3A_257, %swap3A_258], %broadcast_in_dim3A_239 {strides = array<i32>} : memref<32x144xf32, #tpu.memory_space<vmem>>, vector<16xf32>,
      %swap3A_260 = arith.index_cast %scan3A_237 : i32 to index
      %swap3A_261 = arith.constant 112 : index
      %swap3A_262 = tpu.vector_load %arg20[%swap3A_260, %swap3A_261] {strides = array<i32>} : memref<32x144xf32, #tpu.memory_space<vmem>>, vector<16xf32>,
      tpu.vector_store %arg20[%swap3A_260, %swap3A_261], %broadcast_in_dim3A_239 {strides = array<i32>} : memref<32x144xf32, #tpu.memory_space<vmem>>, vector<16xf32>,
      %swap3A_263 = arith.index_cast %scan3A_237 : i32 to index
      %swap3A_264 = arith.constant 128 : index
      %swap3A_265 = tpu.vector_load %arg20[%swap3A_263, %swap3A_264] {strides = array<i32>} : memref<32x144xf32, #tpu.memory_space<vmem>>, vector<16xf32>,
      tpu.vector_store %arg20[%swap3A_263, %swap3A_264], %broadcast_in_dim3A_239 {strides = array<i32>} : memref<32x144xf32, #tpu.memory_space<vmem>>, vector<16xf32>,
      %scan3A_266 = arith.constant 0 : i32
      scf.yield %scan3A_266 : i32
    }
    %scan3A_6 = arith.constant 32 : i32
    %mul3A_7 = arith.constant 632 : i32
    %mul3A_8 = arith.muli %arg1, %mul3A_7 : i32
    %add3A_9 = arith.constant 0 : i32
    %add3A_10 = arith.addi %mul3A_8, %add3A_9 : i32
    "tpu.region"() ({
      %run_scoped3A = tpu.sem_alloc : memref<!tpu.dma_semaphore, #tpu.memory_space<semaphore_mem>>
      %dma_start3A_237 = arith.constant 0 : i32
      %dma_start3A_238 = tpu.memref_slice %arg23[%add3A_10, %dma_start3A_237] : memref<10112x144xf32, #tpu.memory_space<vmem_shared>> -> memref<32x144xf32, #tpu.memory_space<vmem_shared>>
      %dma_start3A_239 = arith.constant 0 : i32
      %dma_start3A_240 = tpu.memref_slice %arg23[%add3A_10, %dma_start3A_239] : memref<10112x144xf32, #tpu.memory_space<vmem_shared>> -> memref<32x144xf32, #tpu.memory_space<vmem_shared>>
      tpu.enqueue_dma source(%arg20 : memref<32x144xf32, #tpu.memory_space<vmem>>) target(%dma_start3A_240 : memref<32x144xf32, #tpu.memory_space<vmem_shared>>) target_semaphore(%run_scoped3A : memref<!tpu.dma_semaphore, #tpu.memory_space<semaphore_mem>>)
      %dma_wait3A = arith.constant 0 : i32
      %dma_wait3A_241 = tpu.memref_slice %arg23[%add3A_10, %dma_wait3A] : memref<10112x144xf32, #tpu.memory_space<vmem_shared>> -> memref<32x144xf32, #tpu.memory_space<vmem_shared>>
      %dma_wait3A_242 = arith.constant 0 : i32
      %dma_wait3A_243 = tpu.memref_slice %arg23[%add3A_10, %dma_wait3A_242] : memref<10112x144xf32, #tpu.memory_space<vmem_shared>> -> memref<32x144xf32, #tpu.memory_space<vmem_shared>>
      tpu.wait_dma2 semaphore(%run_scoped3A : memref<!tpu.dma_semaphore, #tpu.memory_space<semaphore_mem>>) src(%arg20 : memref<32x144xf32, #tpu.memory_space<vmem>>) dst(%dma_wait3A_243 : memref<32x144xf32, #tpu.memory_space<vmem_shared>>)
      tpu.yield
    }) : () -> ()
    %mul3A_11 = arith.constant 632 : i32
    %mul3A_12 = arith.muli %arg1, %mul3A_11 : i32
    %add3A_13 = arith.constant 32 : i32
    %add3A_14 = arith.addi %mul3A_12, %add3A_13 : i32
    "tpu.region"() ({
      %run_scoped3A = tpu.sem_alloc : memref<!tpu.dma_semaphore, #tpu.memory_space<semaphore_mem>>
      %dma_start3A_237 = arith.constant 0 : i32
      %dma_start3A_238 = tpu.memref_slice %arg23[%add3A_14, %dma_start3A_237] : memref<10112x144xf32, #tpu.memory_space<vmem_shared>> -> memref<32x144xf32, #tpu.memory_space<vmem_shared>>
      %dma_start3A_239 = arith.constant 0 : i32
      %dma_start3A_240 = tpu.memref_slice %arg23[%add3A_14, %dma_start3A_239] : memref<10112x144xf32, #tpu.memory_space<vmem_shared>> -> memref<32x144xf32, #tpu.memory_space<vmem_shared>>
      tpu.enqueue_dma source(%arg20 : memref<32x144xf32, #tpu.memory_space<vmem>>) target(%dma_start3A_240 : memref<32x144xf32, #tpu.memory_space<vmem_shared>>) target_semaphore(%run_scoped3A : memref<!tpu.dma_semaphore, #tpu.memory_space<semaphore_mem>>)
      %dma_wait3A = arith.constant 0 : i32
      %dma_wait3A_241 = tpu.memref_slice %arg23[%add3A_14, %dma_wait3A] : memref<10112x144xf32, #tpu.memory_space<vmem_shared>> -> memref<32x144xf32, #tpu.memory_space<vmem_shared>>
      %dma_wait3A_242 = arith.constant 0 : i32
      %dma_wait3A_243 = tpu.memref_slice %arg23[%add3A_14, %dma_wait3A_242] : memref<10112x144xf32, #tpu.memory_space<vmem_shared>> -> memref<32x144xf32, #tpu.memory_space<vmem_shared>>
      tpu.wait_dma2 semaphore(%run_scoped3A : memref<!tpu.dma_semaphore, #tpu.memory_space<semaphore_mem>>) src(%arg20 : memref<32x144xf32, #tpu.memory_space<vmem>>) dst(%dma_wait3A_243 : memref<32x144xf32, #tpu.memory_space<vmem_shared>>)
      tpu.yield
    }) : () -> ()
    %mul3A_15 = arith.constant 632 : i32
    %mul3A_16 = arith.muli %arg1, %mul3A_15 : i32
    %add3A_17 = arith.constant 64 : i32
    %add3A_18 = arith.addi %mul3A_16, %add3A_17 : i32
    "tpu.region"() ({
      %run_scoped3A = tpu.sem_alloc : memref<!tpu.dma_semaphore, #tpu.memory_space<semaphore_mem>>
      %dma_start3A_237 = arith.constant 0 : i32
      %dma_start3A_238 = tpu.memref_slice %arg23[%add3A_18, %dma_start3A_237] : memref<10112x144xf32, #tpu.memory_space<vmem_shared>> -> memref<32x144xf32, #tpu.memory_space<vmem_shared>>
      %dma_start3A_239 = arith.constant 0 : i32
      %dma_start3A_240 = tpu.memref_slice %arg23[%add3A_18, %dma_start3A_239] : memref<10112x144xf32, #tpu.memory_space<vmem_shared>> -> memref<32x144xf32, #tpu.memory_space<vmem_shared>>
      tpu.enqueue_dma source(%arg20 : memref<32x144xf32, #tpu.memory_space<vmem>>) target(%dma_start3A_240 : memref<32x144xf32, #tpu.memory_space<vmem_shared>>) target_semaphore(%run_scoped3A : memref<!tpu.dma_semaphore, #tpu.memory_space<semaphore_mem>>)
      %dma_wait3A = arith.constant 0 : i32
      %dma_wait3A_241 = tpu.memref_slice %arg23[%add3A_18, %dma_wait3A] : memref<10112x144xf32, #tpu.memory_space<vmem_shared>> -> memref<32x144xf32, #tpu.memory_space<vmem_shared>>
      %dma_wait3A_242 = arith.constant 0 : i32
      %dma_wait3A_243 = tpu.memref_slice %arg23[%add3A_18, %dma_wait3A_242] : memref<10112x144xf32, #tpu.memory_space<vmem_shared>> -> memref<32x144xf32, #tpu.memory_space<vmem_shared>>
      tpu.wait_dma2 semaphore(%run_scoped3A : memref<!tpu.dma_semaphore, #tpu.memory_space<semaphore_mem>>) src(%arg20 : memref<32x144xf32, #tpu.memory_space<vmem>>) dst(%dma_wait3A_243 : memref<32x144xf32, #tpu.memory_space<vmem_shared>>)
      tpu.yield
    }) : () -> ()
    %mul3A_19 = arith.constant 632 : i32
    %mul3A_20 = arith.muli %arg1, %mul3A_19 : i32
    %add3A_21 = arith.constant 96 : i32
    %add3A_22 = arith.addi %mul3A_20, %add3A_21 : i32
    "tpu.region"() ({
      %run_scoped3A = tpu.sem_alloc : memref<!tpu.dma_semaphore, #tpu.memory_space<semaphore_mem>>
      %dma_start3A_237 = arith.constant 0 : i32
      %dma_start3A_238 = tpu.memref_slice %arg23[%add3A_22, %dma_start3A_237] : memref<10112x144xf32, #tpu.memory_space<vmem_shared>> -> memref<32x144xf32, #tpu.memory_space<vmem_shared>>
      %dma_start3A_239 = arith.constant 0 : i32
      %dma_start3A_240 = tpu.memref_slice %arg23[%add3A_22, %dma_start3A_239] : memref<10112x144xf32, #tpu.memory_space<vmem_shared>> -> memref<32x144xf32, #tpu.memory_space<vmem_shared>>
      tpu.enqueue_dma source(%arg20 : memref<32x144xf32, #tpu.memory_space<vmem>>) target(%dma_start3A_240 : memref<32x144xf32, #tpu.memory_space<vmem_shared>>) target_semaphore(%run_scoped3A : memref<!tpu.dma_semaphore, #tpu.memory_space<semaphore_mem>>)
      %dma_wait3A = arith.constant 0 : i32
      %dma_wait3A_241 = tpu.memref_slice %arg23[%add3A_22, %dma_wait3A] : memref<10112x144xf32, #tpu.memory_space<vmem_shared>> -> memref<32x144xf32, #tpu.memory_space<vmem_shared>>
      %dma_wait3A_242 = arith.constant 0 : i32
      %dma_wait3A_243 = tpu.memref_slice %arg23[%add3A_22, %dma_wait3A_242] : memref<10112x144xf32, #tpu.memory_space<vmem_shared>> -> memref<32x144xf32, #tpu.memory_space<vmem_shared>>
      tpu.wait_dma2 semaphore(%run_scoped3A : memref<!tpu.dma_semaphore, #tpu.memory_space<semaphore_mem>>) src(%arg20 : memref<32x144xf32, #tpu.memory_space<vmem>>) dst(%dma_wait3A_243 : memref<32x144xf32, #tpu.memory_space<vmem_shared>>)
      tpu.yield
    }) : () -> ()
    %mul3A_23 = arith.constant 632 : i32
    %mul3A_24 = arith.muli %arg1, %mul3A_23 : i32
    %add3A_25 = arith.constant 128 : i32
    %add3A_26 = arith.addi %mul3A_24, %add3A_25 : i32
    "tpu.region"() ({
      %run_scoped3A = tpu.sem_alloc : memref<!tpu.dma_semaphore, #tpu.memory_space<semaphore_mem>>
      %dma_start3A_237 = arith.constant 0 : i32
      %dma_start3A_238 = tpu.memref_slice %arg23[%add3A_26, %dma_start3A_237] : memref<10112x144xf32, #tpu.memory_space<vmem_shared>> -> memref<32x144xf32, #tpu.memory_space<vmem_shared>>
      %dma_start3A_239 = arith.constant 0 : i32
      %dma_start3A_240 = tpu.memref_slice %arg23[%add3A_26, %dma_start3A_239] : memref<10112x144xf32, #tpu.memory_space<vmem_shared>> -> memref<32x144xf32, #tpu.memory_space<vmem_shared>>
      tpu.enqueue_dma source(%arg20 : memref<32x144xf32, #tpu.memory_space<vmem>>) target(%dma_start3A_240 : memref<32x144xf32, #tpu.memory_space<vmem_shared>>) target_semaphore(%run_scoped3A : memref<!tpu.dma_semaphore, #tpu.memory_space<semaphore_mem>>)
      %dma_wait3A = arith.constant 0 : i32
      %dma_wait3A_241 = tpu.memref_slice %arg23[%add3A_26, %dma_wait3A] : memref<10112x144xf32, #tpu.memory_space<vmem_shared>> -> memref<32x144xf32, #tpu.memory_space<vmem_shared>>
      %dma_wait3A_242 = arith.constant 0 : i32
      %dma_wait3A_243 = tpu.memref_slice %arg23[%add3A_26, %dma_wait3A_242] : memref<10112x144xf32, #tpu.memory_space<vmem_shared>> -> memref<32x144xf32, #tpu.memory_space<vmem_shared>>
      tpu.wait_dma2 semaphore(%run_scoped3A : memref<!tpu.dma_semaphore, #tpu.memory_space<semaphore_mem>>) src(%arg20 : memref<32x144xf32, #tpu.memory_space<vmem>>) dst(%dma_wait3A_243 : memref<32x144xf32, #tpu.memory_space<vmem_shared>>)
      tpu.yield
    }) : () -> ()
    %mul3A_27 = arith.constant 632 : i32
    %mul3A_28 = arith.muli %arg1, %mul3A_27 : i32
    %add3A_29 = arith.constant 160 : i32
    %add3A_30 = arith.addi %mul3A_28, %add3A_29 : i32
    "tpu.region"() ({
      %run_scoped3A = tpu.sem_alloc : memref<!tpu.dma_semaphore, #tpu.memory_space<semaphore_mem>>
      %dma_start3A_237 = arith.constant 0 : i32
      %dma_start3A_238 = tpu.memref_slice %arg23[%add3A_30, %dma_start3A_237] : memref<10112x144xf32, #tpu.memory_space<vmem_shared>> -> memref<32x144xf32, #tpu.memory_space<vmem_shared>>
      %dma_start3A_239 = arith.constant 0 : i32
      %dma_start3A_240 = tpu.memref_slice %arg23[%add3A_30, %dma_start3A_239] : memref<10112x144xf32, #tpu.memory_space<vmem_shared>> -> memref<32x144xf32, #tpu.memory_space<vmem_shared>>
      tpu.enqueue_dma source(%arg20 : memref<32x144xf32, #tpu.memory_space<vmem>>) target(%dma_start3A_240 : memref<32x144xf32, #tpu.memory_space<vmem_shared>>) target_semaphore(%run_scoped3A : memref<!tpu.dma_semaphore, #tpu.memory_space<semaphore_mem>>)
      %dma_wait3A = arith.constant 0 : i32
      %dma_wait3A_241 = tpu.memref_slice %arg23[%add3A_30, %dma_wait3A] : memref<10112x144xf32, #tpu.memory_space<vmem_shared>> -> memref<32x144xf32, #tpu.memory_space<vmem_shared>>
      %dma_wait3A_242 = arith.constant 0 : i32
      %dma_wait3A_243 = tpu.memref_slice %arg23[%add3A_30, %dma_wait3A_242] : memref<10112x144xf32, #tpu.memory_space<vmem_shared>> -> memref<32x144xf32, #tpu.memory_space<vmem_shared>>
      tpu.wait_dma2 semaphore(%run_scoped3A : memref<!tpu.dma_semaphore, #tpu.memory_space<semaphore_mem>>) src(%arg20 : memref<32x144xf32, #tpu.memory_space<vmem>>) dst(%dma_wait3A_243 : memref<32x144xf32, #tpu.memory_space<vmem_shared>>)
      tpu.yield
    }) : () -> ()
    %mul3A_31 = arith.constant 632 : i32
    %mul3A_32 = arith.muli %arg1, %mul3A_31 : i32
    %add3A_33 = arith.constant 192 : i32
    %add3A_34 = arith.addi %mul3A_32, %add3A_33 : i32
    "tpu.region"() ({
      %run_scoped3A = tpu.sem_alloc : memref<!tpu.dma_semaphore, #tpu.memory_space<semaphore_mem>>
      %dma_start3A_237 = arith.constant 0 : i32
      %dma_start3A_238 = tpu.memref_slice %arg23[%add3A_34, %dma_start3A_237] : memref<10112x144xf32, #tpu.memory_space<vmem_shared>> -> memref<32x144xf32, #tpu.memory_space<vmem_shared>>
      %dma_start3A_239 = arith.constant 0 : i32
      %dma_start3A_240 = tpu.memref_slice %arg23[%add3A_34, %dma_start3A_239] : memref<10112x144xf32, #tpu.memory_space<vmem_shared>> -> memref<32x144xf32, #tpu.memory_space<vmem_shared>>
      tpu.enqueue_dma source(%arg20 : memref<32x144xf32, #tpu.memory_space<vmem>>) target(%dma_start3A_240 : memref<32x144xf32, #tpu.memory_space<vmem_shared>>) target_semaphore(%run_scoped3A : memref<!tpu.dma_semaphore, #tpu.memory_space<semaphore_mem>>)
      %dma_wait3A = arith.constant 0 : i32
      %dma_wait3A_241 = tpu.memref_slice %arg23[%add3A_34, %dma_wait3A] : memref<10112x144xf32, #tpu.memory_space<vmem_shared>> -> memref<32x144xf32, #tpu.memory_space<vmem_shared>>
      %dma_wait3A_242 = arith.constant 0 : i32
      %dma_wait3A_243 = tpu.memref_slice %arg23[%add3A_34, %dma_wait3A_242] : memref<10112x144xf32, #tpu.memory_space<vmem_shared>> -> memref<32x144xf32, #tpu.memory_space<vmem_shared>>
      tpu.wait_dma2 semaphore(%run_scoped3A : memref<!tpu.dma_semaphore, #tpu.memory_space<semaphore_mem>>) src(%arg20 : memref<32x144xf32, #tpu.memory_space<vmem>>) dst(%dma_wait3A_243 : memref<32x144xf32, #tpu.memory_space<vmem_shared>>)
      tpu.yield
    }) : () -> ()
    %mul3A_35 = arith.constant 632 : i32
    %mul3A_36 = arith.muli %arg1, %mul3A_35 : i32
    %add3A_37 = arith.constant 224 : i32
    %add3A_38 = arith.addi %mul3A_36, %add3A_37 : i32
    "tpu.region"() ({
      %run_scoped3A = tpu.sem_alloc : memref<!tpu.dma_semaphore, #tpu.memory_space<semaphore_mem>>
      %dma_start3A_237 = arith.constant 0 : i32
      %dma_start3A_238 = tpu.memref_slice %arg23[%add3A_38, %dma_start3A_237] : memref<10112x144xf32, #tpu.memory_space<vmem_shared>> -> memref<32x144xf32, #tpu.memory_space<vmem_shared>>
      %dma_start3A_239 = arith.constant 0 : i32
      %dma_start3A_240 = tpu.memref_slice %arg23[%add3A_38, %dma_start3A_239] : memref<10112x144xf32, #tpu.memory_space<vmem_shared>> -> memref<32x144xf32, #tpu.memory_space<vmem_shared>>
      tpu.enqueue_dma source(%arg20 : memref<32x144xf32, #tpu.memory_space<vmem>>) target(%dma_start3A_240 : memref<32x144xf32, #tpu.memory_space<vmem_shared>>) target_semaphore(%run_scoped3A : memref<!tpu.dma_semaphore, #tpu.memory_space<semaphore_mem>>)
      %dma_wait3A = arith.constant 0 : i32
      %dma_wait3A_241 = tpu.memref_slice %arg23[%add3A_38, %dma_wait3A] : memref<10112x144xf32, #tpu.memory_space<vmem_shared>> -> memref<32x144xf32, #tpu.memory_space<vmem_shared>>
      %dma_wait3A_242 = arith.constant 0 : i32
      %dma_wait3A_243 = tpu.memref_slice %arg23[%add3A_38, %dma_wait3A_242] : memref<10112x144xf32, #tpu.memory_space<vmem_shared>> -> memref<32x144xf32, #tpu.memory_space<vmem_shared>>
      tpu.wait_dma2 semaphore(%run_scoped3A : memref<!tpu.dma_semaphore, #tpu.memory_space<semaphore_mem>>) src(%arg20 : memref<32x144xf32, #tpu.memory_space<vmem>>) dst(%dma_wait3A_243 : memref<32x144xf32, #tpu.memory_space<vmem_shared>>)
      tpu.yield
    }) : () -> ()
    %mul3A_39 = arith.constant 632 : i32
    %mul3A_40 = arith.muli %arg1, %mul3A_39 : i32
    %add3A_41 = arith.constant 256 : i32
    %add3A_42 = arith.addi %mul3A_40, %add3A_41 : i32
    "tpu.region"() ({
      %run_scoped3A = tpu.sem_alloc : memref<!tpu.dma_semaphore, #tpu.memory_space<semaphore_mem>>
      %dma_start3A_237 = arith.constant 0 : i32
      %dma_start3A_238 = tpu.memref_slice %arg23[%add3A_42, %dma_start3A_237] : memref<10112x144xf32, #tpu.memory_space<vmem_shared>> -> memref<32x144xf32, #tpu.memory_space<vmem_shared>>
      %dma_start3A_239 = arith.constant 0 : i32
      %dma_start3A_240 = tpu.memref_slice %arg23[%add3A_42, %dma_start3A_239] : memref<10112x144xf32, #tpu.memory_space<vmem_shared>> -> memref<32x144xf32, #tpu.memory_space<vmem_shared>>
      tpu.enqueue_dma source(%arg20 : memref<32x144xf32, #tpu.memory_space<vmem>>) target(%dma_start3A_240 : memref<32x144xf32, #tpu.memory_space<vmem_shared>>) target_semaphore(%run_scoped3A : memref<!tpu.dma_semaphore, #tpu.memory_space<semaphore_mem>>)
      %dma_wait3A = arith.constant 0 : i32
      %dma_wait3A_241 = tpu.memref_slice %arg23[%add3A_42, %dma_wait3A] : memref<10112x144xf32, #tpu.memory_space<vmem_shared>> -> memref<32x144xf32, #tpu.memory_space<vmem_shared>>
      %dma_wait3A_242 = arith.constant 0 : i32
      %dma_wait3A_243 = tpu.memref_slice %arg23[%add3A_42, %dma_wait3A_242] : memref<10112x144xf32, #tpu.memory_space<vmem_shared>> -> memref<32x144xf32, #tpu.memory_space<vmem_shared>>
      tpu.wait_dma2 semaphore(%run_scoped3A : memref<!tpu.dma_semaphore, #tpu.memory_space<semaphore_mem>>) src(%arg20 : memref<32x144xf32, #tpu.memory_space<vmem>>) dst(%dma_wait3A_243 : memref<32x144xf32, #tpu.memory_space<vmem_shared>>)
      tpu.yield
    }) : () -> ()
    %mul3A_43 = arith.constant 632 : i32
    %mul3A_44 = arith.muli %arg1, %mul3A_43 : i32
    %add3A_45 = arith.constant 288 : i32
    %add3A_46 = arith.addi %mul3A_44, %add3A_45 : i32
    "tpu.region"() ({
      %run_scoped3A = tpu.sem_alloc : memref<!tpu.dma_semaphore, #tpu.memory_space<semaphore_mem>>
      %dma_start3A_237 = arith.constant 0 : i32
      %dma_start3A_238 = tpu.memref_slice %arg23[%add3A_46, %dma_start3A_237] : memref<10112x144xf32, #tpu.memory_space<vmem_shared>> -> memref<32x144xf32, #tpu.memory_space<vmem_shared>>
      %dma_start3A_239 = arith.constant 0 : i32
      %dma_start3A_240 = tpu.memref_slice %arg23[%add3A_46, %dma_start3A_239] : memref<10112x144xf32, #tpu.memory_space<vmem_shared>> -> memref<32x144xf32, #tpu.memory_space<vmem_shared>>
      tpu.enqueue_dma source(%arg20 : memref<32x144xf32, #tpu.memory_space<vmem>>) target(%dma_start3A_240 : memref<32x144xf32, #tpu.memory_space<vmem_shared>>) target_semaphore(%run_scoped3A : memref<!tpu.dma_semaphore, #tpu.memory_space<semaphore_mem>>)
      %dma_wait3A = arith.constant 0 : i32
      %dma_wait3A_241 = tpu.memref_slice %arg23[%add3A_46, %dma_wait3A] : memref<10112x144xf32, #tpu.memory_space<vmem_shared>> -> memref<32x144xf32, #tpu.memory_space<vmem_shared>>
      %dma_wait3A_242 = arith.constant 0 : i32
      %dma_wait3A_243 = tpu.memref_slice %arg23[%add3A_46, %dma_wait3A_242] : memref<10112x144xf32, #tpu.memory_space<vmem_shared>> -> memref<32x144xf32, #tpu.memory_space<vmem_shared>>
      tpu.wait_dma2 semaphore(%run_scoped3A : memref<!tpu.dma_semaphore, #tpu.memory_space<semaphore_mem>>) src(%arg20 : memref<32x144xf32, #tpu.memory_space<vmem>>) dst(%dma_wait3A_243 : memref<32x144xf32, #tpu.memory_space<vmem_shared>>)
      tpu.yield
    }) : () -> ()
    %mul3A_47 = arith.constant 632 : i32
    %mul3A_48 = arith.muli %arg1, %mul3A_47 : i32
    %add3A_49 = arith.constant 320 : i32
    %add3A_50 = arith.addi %mul3A_48, %add3A_49 : i32
    "tpu.region"() ({
      %run_scoped3A = tpu.sem_alloc : memref<!tpu.dma_semaphore, #tpu.memory_space<semaphore_mem>>
      %dma_start3A_237 = arith.constant 0 : i32
      %dma_start3A_238 = tpu.memref_slice %arg23[%add3A_50, %dma_start3A_237] : memref<10112x144xf32, #tpu.memory_space<vmem_shared>> -> memref<32x144xf32, #tpu.memory_space<vmem_shared>>
      %dma_start3A_239 = arith.constant 0 : i32
      %dma_start3A_240 = tpu.memref_slice %arg23[%add3A_50, %dma_start3A_239] : memref<10112x144xf32, #tpu.memory_space<vmem_shared>> -> memref<32x144xf32, #tpu.memory_space<vmem_shared>>
      tpu.enqueue_dma source(%arg20 : memref<32x144xf32, #tpu.memory_space<vmem>>) target(%dma_start3A_240 : memref<32x144xf32, #tpu.memory_space<vmem_shared>>) target_semaphore(%run_scoped3A : memref<!tpu.dma_semaphore, #tpu.memory_space<semaphore_mem>>)
      %dma_wait3A = arith.constant 0 : i32
      %dma_wait3A_241 = tpu.memref_slice %arg23[%add3A_50, %dma_wait3A] : memref<10112x144xf32, #tpu.memory_space<vmem_shared>> -> memref<32x144xf32, #tpu.memory_space<vmem_shared>>
      %dma_wait3A_242 = arith.constant 0 : i32
      %dma_wait3A_243 = tpu.memref_slice %arg23[%add3A_50, %dma_wait3A_242] : memref<10112x144xf32, #tpu.memory_space<vmem_shared>> -> memref<32x144xf32, #tpu.memory_space<vmem_shared>>
      tpu.wait_dma2 semaphore(%run_scoped3A : memref<!tpu.dma_semaphore, #tpu.memory_space<semaphore_mem>>) src(%arg20 : memref<32x144xf32, #tpu.memory_space<vmem>>) dst(%dma_wait3A_243 : memref<32x144xf32, #tpu.memory_space<vmem_shared>>)
      tpu.yield
    }) : () -> ()
    %mul3A_51 = arith.constant 632 : i32
    %mul3A_52 = arith.muli %arg1, %mul3A_51 : i32
    %add3A_53 = arith.constant 352 : i32
    %add3A_54 = arith.addi %mul3A_52, %add3A_53 : i32
    "tpu.region"() ({
      %run_scoped3A = tpu.sem_alloc : memref<!tpu.dma_semaphore, #tpu.memory_space<semaphore_mem>>
      %dma_start3A_237 = arith.constant 0 : i32
      %dma_start3A_238 = tpu.memref_slice %arg23[%add3A_54, %dma_start3A_237] : memref<10112x144xf32, #tpu.memory_space<vmem_shared>> -> memref<32x144xf32, #tpu.memory_space<vmem_shared>>
      %dma_start3A_239 = arith.constant 0 : i32
      %dma_start3A_240 = tpu.memref_slice %arg23[%add3A_54, %dma_start3A_239] : memref<10112x144xf32, #tpu.memory_space<vmem_shared>> -> memref<32x144xf32, #tpu.memory_space<vmem_shared>>
      tpu.enqueue_dma source(%arg20 : memref<32x144xf32, #tpu.memory_space<vmem>>) target(%dma_start3A_240 : memref<32x144xf32, #tpu.memory_space<vmem_shared>>) target_semaphore(%run_scoped3A : memref<!tpu.dma_semaphore, #tpu.memory_space<semaphore_mem>>)
      %dma_wait3A = arith.constant 0 : i32
      %dma_wait3A_241 = tpu.memref_slice %arg23[%add3A_54, %dma_wait3A] : memref<10112x144xf32, #tpu.memory_space<vmem_shared>> -> memref<32x144xf32, #tpu.memory_space<vmem_shared>>
      %dma_wait3A_242 = arith.constant 0 : i32
      %dma_wait3A_243 = tpu.memref_slice %arg23[%add3A_54, %dma_wait3A_242] : memref<10112x144xf32, #tpu.memory_space<vmem_shared>> -> memref<32x144xf32, #tpu.memory_space<vmem_shared>>
      tpu.wait_dma2 semaphore(%run_scoped3A : memref<!tpu.dma_semaphore, #tpu.memory_space<semaphore_mem>>) src(%arg20 : memref<32x144xf32, #tpu.memory_space<vmem>>) dst(%dma_wait3A_243 : memref<32x144xf32, #tpu.memory_space<vmem_shared>>)
      tpu.yield
    }) : () -> ()
    %mul3A_55 = arith.constant 632 : i32
    %mul3A_56 = arith.muli %arg1, %mul3A_55 : i32
    %add3A_57 = arith.constant 384 : i32
    %add3A_58 = arith.addi %mul3A_56, %add3A_57 : i32
    "tpu.region"() ({
      %run_scoped3A = tpu.sem_alloc : memref<!tpu.dma_semaphore, #tpu.memory_space<semaphore_mem>>
      %dma_start3A_237 = arith.constant 0 : i32
      %dma_start3A_238 = tpu.memref_slice %arg23[%add3A_58, %dma_start3A_237] : memref<10112x144xf32, #tpu.memory_space<vmem_shared>> -> memref<32x144xf32, #tpu.memory_space<vmem_shared>>
      %dma_start3A_239 = arith.constant 0 : i32
      %dma_start3A_240 = tpu.memref_slice %arg23[%add3A_58, %dma_start3A_239] : memref<10112x144xf32, #tpu.memory_space<vmem_shared>> -> memref<32x144xf32, #tpu.memory_space<vmem_shared>>
      tpu.enqueue_dma source(%arg20 : memref<32x144xf32, #tpu.memory_space<vmem>>) target(%dma_start3A_240 : memref<32x144xf32, #tpu.memory_space<vmem_shared>>) target_semaphore(%run_scoped3A : memref<!tpu.dma_semaphore, #tpu.memory_space<semaphore_mem>>)
      %dma_wait3A = arith.constant 0 : i32
      %dma_wait3A_241 = tpu.memref_slice %arg23[%add3A_58, %dma_wait3A] : memref<10112x144xf32, #tpu.memory_space<vmem_shared>> -> memref<32x144xf32, #tpu.memory_space<vmem_shared>>
      %dma_wait3A_242 = arith.constant 0 : i32
      %dma_wait3A_243 = tpu.memref_slice %arg23[%add3A_58, %dma_wait3A_242] : memref<10112x144xf32, #tpu.memory_space<vmem_shared>> -> memref<32x144xf32, #tpu.memory_space<vmem_shared>>
      tpu.wait_dma2 semaphore(%run_scoped3A : memref<!tpu.dma_semaphore, #tpu.memory_space<semaphore_mem>>) src(%arg20 : memref<32x144xf32, #tpu.memory_space<vmem>>) dst(%dma_wait3A_243 : memref<32x144xf32, #tpu.memory_space<vmem_shared>>)
      tpu.yield
    }) : () -> ()
    %mul3A_59 = arith.constant 632 : i32
    %mul3A_60 = arith.muli %arg1, %mul3A_59 : i32
    %add3A_61 = arith.constant 416 : i32
    %add3A_62 = arith.addi %mul3A_60, %add3A_61 : i32
    "tpu.region"() ({
      %run_scoped3A = tpu.sem_alloc : memref<!tpu.dma_semaphore, #tpu.memory_space<semaphore_mem>>
      %dma_start3A_237 = arith.constant 0 : i32
      %dma_start3A_238 = tpu.memref_slice %arg23[%add3A_62, %dma_start3A_237] : memref<10112x144xf32, #tpu.memory_space<vmem_shared>> -> memref<32x144xf32, #tpu.memory_space<vmem_shared>>
      %dma_start3A_239 = arith.constant 0 : i32
      %dma_start3A_240 = tpu.memref_slice %arg23[%add3A_62, %dma_start3A_239] : memref<10112x144xf32, #tpu.memory_space<vmem_shared>> -> memref<32x144xf32, #tpu.memory_space<vmem_shared>>
      tpu.enqueue_dma source(%arg20 : memref<32x144xf32, #tpu.memory_space<vmem>>) target(%dma_start3A_240 : memref<32x144xf32, #tpu.memory_space<vmem_shared>>) target_semaphore(%run_scoped3A : memref<!tpu.dma_semaphore, #tpu.memory_space<semaphore_mem>>)
      %dma_wait3A = arith.constant 0 : i32
      %dma_wait3A_241 = tpu.memref_slice %arg23[%add3A_62, %dma_wait3A] : memref<10112x144xf32, #tpu.memory_space<vmem_shared>> -> memref<32x144xf32, #tpu.memory_space<vmem_shared>>
      %dma_wait3A_242 = arith.constant 0 : i32
      %dma_wait3A_243 = tpu.memref_slice %arg23[%add3A_62, %dma_wait3A_242] : memref<10112x144xf32, #tpu.memory_space<vmem_shared>> -> memref<32x144xf32, #tpu.memory_space<vmem_shared>>
      tpu.wait_dma2 semaphore(%run_scoped3A : memref<!tpu.dma_semaphore, #tpu.memory_space<semaphore_mem>>) src(%arg20 : memref<32x144xf32, #tpu.memory_space<vmem>>) dst(%dma_wait3A_243 : memref<32x144xf32, #tpu.memory_space<vmem_shared>>)
      tpu.yield
    }) : () -> ()
    %mul3A_63 = arith.constant 632 : i32
    %mul3A_64 = arith.muli %arg1, %mul3A_63 : i32
    %add3A_65 = arith.constant 448 : i32
    %add3A_66 = arith.addi %mul3A_64, %add3A_65 : i32
    "tpu.region"() ({
      %run_scoped3A = tpu.sem_alloc : memref<!tpu.dma_semaphore, #tpu.memory_space<semaphore_mem>>
      %dma_start3A_237 = arith.constant 0 : i32
      %dma_start3A_238 = tpu.memref_slice %arg23[%add3A_66, %dma_start3A_237] : memref<10112x144xf32, #tpu.memory_space<vmem_shared>> -> memref<32x144xf32, #tpu.memory_space<vmem_shared>>
      %dma_start3A_239 = arith.constant 0 : i32
      %dma_start3A_240 = tpu.memref_slice %arg23[%add3A_66, %dma_start3A_239] : memref<10112x144xf32, #tpu.memory_space<vmem_shared>> -> memref<32x144xf32, #tpu.memory_space<vmem_shared>>
      tpu.enqueue_dma source(%arg20 : memref<32x144xf32, #tpu.memory_space<vmem>>) target(%dma_start3A_240 : memref<32x144xf32, #tpu.memory_space<vmem_shared>>) target_semaphore(%run_scoped3A : memref<!tpu.dma_semaphore, #tpu.memory_space<semaphore_mem>>)
      %dma_wait3A = arith.constant 0 : i32
      %dma_wait3A_241 = tpu.memref_slice %arg23[%add3A_66, %dma_wait3A] : memref<10112x144xf32, #tpu.memory_space<vmem_shared>> -> memref<32x144xf32, #tpu.memory_space<vmem_shared>>
      %dma_wait3A_242 = arith.constant 0 : i32
      %dma_wait3A_243 = tpu.memref_slice %arg23[%add3A_66, %dma_wait3A_242] : memref<10112x144xf32, #tpu.memory_space<vmem_shared>> -> memref<32x144xf32, #tpu.memory_space<vmem_shared>>
      tpu.wait_dma2 semaphore(%run_scoped3A : memref<!tpu.dma_semaphore, #tpu.memory_space<semaphore_mem>>) src(%arg20 : memref<32x144xf32, #tpu.memory_space<vmem>>) dst(%dma_wait3A_243 : memref<32x144xf32, #tpu.memory_space<vmem_shared>>)
      tpu.yield
    }) : () -> ()
    %mul3A_67 = arith.constant 632 : i32
    %mul3A_68 = arith.muli %arg1, %mul3A_67 : i32
    %add3A_69 = arith.constant 480 : i32
    %add3A_70 = arith.addi %mul3A_68, %add3A_69 : i32
    "tpu.region"() ({
      %run_scoped3A = tpu.sem_alloc : memref<!tpu.dma_semaphore, #tpu.memory_space<semaphore_mem>>
      %dma_start3A_237 = arith.constant 0 : i32
      %dma_start3A_238 = tpu.memref_slice %arg23[%add3A_70, %dma_start3A_237] : memref<10112x144xf32, #tpu.memory_space<vmem_shared>> -> memref<32x144xf32, #tpu.memory_space<vmem_shared>>
      %dma_start3A_239 = arith.constant 0 : i32
      %dma_start3A_240 = tpu.memref_slice %arg23[%add3A_70, %dma_start3A_239] : memref<10112x144xf32, #tpu.memory_space<vmem_shared>> -> memref<32x144xf32, #tpu.memory_space<vmem_shared>>
      tpu.enqueue_dma source(%arg20 : memref<32x144xf32, #tpu.memory_space<vmem>>) target(%dma_start3A_240 : memref<32x144xf32, #tpu.memory_space<vmem_shared>>) target_semaphore(%run_scoped3A : memref<!tpu.dma_semaphore, #tpu.memory_space<semaphore_mem>>)
      %dma_wait3A = arith.constant 0 : i32
      %dma_wait3A_241 = tpu.memref_slice %arg23[%add3A_70, %dma_wait3A] : memref<10112x144xf32, #tpu.memory_space<vmem_shared>> -> memref<32x144xf32, #tpu.memory_space<vmem_shared>>
      %dma_wait3A_242 = arith.constant 0 : i32
      %dma_wait3A_243 = tpu.memref_slice %arg23[%add3A_70, %dma_wait3A_242] : memref<10112x144xf32, #tpu.memory_space<vmem_shared>> -> memref<32x144xf32, #tpu.memory_space<vmem_shared>>
      tpu.wait_dma2 semaphore(%run_scoped3A : memref<!tpu.dma_semaphore, #tpu.memory_space<semaphore_mem>>) src(%arg20 : memref<32x144xf32, #tpu.memory_space<vmem>>) dst(%dma_wait3A_243 : memref<32x144xf32, #tpu.memory_space<vmem_shared>>)
      tpu.yield
    }) : () -> ()
    %mul3A_71 = arith.constant 632 : i32
    %mul3A_72 = arith.muli %arg1, %mul3A_71 : i32
    %add3A_73 = arith.constant 512 : i32
    %add3A_74 = arith.addi %mul3A_72, %add3A_73 : i32
    "tpu.region"() ({
      %run_scoped3A = tpu.sem_alloc : memref<!tpu.dma_semaphore, #tpu.memory_space<semaphore_mem>>
      %dma_start3A_237 = arith.constant 0 : i32
      %dma_start3A_238 = tpu.memref_slice %arg23[%add3A_74, %dma_start3A_237] : memref<10112x144xf32, #tpu.memory_space<vmem_shared>> -> memref<32x144xf32, #tpu.memory_space<vmem_shared>>
      %dma_start3A_239 = arith.constant 0 : i32
      %dma_start3A_240 = tpu.memref_slice %arg23[%add3A_74, %dma_start3A_239] : memref<10112x144xf32, #tpu.memory_space<vmem_shared>> -> memref<32x144xf32, #tpu.memory_space<vmem_shared>>
      tpu.enqueue_dma source(%arg20 : memref<32x144xf32, #tpu.memory_space<vmem>>) target(%dma_start3A_240 : memref<32x144xf32, #tpu.memory_space<vmem_shared>>) target_semaphore(%run_scoped3A : memref<!tpu.dma_semaphore, #tpu.memory_space<semaphore_mem>>)
      %dma_wait3A = arith.constant 0 : i32
      %dma_wait3A_241 = tpu.memref_slice %arg23[%add3A_74, %dma_wait3A] : memref<10112x144xf32, #tpu.memory_space<vmem_shared>> -> memref<32x144xf32, #tpu.memory_space<vmem_shared>>
      %dma_wait3A_242 = arith.constant 0 : i32
      %dma_wait3A_243 = tpu.memref_slice %arg23[%add3A_74, %dma_wait3A_242] : memref<10112x144xf32, #tpu.memory_space<vmem_shared>> -> memref<32x144xf32, #tpu.memory_space<vmem_shared>>
      tpu.wait_dma2 semaphore(%run_scoped3A : memref<!tpu.dma_semaphore, #tpu.memory_space<semaphore_mem>>) src(%arg20 : memref<32x144xf32, #tpu.memory_space<vmem>>) dst(%dma_wait3A_243 : memref<32x144xf32, #tpu.memory_space<vmem_shared>>)
      tpu.yield
    }) : () -> ()
    %mul3A_75 = arith.constant 632 : i32
    %mul3A_76 = arith.muli %arg1, %mul3A_75 : i32
    %add3A_77 = arith.constant 544 : i32
    %add3A_78 = arith.addi %mul3A_76, %add3A_77 : i32
    "tpu.region"() ({
      %run_scoped3A = tpu.sem_alloc : memref<!tpu.dma_semaphore, #tpu.memory_space<semaphore_mem>>
      %dma_start3A_237 = arith.constant 0 : i32
      %dma_start3A_238 = tpu.memref_slice %arg23[%add3A_78, %dma_start3A_237] : memref<10112x144xf32, #tpu.memory_space<vmem_shared>> -> memref<32x144xf32, #tpu.memory_space<vmem_shared>>
      %dma_start3A_239 = arith.constant 0 : i32
      %dma_start3A_240 = tpu.memref_slice %arg23[%add3A_78, %dma_start3A_239] : memref<10112x144xf32, #tpu.memory_space<vmem_shared>> -> memref<32x144xf32, #tpu.memory_space<vmem_shared>>
      tpu.enqueue_dma source(%arg20 : memref<32x144xf32, #tpu.memory_space<vmem>>) target(%dma_start3A_240 : memref<32x144xf32, #tpu.memory_space<vmem_shared>>) target_semaphore(%run_scoped3A : memref<!tpu.dma_semaphore, #tpu.memory_space<semaphore_mem>>)
      %dma_wait3A = arith.constant 0 : i32
      %dma_wait3A_241 = tpu.memref_slice %arg23[%add3A_78, %dma_wait3A] : memref<10112x144xf32, #tpu.memory_space<vmem_shared>> -> memref<32x144xf32, #tpu.memory_space<vmem_shared>>
      %dma_wait3A_242 = arith.constant 0 : i32
      %dma_wait3A_243 = tpu.memref_slice %arg23[%add3A_78, %dma_wait3A_242] : memref<10112x144xf32, #tpu.memory_space<vmem_shared>> -> memref<32x144xf32, #tpu.memory_space<vmem_shared>>
      tpu.wait_dma2 semaphore(%run_scoped3A : memref<!tpu.dma_semaphore, #tpu.memory_space<semaphore_mem>>) src(%arg20 : memref<32x144xf32, #tpu.memory_space<vmem>>) dst(%dma_wait3A_243 : memref<32x144xf32, #tpu.memory_space<vmem_shared>>)
      tpu.yield
    }) : () -> ()
    %mul3A_79 = arith.constant 632 : i32
    %mul3A_80 = arith.muli %arg1, %mul3A_79 : i32
    %add3A_81 = arith.constant 576 : i32
    %add3A_82 = arith.addi %mul3A_80, %add3A_81 : i32
    "tpu.region"() ({
      %run_scoped3A = tpu.sem_alloc : memref<!tpu.dma_semaphore, #tpu.memory_space<semaphore_mem>>
      %dma_start3A_237 = arith.constant 0 : i32
      %dma_start3A_238 = tpu.memref_slice %arg23[%add3A_82, %dma_start3A_237] : memref<10112x144xf32, #tpu.memory_space<vmem_shared>> -> memref<32x144xf32, #tpu.memory_space<vmem_shared>>
      %dma_start3A_239 = arith.constant 0 : i32
      %dma_start3A_240 = tpu.memref_slice %arg23[%add3A_82, %dma_start3A_239] : memref<10112x144xf32, #tpu.memory_space<vmem_shared>> -> memref<32x144xf32, #tpu.memory_space<vmem_shared>>
      tpu.enqueue_dma source(%arg20 : memref<32x144xf32, #tpu.memory_space<vmem>>) target(%dma_start3A_240 : memref<32x144xf32, #tpu.memory_space<vmem_shared>>) target_semaphore(%run_scoped3A : memref<!tpu.dma_semaphore, #tpu.memory_space<semaphore_mem>>)
      %dma_wait3A = arith.constant 0 : i32
      %dma_wait3A_241 = tpu.memref_slice %arg23[%add3A_82, %dma_wait3A] : memref<10112x144xf32, #tpu.memory_space<vmem_shared>> -> memref<32x144xf32, #tpu.memory_space<vmem_shared>>
      %dma_wait3A_242 = arith.constant 0 : i32
      %dma_wait3A_243 = tpu.memref_slice %arg23[%add3A_82, %dma_wait3A_242] : memref<10112x144xf32, #tpu.memory_space<vmem_shared>> -> memref<32x144xf32, #tpu.memory_space<vmem_shared>>
      tpu.wait_dma2 semaphore(%run_scoped3A : memref<!tpu.dma_semaphore, #tpu.memory_space<semaphore_mem>>) src(%arg20 : memref<32x144xf32, #tpu.memory_space<vmem>>) dst(%dma_wait3A_243 : memref<32x144xf32, #tpu.memory_space<vmem_shared>>)
      tpu.yield
    }) : () -> ()
    %mul3A_83 = arith.constant 632 : i32
    %mul3A_84 = arith.muli %arg1, %mul3A_83 : i32
    %add3A_85 = arith.constant 608 : i32
    %add3A_86 = arith.addi %mul3A_84, %add3A_85 : i32
    "tpu.region"() ({
      %run_scoped3A = tpu.sem_alloc : memref<!tpu.dma_semaphore, #tpu.memory_space<semaphore_mem>>
      %dma_start3A_237 = arith.constant 0 : i32
      %dma_start3A_238 = arith.constant 0 : i32
      %dma_start3A_239 = tpu.memref_slice %arg20[%dma_start3A_237, %dma_start3A_238] : memref<32x144xf32, #tpu.memory_space<vmem>> -> memref<24x144xf32, #tpu.memory_space<vmem>>
      %dma_start3A_240 = arith.constant 0 : i32
      %dma_start3A_241 = tpu.memref_slice %arg23[%add3A_86, %dma_start3A_240] : memref<10112x144xf32, #tpu.memory_space<vmem_shared>> -> memref<24x144xf32, #tpu.memory_space<vmem_shared>>
      %dma_start3A_242 = arith.constant 0 : i32
      %dma_start3A_243 = tpu.memref_slice %arg23[%add3A_86, %dma_start3A_242] : memref<10112x144xf32, #tpu.memory_space<vmem_shared>> -> memref<24x144xf32, #tpu.memory_space<vmem_shared>>
      %dma_start3A_244 = arith.constant 0 : i32
      %dma_start3A_245 = arith.constant 0 : i32
      %dma_start3A_246 = tpu.memref_slice %arg20[%dma_start3A_244, %dma_start3A_245] : memref<32x144xf32, #tpu.memory_space<vmem>> -> memref<24x144xf32, #tpu.memory_space<vmem>>
      tpu.enqueue_dma source(%dma_start3A_246 : memref<24x144xf32, #tpu.memory_space<vmem>>) target(%dma_start3A_243 : memref<24x144xf32, #tpu.memory_space<vmem_shared>>) target_semaphore(%run_scoped3A : memref<!tpu.dma_semaphore, #tpu.memory_space<semaphore_mem>>)
      %dma_wait3A = arith.constant 0 : i32
      %dma_wait3A_247 = arith.constant 0 : i32
      %dma_wait3A_248 = tpu.memref_slice %arg20[%dma_wait3A, %dma_wait3A_247] : memref<32x144xf32, #tpu.memory_space<vmem>> -> memref<24x144xf32, #tpu.memory_space<vmem>>
      %dma_wait3A_249 = arith.constant 0 : i32
      %dma_wait3A_250 = tpu.memref_slice %arg23[%add3A_86, %dma_wait3A_249] : memref<10112x144xf32, #tpu.memory_space<vmem_shared>> -> memref<24x144xf32, #tpu.memory_space<vmem_shared>>
      %dma_wait3A_251 = arith.constant 0 : i32
      %dma_wait3A_252 = tpu.memref_slice %arg23[%add3A_86, %dma_wait3A_251] : memref<10112x144xf32, #tpu.memory_space<vmem_shared>> -> memref<24x144xf32, #tpu.memory_space<vmem_shared>>
      %dma_wait3A_253 = arith.constant 0 : i32
      %dma_wait3A_254 = arith.constant 0 : i32
      %dma_wait3A_255 = tpu.memref_slice %arg20[%dma_wait3A_253, %dma_wait3A_254] : memref<32x144xf32, #tpu.memory_space<vmem>> -> memref<24x144xf32, #tpu.memory_space<vmem>>
      tpu.wait_dma2 semaphore(%run_scoped3A : memref<!tpu.dma_semaphore, #tpu.memory_space<semaphore_mem>>) src(%dma_wait3A_255 : memref<24x144xf32, #tpu.memory_space<vmem>>) dst(%dma_wait3A_252 : memref<24x144xf32, #tpu.memory_space<vmem_shared>>)
      tpu.yield
    }) : () -> ()
    %get3A = arith.constant 0 : i32
    %get3A_87 = arith.index_cast %get3A : i32 to index
    %get3A_88 = arith.constant 0 : index
    %get3A_89 = tpu.vector_load %arg21[%get3A_87, %get3A_88] {strides = array<i32>} : memref<8x16xf32, #tpu.memory_space<vmem>>, vector<16xf32>,
    %get3A_90 = arith.constant 1 : i32
    %get3A_91 = arith.index_cast %get3A_90 : i32 to index
    %get3A_92 = arith.constant 0 : index
    %get3A_93 = tpu.vector_load %arg21[%get3A_91, %get3A_92] {strides = array<i32>} : memref<8x16xf32, #tpu.memory_space<vmem>>, vector<16xf32>,
    %get3A_94 = arith.constant 2 : i32
    %get3A_95 = arith.index_cast %get3A_94 : i32 to index
    %get3A_96 = arith.constant 0 : index
    %get3A_97 = tpu.vector_load %arg21[%get3A_95, %get3A_96] {strides = array<i32>} : memref<8x16xf32, #tpu.memory_space<vmem>>, vector<16xf32>,
    %get3A_98 = arith.constant 3 : i32
    %get3A_99 = arith.index_cast %get3A_98 : i32 to index
    %get3A_100 = arith.constant 0 : index
    %get3A_101 = tpu.vector_load %arg21[%get3A_99, %get3A_100] {strides = array<i32>} : memref<8x16xf32, #tpu.memory_space<vmem>>, vector<16xf32>,
    %get3A_102 = arith.constant 4 : i32
    %get3A_103 = arith.index_cast %get3A_102 : i32 to index
    %get3A_104 = arith.constant 0 : index
    %get3A_105 = tpu.vector_load %arg21[%get3A_103, %get3A_104] {strides = array<i32>} : memref<8x16xf32, #tpu.memory_space<vmem>>, vector<16xf32>,
    %get3A_106 = arith.constant 5 : i32
    %get3A_107 = arith.index_cast %get3A_106 : i32 to index
    %get3A_108 = arith.constant 0 : index
    %get3A_109 = tpu.vector_load %arg21[%get3A_107, %get3A_108] {strides = array<i32>} : memref<8x16xf32, #tpu.memory_space<vmem>>, vector<16xf32>,
    %get3A_110 = arith.constant 6 : i32
    %get3A_111 = arith.index_cast %get3A_110 : i32 to index
    %get3A_112 = arith.constant 0 : index
    %get3A_113 = tpu.vector_load %arg21[%get3A_111, %get3A_112] {strides = array<i32>} : memref<8x16xf32, #tpu.memory_space<vmem>>, vector<16xf32>,
    %get3A_114 = arith.constant 7 : i32
    %get3A_115 = arith.index_cast %get3A_114 : i32 to index
    %get3A_116 = arith.constant 0 : index
    %get3A_117 = tpu.vector_load %arg21[%get3A_115, %get3A_116] {strides = array<i32>} : memref<8x16xf32, #tpu.memory_space<vmem>>, vector<16xf32>,
    %get3A_118 = arith.constant 0 : i32
    %get3A_119 = arith.index_cast %get3A_118 : i32 to index
    %get3A_120 = arith.constant 0 : index
    %get3A_121 = tpu.vector_load %arg22[%get3A_119, %get3A_120] {strides = array<i32>} : memref<8x16xf32, #tpu.memory_space<vmem>>, vector<16xf32>,
    %get3A_122 = arith.constant 1 : i32
    %get3A_123 = arith.index_cast %get3A_122 : i32 to index
    %get3A_124 = arith.constant 0 : index
    %get3A_125 = tpu.vector_load %arg22[%get3A_123, %get3A_124] {strides = array<i32>} : memref<8x16xf32, #tpu.memory_space<vmem>>, vector<16xf32>,
    %get3A_126 = arith.constant 2 : i32
    %get3A_127 = arith.index_cast %get3A_126 : i32 to index
    %get3A_128 = arith.constant 0 : index
    %get3A_129 = tpu.vector_load %arg22[%get3A_127, %get3A_128] {strides = array<i32>} : memref<8x16xf32, #tpu.memory_space<vmem>>, vector<16xf32>,
    %get3A_130 = arith.constant 3 : i32
    %get3A_131 = arith.index_cast %get3A_130 : i32 to index
    %get3A_132 = arith.constant 0 : index
    %get3A_133 = tpu.vector_load %arg22[%get3A_131, %get3A_132] {strides = array<i32>} : memref<8x16xf32, #tpu.memory_space<vmem>>, vector<16xf32>,
    %get3A_134 = arith.constant 4 : i32
    %get3A_135 = arith.index_cast %get3A_134 : i32 to index
    %get3A_136 = arith.constant 0 : index
    %get3A_137 = tpu.vector_load %arg22[%get3A_135, %get3A_136] {strides = array<i32>} : memref<8x16xf32, #tpu.memory_space<vmem>>, vector<16xf32>,
    %get3A_138 = arith.constant 5 : i32
    %get3A_139 = arith.index_cast %get3A_138 : i32 to index
    %get3A_140 = arith.constant 0 : index
    %get3A_141 = tpu.vector_load %arg22[%get3A_139, %get3A_140] {strides = array<i32>} : memref<8x16xf32, #tpu.memory_space<vmem>>, vector<16xf32>,
    %get3A_142 = arith.constant 6 : i32
    %get3A_143 = arith.index_cast %get3A_142 : i32 to index
    %get3A_144 = arith.constant 0 : index
    %get3A_145 = tpu.vector_load %arg22[%get3A_143, %get3A_144] {strides = array<i32>} : memref<8x16xf32, #tpu.memory_space<vmem>>, vector<16xf32>,
    %get3A_146 = arith.constant 7 : i32
    %get3A_147 = arith.index_cast %get3A_146 : i32 to index
    %get3A_148 = arith.constant 0 : index
    %get3A_149 = tpu.vector_load %arg22[%get3A_147, %get3A_148] {strides = array<i32>} : memref<8x16xf32, #tpu.memory_space<vmem>>, vector<16xf32>,
    %mul3A_150 = arith.constant 632 : i32
    %mul3A_151 = arith.muli %add3A, %mul3A_150 : i32
    %mul3A_152 = arith.constant 10112 : i32
    %mul3A_153 = arith.muli %add3A, %mul3A_152 : i32
    %barrier3A = arith.constant 0 : index
    tpu.barrier barrier_id(%barrier3A)
    "tpu.region"() ({
      %run_scoped3A = tpu.sem_alloc : memref<!tpu.dma_semaphore, #tpu.memory_space<semaphore_mem>>
      %dma_start3A_237 = arith.constant 0 : i32
      %dma_start3A_238 = arith.constant 0 : i32
      %dma_start3A_239 = tpu.memref_slice %arg2[%mul3A_151, %dma_start3A_237, %dma_start3A_238] : memref<20224x2x16xi32, #tpu.memory_space<hbm>> -> memref<1x2x16xi32, #tpu.memory_space<hbm>>
      %dma_start3A_240 = tpu.memref_squeeze %dma_start3A_239 : memref<1x2x16xi32, #tpu.memory_space<hbm>> -> memref<2x16xi32, #tpu.memory_space<hbm>>
      %dma_start3A_241 = arith.constant 0 : i32
      %dma_start3A_242 = arith.constant 0 : i32
      %dma_start3A_243 = tpu.memref_slice %arg2[%mul3A_151, %dma_start3A_241, %dma_start3A_242] : memref<20224x2x16xi32, #tpu.memory_space<hbm>> -> memref<1x2x16xi32, #tpu.memory_space<hbm>>
      %dma_start3A_244 = tpu.memref_squeeze %dma_start3A_243 : memref<1x2x16xi32, #tpu.memory_space<hbm>> -> memref<2x16xi32, #tpu.memory_space<hbm>>
      tpu.enqueue_dma source(%dma_start3A_244 : memref<2x16xi32, #tpu.memory_space<hbm>>) target(%arg12 : memref<2x16xi32, #tpu.memory_space<vmem>>) target_semaphore(%run_scoped3A : memref<!tpu.dma_semaphore, #tpu.memory_space<semaphore_mem>>)
      %dma_wait3A = arith.constant 0 : i32
      %dma_wait3A_245 = arith.constant 0 : i32
      %dma_wait3A_246 = tpu.memref_slice %arg2[%mul3A_151, %dma_wait3A, %dma_wait3A_245] : memref<20224x2x16xi32, #tpu.memory_space<hbm>> -> memref<1x2x16xi32, #tpu.memory_space<hbm>>
      %dma_wait3A_247 = tpu.memref_squeeze %dma_wait3A_246 : memref<1x2x16xi32, #tpu.memory_space<hbm>> -> memref<2x16xi32, #tpu.memory_space<hbm>>
      %dma_wait3A_248 = arith.constant 0 : i32
      %dma_wait3A_249 = arith.constant 0 : i32
      %dma_wait3A_250 = tpu.memref_slice %arg2[%mul3A_151, %dma_wait3A_248, %dma_wait3A_249] : memref<20224x2x16xi32, #tpu.memory_space<hbm>> -> memref<1x2x16xi32, #tpu.memory_space<hbm>>
      %dma_wait3A_251 = tpu.memref_squeeze %dma_wait3A_250 : memref<1x2x16xi32, #tpu.memory_space<hbm>> -> memref<2x16xi32, #tpu.memory_space<hbm>>
      tpu.wait_dma2 semaphore(%run_scoped3A : memref<!tpu.dma_semaphore, #tpu.memory_space<semaphore_mem>>) src(%dma_wait3A_251 : memref<2x16xi32, #tpu.memory_space<hbm>>) dst(%arg12 : memref<2x16xi32, #tpu.memory_space<vmem>>)
      tpu.yield
    }) : () -> ()
    %add3A_154 = arith.constant 1 : i32
    %add3A_155 = arith.addi %mul3A_151, %add3A_154 : i32
    %dma_start3A = arith.constant 0 : i32
    %dma_start3A_156 = arith.constant 0 : i32
    %dma_start3A_157 = tpu.memref_slice %arg2[%add3A_155, %dma_start3A, %dma_start3A_156] : memref<20224x2x16xi32, #tpu.memory_space<hbm>> -> memref<1x2x16xi32, #tpu.memory_space<hbm>>
    %dma_start3A_158 = tpu.memref_squeeze %dma_start3A_157 : memref<1x2x16xi32, #tpu.memory_space<hbm>> -> memref<2x16xi32, #tpu.memory_space<hbm>>
    %dma_start3A_159 = arith.constant 0 : i32
    %dma_start3A_160 = arith.constant 0 : i32
    %dma_start3A_161 = tpu.memref_slice %arg2[%add3A_155, %dma_start3A_159, %dma_start3A_160] : memref<20224x2x16xi32, #tpu.memory_space<hbm>> -> memref<1x2x16xi32, #tpu.memory_space<hbm>>
    %dma_start3A_162 = tpu.memref_squeeze %dma_start3A_161 : memref<1x2x16xi32, #tpu.memory_space<hbm>> -> memref<2x16xi32, #tpu.memory_space<hbm>>
    tpu.enqueue_dma source(%dma_start3A_162 : memref<2x16xi32, #tpu.memory_space<hbm>>) target(%arg13 : memref<2x16xi32, #tpu.memory_space<vmem>>) target_semaphore(%arg25 : memref<!tpu.dma_semaphore, #tpu.memory_space<semaphore_mem>>)
    %add3A_163 = arith.constant 0 : i32
    %add3A_164 = arith.addi %mul3A_153, %add3A_163 : i32
    %dma_start3A_165 = arith.constant 0 : i32
    %dma_start3A_166 = arith.constant 0 : i32
    %dma_start3A_167 = arith.constant 0 : i32
    %dma_start3A_168 = tpu.memref_slice %arg14[%dma_start3A_166, %dma_start3A_167] : memref<32x288xf32, #tpu.memory_space<vmem>> -> memref<16x288xf32, #tpu.memory_space<vmem>>
    %dma_start3A_169 = arith.constant 0 : i32
    %dma_start3A_170 = tpu.memref_slice %arg12[%dma_start3A_165, %dma_start3A_169] : memref<2x16xi32, #tpu.memory_space<vmem>> -> memref<1x16xi32, #tpu.memory_space<vmem>>
    %dma_start3A_171 = tpu.memref_squeeze %dma_start3A_170 : memref<1x16xi32, #tpu.memory_space<vmem>> -> memref<16xi32, #tpu.memory_space<vmem>>
    %dma_start3A_172 = arith.constant 0 : i32
    %dma_start3A_173 = arith.constant 0 : i32
    %dma_start3A_174 = tpu.memref_slice %arg3[%dma_start3A_172, %dma_start3A_173] : memref<10112x288xf32, #tpu.memory_space<hbm>> -> memref<10112x288xf32, #tpu.memory_space<hbm>>
    tpu.enqueue_indirect_dma source(%dma_start3A_174 : memref<10112x288xf32, #tpu.memory_space<hbm>>) target(%dma_start3A_168 : memref<16x288xf32, #tpu.memory_space<vmem>>) offsets(%dma_start3A_171 : memref<16xi32, #tpu.memory_space<vmem>>) semaphore(%arg26 : memref<!tpu.dma_semaphore, #tpu.memory_space<semaphore_mem>>)
    %dma_start3A_175 = arith.constant 1 : i32
    %dma_start3A_176 = arith.constant 0 : i32
    %dma_start3A_177 = arith.constant 0 : i32
    %dma_start3A_178 = tpu.memref_slice %arg15[%dma_start3A_176, %dma_start3A_177] : memref<32x272xf32, #tpu.memory_space<vmem>> -> memref<16x272xf32, #tpu.memory_space<vmem>>
    %dma_start3A_179 = arith.constant 0 : i32
    %dma_start3A_180 = tpu.memref_slice %arg12[%dma_start3A_175, %dma_start3A_179] : memref<2x16xi32, #tpu.memory_space<vmem>> -> memref<1x16xi32, #tpu.memory_space<vmem>>
    %dma_start3A_181 = tpu.memref_squeeze %dma_start3A_180 : memref<1x16xi32, #tpu.memory_space<vmem>> -> memref<16xi32, #tpu.memory_space<vmem>>
    %dma_start3A_182 = arith.constant 0 : i32
    %dma_start3A_183 = arith.constant 0 : i32
    %dma_start3A_184 = tpu.memref_slice %arg4[%dma_start3A_182, %dma_start3A_183] : memref<10112x272xf32, #tpu.memory_space<hbm>> -> memref<10112x272xf32, #tpu.memory_space<hbm>>
    tpu.enqueue_indirect_dma source(%dma_start3A_184 : memref<10112x272xf32, #tpu.memory_space<hbm>>) target(%dma_start3A_178 : memref<16x272xf32, #tpu.memory_space<vmem>>) offsets(%dma_start3A_181 : memref<16xi32, #tpu.memory_space<vmem>>) semaphore(%arg28 : memref<!tpu.dma_semaphore, #tpu.memory_space<semaphore_mem>>)
    %dma_start3A_185 = arith.constant 0 : i32
    %dma_start3A_186 = arith.constant 0 : i32
    %dma_start3A_187 = tpu.memref_slice %arg16[%dma_start3A_185, %dma_start3A_186] : memref<32x128xf32, #tpu.memory_space<vmem>> -> memref<16x128xf32, #tpu.memory_space<vmem>>
    %dma_start3A_188 = arith.constant 0 : i32
    %dma_start3A_189 = tpu.memref_slice %arg5[%add3A_164, %dma_start3A_188] : memref<323584x128xf32, #tpu.memory_space<hbm>> -> memref<16x128xf32, #tpu.memory_space<hbm>>
    %dma_start3A_190 = arith.constant 0 : i32
    %dma_start3A_191 = arith.constant 0 : i32
    %dma_start3A_192 = tpu.memref_slice %arg16[%dma_start3A_190, %dma_start3A_191] : memref<32x128xf32, #tpu.memory_space<vmem>> -> memref<16x128xf32, #tpu.memory_space<vmem>>
    %dma_start3A_193 = arith.constant 0 : i32
    %dma_start3A_194 = tpu.memref_slice %arg5[%add3A_164, %dma_start3A_193] : memref<323584x128xf32, #tpu.memory_space<hbm>> -> memref<16x128xf32, #tpu.memory_space<hbm>>
    tpu.enqueue_dma source(%dma_start3A_194 : memref<16x128xf32, #tpu.memory_space<hbm>>) target(%dma_start3A_192 : memref<16x128xf32, #tpu.memory_space<vmem>>) target_semaphore(%arg30 : memref<!tpu.dma_semaphore, #tpu.memory_space<semaphore_mem>>)
    %dma_start3A_195 = arith.constant 0 : i32
    %dma_start3A_196 = arith.constant 0 : i32
    %dma_start3A_197 = tpu.memref_slice %arg17[%dma_start3A_195, %dma_start3A_196] : memref<32x128xf32, #tpu.memory_space<vmem>> -> memref<16x128xf32, #tpu.memory_space<vmem>>
    %dma_start3A_198 = arith.constant 0 : i32
    %dma_start3A_199 = tpu.memref_slice %arg6[%add3A_164, %dma_start3A_198] : memref<323584x128xf32, #tpu.memory_space<hbm>> -> memref<16x128xf32, #tpu.memory_space<hbm>>
    %dma_start3A_200 = arith.constant 0 : i32
    %dma_start3A_201 = arith.constant 0 : i32
    %dma_start3A_202 = tpu.memref_slice %arg17[%dma_start3A_200, %dma_start3A_201] : memref<32x128xf32, #tpu.memory_space<vmem>> -> memref<16x128xf32, #tpu.memory_space<vmem>>
    %dma_start3A_203 = arith.constant 0 : i32
    %dma_start3A_204 = tpu.memref_slice %arg6[%add3A_164, %dma_start3A_203] : memref<323584x128xf32, #tpu.memory_space<hbm>> -> memref<16x128xf32, #tpu.memory_space<hbm>>
    tpu.enqueue_dma source(%dma_start3A_204 : memref<16x128xf32, #tpu.memory_space<hbm>>) target(%dma_start3A_202 : memref<16x128xf32, #tpu.memory_space<vmem>>) target_semaphore(%arg30 : memref<!tpu.dma_semaphore, #tpu.memory_space<semaphore_mem>>)
    %dma_start3A_205 = arith.constant 0 : i32
    %dma_start3A_206 = arith.constant 0 : i32
    %dma_start3A_207 = tpu.memref_slice %arg18[%dma_start3A_205, %dma_start3A_206] : memref<32x128xf32, #tpu.memory_space<vmem>> -> memref<16x128xf32, #tpu.memory_space<vmem>>
    %dma_start3A_208 = arith.constant 0 : i32
    %dma_start3A_209 = tpu.memref_slice %arg7[%add3A_164, %dma_start3A_208] : memref<323584x128xf32, #tpu.memory_space<hbm>> -> memref<16x128xf32, #tpu.memory_space<hbm>>
    %dma_start3A_210 = arith.constant 0 : i32
    %dma_start3A_211 = arith.constant 0 : i32
    %dma_start3A_212 = tpu.memref_slice %arg18[%dma_start3A_210, %dma_start3A_211] : memref<32x128xf32, #tpu.memory_space<vmem>> -> memref<16x128xf32, #tpu.memory_space<vmem>>
    %dma_start3A_213 = arith.constant 0 : i32
    %dma_start3A_214 = tpu.memref_slice %arg7[%add3A_164, %dma_start3A_213] : memref<323584x128xf32, #tpu.memory_space<hbm>> -> memref<16x128xf32, #tpu.memory_space<hbm>>
    tpu.enqueue_dma source(%dma_start3A_214 : memref<16x128xf32, #tpu.memory_space<hbm>>) target(%dma_start3A_212 : memref<16x128xf32, #tpu.memory_space<vmem>>) target_semaphore(%arg30 : memref<!tpu.dma_semaphore, #tpu.memory_space<semaphore_mem>>)
    %dma_start3A_215 = arith.constant 0 : i32
    %dma_start3A_216 = arith.constant 0 : i32
    %dma_start3A_217 = tpu.memref_slice %arg19[%dma_start3A_215, %dma_start3A_216] : memref<32x16xf32, #tpu.memory_space<vmem>> -> memref<16x16xf32, #tpu.memory_space<vmem>>
    %dma_start3A_218 = arith.constant 0 : i32
    %dma_start3A_219 = tpu.memref_slice %arg8[%add3A_164, %dma_start3A_218] : memref<323584x16xf32, #tpu.memory_space<hbm>> -> memref<16x16xf32, #tpu.memory_space<hbm>>
    %dma_start3A_220 = arith.constant 0 : i32
    %dma_start3A_221 = arith.constant 0 : i32
    %dma_start3A_222 = tpu.memref_slice %arg19[%dma_start3A_220, %dma_start3A_221] : memref<32x16xf32, #tpu.memory_space<vmem>> -> memref<16x16xf32, #tpu.memory_space<vmem>>
    %dma_start3A_223 = arith.constant 0 : i32
    %dma_start3A_224 = tpu.memref_slice %arg8[%add3A_164, %dma_start3A_223] : memref<323584x16xf32, #tpu.memory_space<hbm>> -> memref<16x16xf32, #tpu.memory_space<hbm>>
    tpu.enqueue_dma source(%dma_start3A_224 : memref<16x16xf32, #tpu.memory_space<hbm>>) target(%dma_start3A_222 : memref<16x16xf32, #tpu.memory_space<vmem>>) target_semaphore(%arg30 : memref<!tpu.dma_semaphore, #tpu.memory_space<semaphore_mem>>)
    %scan3A_225 = arith.constant 0 : i32
    %scan3A_226 = arith.constant 0 : i32
    %scan3A_227 = arith.constant 316 : i32
    %scan3A_228 = arith.addi %scan3A_226, %scan3A_227 : i32
    %scan3A_229 = arith.constant 1 : i32
    %scan3A_230 = scf.for %scan3A_237 = %scan3A_226 to %scan3A_228 step %scan3A_229 iter_args(%scan3A_238 = %scan3A_225) -> (i32)  : i32 {
      %mul3A_239 = arith.constant 2 : i32
      %mul3A_240 = arith.muli %mul3A_239, %scan3A_237 : i32
      %add3A_241 = arith.constant 0 : i32
      %add3A_242 = arith.addi %mul3A_240, %add3A_241 : i32
      %add3A_243 = arith.constant 1 : i32
      %add3A_244 = arith.addi %add3A_242, %add3A_243 : i32
      %lt3A = arith.constant 632 : i32
      %lt3A_245 = arith.cmpi slt, %add3A_244, %lt3A : i32
      %convert_element_type3A = arith.extui %lt3A_245 : i1 to i32
      %cond3A = arith.constant 0 : i32
      %cond3A_246 = arith.cmpi ne, %convert_element_type3A, %cond3A : i32
      scf.if %cond3A_246 {
        %dma_wait3A_431 = arith.constant 0 : i32
        %dma_wait3A_432 = arith.constant 0 : i32
        %dma_wait3A_433 = tpu.memref_slice %arg2[%mul3A_151, %dma_wait3A_431, %dma_wait3A_432] : memref<20224x2x16xi32, #tpu.memory_space<hbm>> -> memref<1x2x16xi32, #tpu.memory_space<hbm>>
        %dma_wait3A_434 = tpu.memref_squeeze %dma_wait3A_433 : memref<1x2x16xi32, #tpu.memory_space<hbm>> -> memref<2x16xi32, #tpu.memory_space<hbm>>
        %dma_wait3A_435 = arith.constant 0 : i32
        %dma_wait3A_436 = arith.constant 0 : i32
        %dma_wait3A_437 = tpu.memref_slice %arg2[%mul3A_151, %dma_wait3A_435, %dma_wait3A_436] : memref<20224x2x16xi32, #tpu.memory_space<hbm>> -> memref<1x2x16xi32, #tpu.memory_space<hbm>>
        %dma_wait3A_438 = tpu.memref_squeeze %dma_wait3A_437 : memref<1x2x16xi32, #tpu.memory_space<hbm>> -> memref<2x16xi32, #tpu.memory_space<hbm>>
        tpu.wait_dma2 semaphore(%arg25 : memref<!tpu.dma_semaphore, #tpu.memory_space<semaphore_mem>>) src(%dma_wait3A_438 : memref<2x16xi32, #tpu.memory_space<hbm>>) dst(%arg13 : memref<2x16xi32, #tpu.memory_space<vmem>>)
        %add3A_439 = arith.constant 1 : i32
        %add3A_440 = arith.addi %add3A_242, %add3A_439 : i32
        %mul3A_441 = arith.constant 16 : i32
        %mul3A_442 = arith.muli %add3A_440, %mul3A_441 : i32
        %add3A_443 = arith.addi %mul3A_153, %mul3A_442 : i32
        %dma_start3A_444 = arith.constant 0 : i32
        %dma_start3A_445 = arith.constant 16 : i32
        %dma_start3A_446 = arith.constant 0 : i32
        %dma_start3A_447 = tpu.memref_slice %arg14[%dma_start3A_445, %dma_start3A_446] : memref<32x288xf32, #tpu.memory_space<vmem>> -> memref<16x288xf32, #tpu.memory_space<vmem>>
        %dma_start3A_448 = arith.constant 0 : i32
        %dma_start3A_449 = tpu.memref_slice %arg13[%dma_start3A_444, %dma_start3A_448] : memref<2x16xi32, #tpu.memory_space<vmem>> -> memref<1x16xi32, #tpu.memory_space<vmem>>
        %dma_start3A_450 = tpu.memref_squeeze %dma_start3A_449 : memref<1x16xi32, #tpu.memory_space<vmem>> -> memref<16xi32, #tpu.memory_space<vmem>>
        %dma_start3A_451 = arith.constant 0 : i32
        %dma_start3A_452 = arith.constant 0 : i32
        %dma_start3A_453 = tpu.memref_slice %arg3[%dma_start3A_451, %dma_start3A_452] : memref<10112x288xf32, #tpu.memory_space<hbm>> -> memref<10112x288xf32, #tpu.memory_space<hbm>>
        tpu.enqueue_indirect_dma source(%dma_start3A_453 : memref<10112x288xf32, #tpu.memory_space<hbm>>) target(%dma_start3A_447 : memref<16x288xf32, #tpu.memory_space<vmem>>) offsets(%dma_start3A_450 : memref<16xi32, #tpu.memory_space<vmem>>) semaphore(%arg27 : memref<!tpu.dma_semaphore, #tpu.memory_space<semaphore_mem>>)
        %dma_start3A_454 = arith.constant 1 : i32
        %dma_start3A_455 = arith.constant 16 : i32
        %dma_start3A_456 = arith.constant 0 : i32
        %dma_start3A_457 = tpu.memref_slice %arg15[%dma_start3A_455, %dma_start3A_456] : memref<32x272xf32, #tpu.memory_space<vmem>> -> memref<16x272xf32, #tpu.memory_space<vmem>>
        %dma_start3A_458 = arith.constant 0 : i32
        %dma_start3A_459 = tpu.memref_slice %arg13[%dma_start3A_454, %dma_start3A_458] : memref<2x16xi32, #tpu.memory_space<vmem>> -> memref<1x16xi32, #tpu.memory_space<vmem>>
        %dma_start3A_460 = tpu.memref_squeeze %dma_start3A_459 : memref<1x16xi32, #tpu.memory_space<vmem>> -> memref<16xi32, #tpu.memory_space<vmem>>
        %dma_start3A_461 = arith.constant 0 : i32
        %dma_start3A_462 = arith.constant 0 : i32
        %dma_start3A_463 = tpu.memref_slice %arg4[%dma_start3A_461, %dma_start3A_462] : memref<10112x272xf32, #tpu.memory_space<hbm>> -> memref<10112x272xf32, #tpu.memory_space<hbm>>
        tpu.enqueue_indirect_dma source(%dma_start3A_463 : memref<10112x272xf32, #tpu.memory_space<hbm>>) target(%dma_start3A_457 : memref<16x272xf32, #tpu.memory_space<vmem>>) offsets(%dma_start3A_460 : memref<16xi32, #tpu.memory_space<vmem>>) semaphore(%arg29 : memref<!tpu.dma_semaphore, #tpu.memory_space<semaphore_mem>>)
        %dma_start3A_464 = arith.constant 16 : i32
        %dma_start3A_465 = arith.constant 0 : i32
        %dma_start3A_466 = tpu.memref_slice %arg16[%dma_start3A_464, %dma_start3A_465] : memref<32x128xf32, #tpu.memory_space<vmem>> -> memref<16x128xf32, #tpu.memory_space<vmem>>
        %dma_start3A_467 = arith.constant 0 : i32
        %dma_start3A_468 = tpu.memref_slice %arg5[%add3A_443, %dma_start3A_467] : memref<323584x128xf32, #tpu.memory_space<hbm>> -> memref<16x128xf32, #tpu.memory_space<hbm>>
        %dma_start3A_469 = arith.constant 16 : i32
        %dma_start3A_470 = arith.constant 0 : i32
        %dma_start3A_471 = tpu.memref_slice %arg16[%dma_start3A_469, %dma_start3A_470] : memref<32x128xf32, #tpu.memory_space<vmem>> -> memref<16x128xf32, #tpu.memory_space<vmem>>
        %dma_start3A_472 = arith.constant 0 : i32
        %dma_start3A_473 = tpu.memref_slice %arg5[%add3A_443, %dma_start3A_472] : memref<323584x128xf32, #tpu.memory_space<hbm>> -> memref<16x128xf32, #tpu.memory_space<hbm>>
        tpu.enqueue_dma source(%dma_start3A_473 : memref<16x128xf32, #tpu.memory_space<hbm>>) target(%dma_start3A_471 : memref<16x128xf32, #tpu.memory_space<vmem>>) target_semaphore(%arg31 : memref<!tpu.dma_semaphore, #tpu.memory_space<semaphore_mem>>)
        %dma_start3A_474 = arith.constant 16 : i32
        %dma_start3A_475 = arith.constant 0 : i32
        %dma_start3A_476 = tpu.memref_slice %arg17[%dma_start3A_474, %dma_start3A_475] : memref<32x128xf32, #tpu.memory_space<vmem>> -> memref<16x128xf32, #tpu.memory_space<vmem>>
        %dma_start3A_477 = arith.constant 0 : i32
        %dma_start3A_478 = tpu.memref_slice %arg6[%add3A_443, %dma_start3A_477] : memref<323584x128xf32, #tpu.memory_space<hbm>> -> memref<16x128xf32, #tpu.memory_space<hbm>>
        %dma_start3A_479 = arith.constant 16 : i32
        %dma_start3A_480 = arith.constant 0 : i32
        %dma_start3A_481 = tpu.memref_slice %arg17[%dma_start3A_479, %dma_start3A_480] : memref<32x128xf32, #tpu.memory_space<vmem>> -> memref<16x128xf32, #tpu.memory_space<vmem>>
        %dma_start3A_482 = arith.constant 0 : i32
        %dma_start3A_483 = tpu.memref_slice %arg6[%add3A_443, %dma_start3A_482] : memref<323584x128xf32, #tpu.memory_space<hbm>> -> memref<16x128xf32, #tpu.memory_space<hbm>>
        tpu.enqueue_dma source(%dma_start3A_483 : memref<16x128xf32, #tpu.memory_space<hbm>>) target(%dma_start3A_481 : memref<16x128xf32, #tpu.memory_space<vmem>>) target_semaphore(%arg31 : memref<!tpu.dma_semaphore, #tpu.memory_space<semaphore_mem>>)
        %dma_start3A_484 = arith.constant 16 : i32
        %dma_start3A_485 = arith.constant 0 : i32
        %dma_start3A_486 = tpu.memref_slice %arg18[%dma_start3A_484, %dma_start3A_485] : memref<32x128xf32, #tpu.memory_space<vmem>> -> memref<16x128xf32, #tpu.memory_space<vmem>>
        %dma_start3A_487 = arith.constant 0 : i32
        %dma_start3A_488 = tpu.memref_slice %arg7[%add3A_443, %dma_start3A_487] : memref<323584x128xf32, #tpu.memory_space<hbm>> -> memref<16x128xf32, #tpu.memory_space<hbm>>
        %dma_start3A_489 = arith.constant 16 : i32
        %dma_start3A_490 = arith.constant 0 : i32
        %dma_start3A_491 = tpu.memref_slice %arg18[%dma_start3A_489, %dma_start3A_490] : memref<32x128xf32, #tpu.memory_space<vmem>> -> memref<16x128xf32, #tpu.memory_space<vmem>>
        %dma_start3A_492 = arith.constant 0 : i32
        %dma_start3A_493 = tpu.memref_slice %arg7[%add3A_443, %dma_start3A_492] : memref<323584x128xf32, #tpu.memory_space<hbm>> -> memref<16x128xf32, #tpu.memory_space<hbm>>
        tpu.enqueue_dma source(%dma_start3A_493 : memref<16x128xf32, #tpu.memory_space<hbm>>) target(%dma_start3A_491 : memref<16x128xf32, #tpu.memory_space<vmem>>) target_semaphore(%arg31 : memref<!tpu.dma_semaphore, #tpu.memory_space<semaphore_mem>>)
        %dma_start3A_494 = arith.constant 16 : i32
        %dma_start3A_495 = arith.constant 0 : i32
        %dma_start3A_496 = tpu.memref_slice %arg19[%dma_start3A_494, %dma_start3A_495] : memref<32x16xf32, #tpu.memory_space<vmem>> -> memref<16x16xf32, #tpu.memory_space<vmem>>
        %dma_start3A_497 = arith.constant 0 : i32
        %dma_start3A_498 = tpu.memref_slice %arg8[%add3A_443, %dma_start3A_497] : memref<323584x16xf32, #tpu.memory_space<hbm>> -> memref<16x16xf32, #tpu.memory_space<hbm>>
        %dma_start3A_499 = arith.constant 16 : i32
        %dma_start3A_500 = arith.constant 0 : i32
        %dma_start3A_501 = tpu.memref_slice %arg19[%dma_start3A_499, %dma_start3A_500] : memref<32x16xf32, #tpu.memory_space<vmem>> -> memref<16x16xf32, #tpu.memory_space<vmem>>
        %dma_start3A_502 = arith.constant 0 : i32
        %dma_start3A_503 = tpu.memref_slice %arg8[%add3A_443, %dma_start3A_502] : memref<323584x16xf32, #tpu.memory_space<hbm>> -> memref<16x16xf32, #tpu.memory_space<hbm>>
        tpu.enqueue_dma source(%dma_start3A_503 : memref<16x16xf32, #tpu.memory_space<hbm>>) target(%dma_start3A_501 : memref<16x16xf32, #tpu.memory_space<vmem>>) target_semaphore(%arg31 : memref<!tpu.dma_semaphore, #tpu.memory_space<semaphore_mem>>)
      } else {
      }
      %dma_wait3A = arith.constant 0 : i32
      %dma_wait3A_247 = arith.constant 0 : i32
      %dma_wait3A_248 = tpu.memref_slice %arg14[%dma_wait3A, %dma_wait3A_247] : memref<32x288xf32, #tpu.memory_space<vmem>> -> memref<16x288xf32, #tpu.memory_space<vmem>>
      %dma_wait3A_249 = arith.constant 0 : i32
      %dma_wait3A_250 = arith.constant 0 : i32
      %dma_wait3A_251 = tpu.memref_slice %arg3[%dma_wait3A_249, %dma_wait3A_250] : memref<10112x288xf32, #tpu.memory_space<hbm>> -> memref<16x288xf32, #tpu.memory_space<hbm>>
      %dma_wait3A_252 = arith.constant 0 : i32
      %dma_wait3A_253 = arith.constant 0 : i32
      %dma_wait3A_254 = tpu.memref_slice %arg14[%dma_wait3A_252, %dma_wait3A_253] : memref<32x288xf32, #tpu.memory_space<vmem>> -> memref<16x288xf32, #tpu.memory_space<vmem>>
      %dma_wait3A_255 = arith.constant 0 : i32
      %dma_wait3A_256 = arith.constant 0 : i32
      %dma_wait3A_257 = tpu.memref_slice %arg3[%dma_wait3A_255, %dma_wait3A_256] : memref<10112x288xf32, #tpu.memory_space<hbm>> -> memref<16x288xf32, #tpu.memory_space<hbm>>
      tpu.wait_dma2 semaphore(%arg26 : memref<!tpu.dma_semaphore, #tpu.memory_space<semaphore_mem>>) src(%dma_wait3A_257 : memref<16x288xf32, #tpu.memory_space<hbm>>) dst(%dma_wait3A_254 : memref<16x288xf32, #tpu.memory_space<vmem>>)
      %dma_wait3A_258 = arith.constant 0 : i32
      %dma_wait3A_259 = arith.constant 0 : i32
      %dma_wait3A_260 = tpu.memref_slice %arg15[%dma_wait3A_258, %dma_wait3A_259] : memref<32x272xf32, #tpu.memory_space<vmem>> -> memref<16x272xf32, #tpu.memory_space<vmem>>
      %dma_wait3A_261 = arith.constant 0 : i32
      %dma_wait3A_262 = arith.constant 0 : i32
      %dma_wait3A_263 = tpu.memref_slice %arg4[%dma_wait3A_261, %dma_wait3A_262] : memref<10112x272xf32, #tpu.memory_space<hbm>> -> memref<16x272xf32, #tpu.memory_space<hbm>>
      %dma_wait3A_264 = arith.constant 0 : i32
      %dma_wait3A_265 = arith.constant 0 : i32
      %dma_wait3A_266 = tpu.memref_slice %arg15[%dma_wait3A_264, %dma_wait3A_265] : memref<32x272xf32, #tpu.memory_space<vmem>> -> memref<16x272xf32, #tpu.memory_space<vmem>>
      %dma_wait3A_267 = arith.constant 0 : i32
      %dma_wait3A_268 = arith.constant 0 : i32
      %dma_wait3A_269 = tpu.memref_slice %arg4[%dma_wait3A_267, %dma_wait3A_268] : memref<10112x272xf32, #tpu.memory_space<hbm>> -> memref<16x272xf32, #tpu.memory_space<hbm>>
      tpu.wait_dma2 semaphore(%arg28 : memref<!tpu.dma_semaphore, #tpu.memory_space<semaphore_mem>>) src(%dma_wait3A_269 : memref<16x272xf32, #tpu.memory_space<hbm>>) dst(%dma_wait3A_266 : memref<16x272xf32, #tpu.memory_space<vmem>>)
      %dma_wait3A_270 = arith.constant 0 : i32
      %dma_wait3A_271 = arith.constant 0 : i32
      %dma_wait3A_272 = tpu.memref_slice %arg16[%dma_wait3A_270, %dma_wait3A_271] : memref<32x128xf32, #tpu.memory_space<vmem>> -> memref<16x128xf32, #tpu.memory_space<vmem>>
      %dma_wait3A_273 = arith.constant 0 : i32
      %dma_wait3A_274 = arith.constant 0 : i32
      %dma_wait3A_275 = tpu.memref_slice %arg5[%dma_wait3A_273, %dma_wait3A_274] : memref<323584x128xf32, #tpu.memory_space<hbm>> -> memref<16x128xf32, #tpu.memory_space<hbm>>
      %dma_wait3A_276 = arith.constant 0 : i32
      %dma_wait3A_277 = arith.constant 0 : i32
      %dma_wait3A_278 = tpu.memref_slice %arg16[%dma_wait3A_276, %dma_wait3A_277] : memref<32x128xf32, #tpu.memory_space<vmem>> -> memref<16x128xf32, #tpu.memory_space<vmem>>
      %dma_wait3A_279 = arith.constant 0 : i32
      %dma_wait3A_280 = arith.constant 0 : i32
      %dma_wait3A_281 = tpu.memref_slice %arg5[%dma_wait3A_279, %dma_wait3A_280] : memref<323584x128xf32, #tpu.memory_space<hbm>> -> memref<16x128xf32, #tpu.memory_space<hbm>>
      tpu.wait_dma2 semaphore(%arg30 : memref<!tpu.dma_semaphore, #tpu.memory_space<semaphore_mem>>) src(%dma_wait3A_281 : memref<16x128xf32, #tpu.memory_space<hbm>>) dst(%dma_wait3A_278 : memref<16x128xf32, #tpu.memory_space<vmem>>)
      %dma_wait3A_282 = arith.constant 0 : i32
      %dma_wait3A_283 = arith.constant 0 : i32
      %dma_wait3A_284 = tpu.memref_slice %arg17[%dma_wait3A_282, %dma_wait3A_283] : memref<32x128xf32, #tpu.memory_space<vmem>> -> memref<16x128xf32, #tpu.memory_space<vmem>>
      %dma_wait3A_285 = arith.constant 0 : i32
      %dma_wait3A_286 = arith.constant 0 : i32
      %dma_wait3A_287 = tpu.memref_slice %arg6[%dma_wait3A_285, %dma_wait3A_286] : memref<323584x128xf32, #tpu.memory_space<hbm>> -> memref<16x128xf32, #tpu.memory_space<hbm>>
      %dma_wait3A_288 = arith.constant 0 : i32
      %dma_wait3A_289 = arith.constant 0 : i32
      %dma_wait3A_290 = tpu.memref_slice %arg17[%dma_wait3A_288, %dma_wait3A_289] : memref<32x128xf32, #tpu.memory_space<vmem>> -> memref<16x128xf32, #tpu.memory_space<vmem>>
      %dma_wait3A_291 = arith.constant 0 : i32
      %dma_wait3A_292 = arith.constant 0 : i32
      %dma_wait3A_293 = tpu.memref_slice %arg6[%dma_wait3A_291, %dma_wait3A_292] : memref<323584x128xf32, #tpu.memory_space<hbm>> -> memref<16x128xf32, #tpu.memory_space<hbm>>
      tpu.wait_dma2 semaphore(%arg30 : memref<!tpu.dma_semaphore, #tpu.memory_space<semaphore_mem>>) src(%dma_wait3A_293 : memref<16x128xf32, #tpu.memory_space<hbm>>) dst(%dma_wait3A_290 : memref<16x128xf32, #tpu.memory_space<vmem>>)
      %dma_wait3A_294 = arith.constant 0 : i32
      %dma_wait3A_295 = arith.constant 0 : i32
      %dma_wait3A_296 = tpu.memref_slice %arg18[%dma_wait3A_294, %dma_wait3A_295] : memref<32x128xf32, #tpu.memory_space<vmem>> -> memref<16x128xf32, #tpu.memory_space<vmem>>
      %dma_wait3A_297 = arith.constant 0 : i32
      %dma_wait3A_298 = arith.constant 0 : i32
      %dma_wait3A_299 = tpu.memref_slice %arg7[%dma_wait3A_297, %dma_wait3A_298] : memref<323584x128xf32, #tpu.memory_space<hbm>> -> memref<16x128xf32, #tpu.memory_space<hbm>>
      %dma_wait3A_300 = arith.constant 0 : i32
      %dma_wait3A_301 = arith.constant 0 : i32
      %dma_wait3A_302 = tpu.memref_slice %arg18[%dma_wait3A_300, %dma_wait3A_301] : memref<32x128xf32, #tpu.memory_space<vmem>> -> memref<16x128xf32, #tpu.memory_space<vmem>>
      %dma_wait3A_303 = arith.constant 0 : i32
      %dma_wait3A_304 = arith.constant 0 : i32
      %dma_wait3A_305 = tpu.memref_slice %arg7[%dma_wait3A_303, %dma_wait3A_304] : memref<323584x128xf32, #tpu.memory_space<hbm>> -> memref<16x128xf32, #tpu.memory_space<hbm>>
      tpu.wait_dma2 semaphore(%arg30 : memref<!tpu.dma_semaphore, #tpu.memory_space<semaphore_mem>>) src(%dma_wait3A_305 : memref<16x128xf32, #tpu.memory_space<hbm>>) dst(%dma_wait3A_302 : memref<16x128xf32, #tpu.memory_space<vmem>>)
      %dma_wait3A_306 = arith.constant 0 : i32
      %dma_wait3A_307 = arith.constant 0 : i32
      %dma_wait3A_308 = tpu.memref_slice %arg19[%dma_wait3A_306, %dma_wait3A_307] : memref<32x16xf32, #tpu.memory_space<vmem>> -> memref<16x16xf32, #tpu.memory_space<vmem>>
      %dma_wait3A_309 = arith.constant 0 : i32
      %dma_wait3A_310 = arith.constant 0 : i32
      %dma_wait3A_311 = tpu.memref_slice %arg8[%dma_wait3A_309, %dma_wait3A_310] : memref<323584x16xf32, #tpu.memory_space<hbm>> -> memref<16x16xf32, #tpu.memory_space<hbm>>
      %dma_wait3A_312 = arith.constant 0 : i32
      %dma_wait3A_313 = arith.constant 0 : i32
      %dma_wait3A_314 = tpu.memref_slice %arg19[%dma_wait3A_312, %dma_wait3A_313] : memref<32x16xf32, #tpu.memory_space<vmem>> -> memref<16x16xf32, #tpu.memory_space<vmem>>
      %dma_wait3A_315 = arith.constant 0 : i32
      %dma_wait3A_316 = arith.constant 0 : i32
      %dma_wait3A_317 = tpu.memref_slice %arg8[%dma_wait3A_315, %dma_wait3A_316] : memref<323584x16xf32, #tpu.memory_space<hbm>> -> memref<16x16xf32, #tpu.memory_space<hbm>>
      tpu.wait_dma2 semaphore(%arg30 : memref<!tpu.dma_semaphore, #tpu.memory_space<semaphore_mem>>) src(%dma_wait3A_317 : memref<16x16xf32, #tpu.memory_space<hbm>>) dst(%dma_wait3A_314 : memref<16x16xf32, #tpu.memory_space<vmem>>)
      %scan3A_318 = arith.constant 0 : i32
      %scan3A_319 = arith.constant 0 : i32
      %scan3A_320 = arith.constant 16 : i32
      %scan3A_321 = arith.addi %scan3A_319, %scan3A_320 : i32
      %scan3A_322 = arith.constant 1 : i32
      %scan3A_323 = scf.for %scan3A_431 = %scan3A_319 to %scan3A_321 step %scan3A_322 iter_args(%scan3A_432 = %scan3A_318) -> (i32)  : i32 {
        %add3A_433 = arith.constant 0 : i32
        %add3A_434 = arith.addi %add3A_433, %scan3A_431 : i32
        %get3A_435 = arith.index_cast %add3A_434 : i32 to index
        %get3A_436 = arith.constant 272 : index
        %get3A_437 = tpu.vector_load %arg14[%get3A_435, %get3A_436] {strides = array<i32>} : memref<32x288xf32, #tpu.memory_space<vmem>>, vector<16xf32>,
        %get3A_438 = arith.index_cast %add3A_434 : i32 to index
        %get3A_439 = arith.constant 256 : index
        %get3A_440 = tpu.vector_load %arg15[%get3A_438, %get3A_439] {strides = array<i32>} : memref<32x272xf32, #tpu.memory_space<vmem>>, vector<16xf32>,
        %get3A_441 = arith.index_cast %add3A_434 : i32 to index
        %get3A_442 = arith.constant 0 : index
        %get3A_443 = tpu.vector_load %arg19[%get3A_441, %get3A_442] {strides = array<i32>} : memref<32x16xf32, #tpu.memory_space<vmem>>, vector<16xf32>,
        %slice3A = vector.extract_strided_slice %get3A_443 {offsets = [0], sizes = [1], strides = [1]} : vector<16xf32> to vector<1xf32>
        %squeeze3A = vector.extract %slice3A[0] : f32 from vector<1xf32>
        %slice3A_444 = vector.extract_strided_slice %get3A_437 {offsets = [8], sizes = [1], strides = [1]} : vector<16xf32> to vector<1xf32>
        %squeeze3A_445 = vector.extract %slice3A_444[0] : f32 from vector<1xf32>
        %add3A_446 = arith.addf %squeeze3A, %squeeze3A_445 : f32
        %slice3A_447 = vector.extract_strided_slice %get3A_440 {offsets = [0], sizes = [1], strides = [1]} : vector<16xf32> to vector<1xf32>
        %squeeze3A_448 = vector.extract %slice3A_447[0] : f32 from vector<1xf32>
        %add3A_449 = arith.addf %add3A_446, %squeeze3A_448 : f32
        %mul3A_450 = arith.constant 0.0036764706 : f32
        %mul3A_451 = arith.mulf %add3A_449, %mul3A_450 : f32
        %broadcast_in_dim3A = vector.broadcast %mul3A_451 : f32 to vector<16xf32>
        %slice3A_452 = vector.extract_strided_slice %get3A_443 {offsets = [1], sizes = [1], strides = [1]} : vector<16xf32> to vector<1xf32>
        %squeeze3A_453 = vector.extract %slice3A_452[0] : f32 from vector<1xf32>
        %slice3A_454 = vector.extract_strided_slice %get3A_437 {offsets = [9], sizes = [1], strides = [1]} : vector<16xf32> to vector<1xf32>
        %squeeze3A_455 = vector.extract %slice3A_454[0] : f32 from vector<1xf32>
        %add3A_456 = arith.addf %squeeze3A_453, %squeeze3A_455 : f32
        %slice3A_457 = vector.extract_strided_slice %get3A_440 {offsets = [1], sizes = [1], strides = [1]} : vector<16xf32> to vector<1xf32>
        %squeeze3A_458 = vector.extract %slice3A_457[0] : f32 from vector<1xf32>
        %add3A_459 = arith.addf %add3A_456, %squeeze3A_458 : f32
        %mul3A_460 = arith.constant 0.0036764706 : f32
        %mul3A_461 = arith.mulf %add3A_459, %mul3A_460 : f32
        %broadcast_in_dim3A_462 = vector.broadcast %mul3A_461 : f32 to vector<16xf32>
        %mul3A_463 = arith.mulf %broadcast_in_dim3A, %broadcast_in_dim3A : vector<16xf32>
        %sub3A = arith.subf %broadcast_in_dim3A_462, %mul3A_463 : vector<16xf32>
        %add3A_464 = arith.constant 9.99999974E-6 : f32
        %add3A_465 = vector.broadcast %add3A_464 : f32 to vector<16xf32>
        %add3A_466 = arith.addf %sub3A, %add3A_465 : vector<16xf32>
        %bitcast_convert_type3A = tpu.bitcast %add3A_466 : vector<16xf32> -> vector<16xi32>
        %shift_right_arithmetic3A = arith.constant 1 : i32
        %shift_right_arithmetic3A_467 = vector.broadcast %shift_right_arithmetic3A : i32 to vector<16xi32>
        %shift_right_arithmetic3A_468 = arith.shrsi %bitcast_convert_type3A, %shift_right_arithmetic3A_467 : vector<16xi32>
        %sub3A_469 = arith.constant 1597463007 : i32
        %sub3A_470 = vector.broadcast %sub3A_469 : i32 to vector<16xi32>
        %sub3A_471 = arith.subi %sub3A_470, %shift_right_arithmetic3A_468 : vector<16xi32>
        %bitcast_convert_type3A_472 = tpu.bitcast %sub3A_471 : vector<16xi32> -> vector<16xf32>
        %mul3A_473 = arith.constant 5.000000e-01 : f32
        %mul3A_474 = vector.broadcast %mul3A_473 : f32 to vector<16xf32>
        %mul3A_475 = arith.mulf %mul3A_474, %add3A_466 : vector<16xf32>
        %mul3A_476 = arith.mulf %mul3A_475, %bitcast_convert_type3A_472 : vector<16xf32>
        %mul3A_477 = arith.mulf %mul3A_476, %bitcast_convert_type3A_472 : vector<16xf32>
        %sub3A_478 = arith.constant 1.500000e+00 : f32
        %sub3A_479 = vector.broadcast %sub3A_478 : f32 to vector<16xf32>
        %sub3A_480 = arith.subf %sub3A_479, %mul3A_477 : vector<16xf32>
        %mul3A_481 = arith.mulf %bitcast_convert_type3A_472, %sub3A_480 : vector<16xf32>
        %mul3A_482 = arith.constant 5.000000e-01 : f32
        %mul3A_483 = vector.broadcast %mul3A_482 : f32 to vector<16xf32>
        %mul3A_484 = arith.mulf %mul3A_483, %add3A_466 : vector<16xf32>
        %mul3A_485 = arith.mulf %mul3A_484, %mul3A_481 : vector<16xf32>
        %mul3A_486 = arith.mulf %mul3A_485, %mul3A_481 : vector<16xf32>
        %sub3A_487 = arith.constant 1.500000e+00 : f32
        %sub3A_488 = vector.broadcast %sub3A_487 : f32 to vector<16xf32>
        %sub3A_489 = arith.subf %sub3A_488, %mul3A_486 : vector<16xf32>
        %mul3A_490 = arith.mulf %mul3A_481, %sub3A_489 : vector<16xf32>
        %mul3A_491 = arith.constant 5.000000e-01 : f32
        %mul3A_492 = vector.broadcast %mul3A_491 : f32 to vector<16xf32>
        %mul3A_493 = arith.mulf %mul3A_492, %add3A_466 : vector<16xf32>
        %mul3A_494 = arith.mulf %mul3A_493, %mul3A_490 : vector<16xf32>
        %mul3A_495 = arith.mulf %mul3A_494, %mul3A_490 : vector<16xf32>
        %sub3A_496 = arith.constant 1.500000e+00 : f32
        %sub3A_497 = vector.broadcast %sub3A_496 : f32 to vector<16xf32>
        %sub3A_498 = arith.subf %sub3A_497, %mul3A_495 : vector<16xf32>
        %mul3A_499 = arith.mulf %mul3A_490, %sub3A_498 : vector<16xf32>
        %broadcast_in_dim3A_500 = arith.constant 0.000000e+00 : f32
        %broadcast_in_dim3A_501 = vector.broadcast %broadcast_in_dim3A_500 : f32 to vector<16xf32>
        %get3A_502 = arith.index_cast %add3A_434 : i32 to index
        %get3A_503 = arith.constant 0 : index
        %get3A_504 = tpu.vector_load %arg14[%get3A_502, %get3A_503] {strides = array<i32>} : memref<32x288xf32, #tpu.memory_space<vmem>>, vector<16xf32>,
        %get3A_505 = arith.index_cast %add3A_434 : i32 to index
        %get3A_506 = arith.constant 0 : index
        %get3A_507 = tpu.vector_load %arg16[%get3A_505, %get3A_506] {strides = array<i32>} : memref<32x128xf32, #tpu.memory_space<vmem>>, vector<16xf32>,
        %get3A_508 = arith.index_cast %add3A_434 : i32 to index
        %get3A_509 = arith.constant 0 : index
        %get3A_510 = tpu.vector_load %arg15[%get3A_508, %get3A_509] {strides = array<i32>} : memref<32x272xf32, #tpu.memory_space<vmem>>, vector<16xf32>,
        %add3A_511 = arith.addf %get3A_507, %get3A_510 : vector<16xf32>
        %mul3A_512 = arith.mulf %get3A_504, %add3A_511 : vector<16xf32>
        %reduce_sum3A = arith.constant true
        %reduce_sum3A_513 = vector.broadcast %reduce_sum3A : i1 to vector<16xi1>
        %reduce_sum3A_514 = tpu.scan <sum>, %mul3A_512 masked %reduce_sum3A_513 : vector<16xf32>, vector<16xi1> -> vector<16xf32>
        %reduce_sum3A_515 = vector.extract %reduce_sum3A_514[15] : f32 from vector<16xf32>
        %eq3A = arith.constant 0 : i32
        %eq3A_516 = vector.broadcast %eq3A : i32 to vector<16xi32>
        %eq3A_517 = arith.cmpi eq, %iota3A, %eq3A_516 : vector<16xi32>
        %broadcast_in_dim3A_518 = vector.broadcast %reduce_sum3A_515 : f32 to vector<16xf32>
        %select_n3A = arith.select %eq3A_517, %broadcast_in_dim3A_518, %broadcast_in_dim3A_501 : vector<16xi1>, vector<16xf32>
        %get3A_519 = arith.index_cast %add3A_434 : i32 to index
        %get3A_520 = arith.constant 16 : index
        %get3A_521 = tpu.vector_load %arg14[%get3A_519, %get3A_520] {strides = array<i32>} : memref<32x288xf32, #tpu.memory_space<vmem>>, vector<16xf32>,
        %get3A_522 = arith.index_cast %add3A_434 : i32 to index
        %get3A_523 = arith.constant 16 : index
        %get3A_524 = tpu.vector_load %arg16[%get3A_522, %get3A_523] {strides = array<i32>} : memref<32x128xf32, #tpu.memory_space<vmem>>, vector<16xf32>,
        %get3A_525 = arith.index_cast %add3A_434 : i32 to index
        %get3A_526 = arith.constant 16 : index
        %get3A_527 = tpu.vector_load %arg15[%get3A_525, %get3A_526] {strides = array<i32>} : memref<32x272xf32, #tpu.memory_space<vmem>>, vector<16xf32>,
        %add3A_528 = arith.addf %get3A_524, %get3A_527 : vector<16xf32>
        %mul3A_529 = arith.mulf %get3A_521, %add3A_528 : vector<16xf32>
        %reduce_sum3A_530 = arith.constant true
        %reduce_sum3A_531 = vector.broadcast %reduce_sum3A_530 : i1 to vector<16xi1>
        %reduce_sum3A_532 = tpu.scan <sum>, %mul3A_529 masked %reduce_sum3A_531 : vector<16xf32>, vector<16xi1> -> vector<16xf32>
        %reduce_sum3A_533 = vector.extract %reduce_sum3A_532[15] : f32 from vector<16xf32>
        %eq3A_534 = arith.constant 1 : i32
        %eq3A_535 = vector.broadcast %eq3A_534 : i32 to vector<16xi32>
        %eq3A_536 = arith.cmpi eq, %iota3A, %eq3A_535 : vector<16xi32>
        %broadcast_in_dim3A_537 = vector.broadcast %reduce_sum3A_533 : f32 to vector<16xf32>
        %select_n3A_538 = arith.select %eq3A_536, %broadcast_in_dim3A_537, %select_n3A : vector<16xi1>, vector<16xf32>
        %get3A_539 = arith.index_cast %add3A_434 : i32 to index
        %get3A_540 = arith.constant 32 : index
        %get3A_541 = tpu.vector_load %arg14[%get3A_539, %get3A_540] {strides = array<i32>} : memref<32x288xf32, #tpu.memory_space<vmem>>, vector<16xf32>,
        %get3A_542 = arith.index_cast %add3A_434 : i32 to index
        %get3A_543 = arith.constant 32 : index
        %get3A_544 = tpu.vector_load %arg16[%get3A_542, %get3A_543] {strides = array<i32>} : memref<32x128xf32, #tpu.memory_space<vmem>>, vector<16xf32>,
        %get3A_545 = arith.index_cast %add3A_434 : i32 to index
        %get3A_546 = arith.constant 32 : index
        %get3A_547 = tpu.vector_load %arg15[%get3A_545, %get3A_546] {strides = array<i32>} : memref<32x272xf32, #tpu.memory_space<vmem>>, vector<16xf32>,
        %add3A_548 = arith.addf %get3A_544, %get3A_547 : vector<16xf32>
        %mul3A_549 = arith.mulf %get3A_541, %add3A_548 : vector<16xf32>
        %reduce_sum3A_550 = arith.constant true
        %reduce_sum3A_551 = vector.broadcast %reduce_sum3A_550 : i1 to vector<16xi1>
        %reduce_sum3A_552 = tpu.scan <sum>, %mul3A_549 masked %reduce_sum3A_551 : vector<16xf32>, vector<16xi1> -> vector<16xf32>
        %reduce_sum3A_553 = vector.extract %reduce_sum3A_552[15] : f32 from vector<16xf32>
        %eq3A_554 = arith.constant 2 : i32
        %eq3A_555 = vector.broadcast %eq3A_554 : i32 to vector<16xi32>
        %eq3A_556 = arith.cmpi eq, %iota3A, %eq3A_555 : vector<16xi32>
        %broadcast_in_dim3A_557 = vector.broadcast %reduce_sum3A_553 : f32 to vector<16xf32>
        %select_n3A_558 = arith.select %eq3A_556, %broadcast_in_dim3A_557, %select_n3A_538 : vector<16xi1>, vector<16xf32>
        %get3A_559 = arith.index_cast %add3A_434 : i32 to index
        %get3A_560 = arith.constant 48 : index
        %get3A_561 = tpu.vector_load %arg14[%get3A_559, %get3A_560] {strides = array<i32>} : memref<32x288xf32, #tpu.memory_space<vmem>>, vector<16xf32>,
        %get3A_562 = arith.index_cast %add3A_434 : i32 to index
        %get3A_563 = arith.constant 48 : index
        %get3A_564 = tpu.vector_load %arg16[%get3A_562, %get3A_563] {strides = array<i32>} : memref<32x128xf32, #tpu.memory_space<vmem>>, vector<16xf32>,
        %get3A_565 = arith.index_cast %add3A_434 : i32 to index
        %get3A_566 = arith.constant 48 : index
        %get3A_567 = tpu.vector_load %arg15[%get3A_565, %get3A_566] {strides = array<i32>} : memref<32x272xf32, #tpu.memory_space<vmem>>, vector<16xf32>,
        %add3A_568 = arith.addf %get3A_564, %get3A_567 : vector<16xf32>
        %mul3A_569 = arith.mulf %get3A_561, %add3A_568 : vector<16xf32>
        %reduce_sum3A_570 = arith.constant true
        %reduce_sum3A_571 = vector.broadcast %reduce_sum3A_570 : i1 to vector<16xi1>
        %reduce_sum3A_572 = tpu.scan <sum>, %mul3A_569 masked %reduce_sum3A_571 : vector<16xf32>, vector<16xi1> -> vector<16xf32>
        %reduce_sum3A_573 = vector.extract %reduce_sum3A_572[15] : f32 from vector<16xf32>
        %eq3A_574 = arith.constant 3 : i32
        %eq3A_575 = vector.broadcast %eq3A_574 : i32 to vector<16xi32>
        %eq3A_576 = arith.cmpi eq, %iota3A, %eq3A_575 : vector<16xi32>
        %broadcast_in_dim3A_577 = vector.broadcast %reduce_sum3A_573 : f32 to vector<16xf32>
        %select_n3A_578 = arith.select %eq3A_576, %broadcast_in_dim3A_577, %select_n3A_558 : vector<16xi1>, vector<16xf32>
        %get3A_579 = arith.index_cast %add3A_434 : i32 to index
        %get3A_580 = arith.constant 64 : index
        %get3A_581 = tpu.vector_load %arg14[%get3A_579, %get3A_580] {strides = array<i32>} : memref<32x288xf32, #tpu.memory_space<vmem>>, vector<16xf32>,
        %get3A_582 = arith.index_cast %add3A_434 : i32 to index
        %get3A_583 = arith.constant 64 : index
        %get3A_584 = tpu.vector_load %arg16[%get3A_582, %get3A_583] {strides = array<i32>} : memref<32x128xf32, #tpu.memory_space<vmem>>, vector<16xf32>,
        %get3A_585 = arith.index_cast %add3A_434 : i32 to index
        %get3A_586 = arith.constant 64 : index
        %get3A_587 = tpu.vector_load %arg15[%get3A_585, %get3A_586] {strides = array<i32>} : memref<32x272xf32, #tpu.memory_space<vmem>>, vector<16xf32>,
        %add3A_588 = arith.addf %get3A_584, %get3A_587 : vector<16xf32>
        %mul3A_589 = arith.mulf %get3A_581, %add3A_588 : vector<16xf32>
        %reduce_sum3A_590 = arith.constant true
        %reduce_sum3A_591 = vector.broadcast %reduce_sum3A_590 : i1 to vector<16xi1>
        %reduce_sum3A_592 = tpu.scan <sum>, %mul3A_589 masked %reduce_sum3A_591 : vector<16xf32>, vector<16xi1> -> vector<16xf32>
        %reduce_sum3A_593 = vector.extract %reduce_sum3A_592[15] : f32 from vector<16xf32>
        %eq3A_594 = arith.constant 4 : i32
        %eq3A_595 = vector.broadcast %eq3A_594 : i32 to vector<16xi32>
        %eq3A_596 = arith.cmpi eq, %iota3A, %eq3A_595 : vector<16xi32>
        %broadcast_in_dim3A_597 = vector.broadcast %reduce_sum3A_593 : f32 to vector<16xf32>
        %select_n3A_598 = arith.select %eq3A_596, %broadcast_in_dim3A_597, %select_n3A_578 : vector<16xi1>, vector<16xf32>
        %get3A_599 = arith.index_cast %add3A_434 : i32 to index
        %get3A_600 = arith.constant 80 : index
        %get3A_601 = tpu.vector_load %arg14[%get3A_599, %get3A_600] {strides = array<i32>} : memref<32x288xf32, #tpu.memory_space<vmem>>, vector<16xf32>,
        %get3A_602 = arith.index_cast %add3A_434 : i32 to index
        %get3A_603 = arith.constant 80 : index
        %get3A_604 = tpu.vector_load %arg16[%get3A_602, %get3A_603] {strides = array<i32>} : memref<32x128xf32, #tpu.memory_space<vmem>>, vector<16xf32>,
        %get3A_605 = arith.index_cast %add3A_434 : i32 to index
        %get3A_606 = arith.constant 80 : index
        %get3A_607 = tpu.vector_load %arg15[%get3A_605, %get3A_606] {strides = array<i32>} : memref<32x272xf32, #tpu.memory_space<vmem>>, vector<16xf32>,
        %add3A_608 = arith.addf %get3A_604, %get3A_607 : vector<16xf32>
        %mul3A_609 = arith.mulf %get3A_601, %add3A_608 : vector<16xf32>
        %reduce_sum3A_610 = arith.constant true
        %reduce_sum3A_611 = vector.broadcast %reduce_sum3A_610 : i1 to vector<16xi1>
        %reduce_sum3A_612 = tpu.scan <sum>, %mul3A_609 masked %reduce_sum3A_611 : vector<16xf32>, vector<16xi1> -> vector<16xf32>
        %reduce_sum3A_613 = vector.extract %reduce_sum3A_612[15] : f32 from vector<16xf32>
        %eq3A_614 = arith.constant 5 : i32
        %eq3A_615 = vector.broadcast %eq3A_614 : i32 to vector<16xi32>
        %eq3A_616 = arith.cmpi eq, %iota3A, %eq3A_615 : vector<16xi32>
        %broadcast_in_dim3A_617 = vector.broadcast %reduce_sum3A_613 : f32 to vector<16xf32>
        %select_n3A_618 = arith.select %eq3A_616, %broadcast_in_dim3A_617, %select_n3A_598 : vector<16xi1>, vector<16xf32>
        %get3A_619 = arith.index_cast %add3A_434 : i32 to index
        %get3A_620 = arith.constant 96 : index
        %get3A_621 = tpu.vector_load %arg14[%get3A_619, %get3A_620] {strides = array<i32>} : memref<32x288xf32, #tpu.memory_space<vmem>>, vector<16xf32>,
        %get3A_622 = arith.index_cast %add3A_434 : i32 to index
        %get3A_623 = arith.constant 96 : index
        %get3A_624 = tpu.vector_load %arg16[%get3A_622, %get3A_623] {strides = array<i32>} : memref<32x128xf32, #tpu.memory_space<vmem>>, vector<16xf32>,
        %get3A_625 = arith.index_cast %add3A_434 : i32 to index
        %get3A_626 = arith.constant 96 : index
        %get3A_627 = tpu.vector_load %arg15[%get3A_625, %get3A_626] {strides = array<i32>} : memref<32x272xf32, #tpu.memory_space<vmem>>, vector<16xf32>,
        %add3A_628 = arith.addf %get3A_624, %get3A_627 : vector<16xf32>
        %mul3A_629 = arith.mulf %get3A_621, %add3A_628 : vector<16xf32>
        %reduce_sum3A_630 = arith.constant true
        %reduce_sum3A_631 = vector.broadcast %reduce_sum3A_630 : i1 to vector<16xi1>
        %reduce_sum3A_632 = tpu.scan <sum>, %mul3A_629 masked %reduce_sum3A_631 : vector<16xf32>, vector<16xi1> -> vector<16xf32>
        %reduce_sum3A_633 = vector.extract %reduce_sum3A_632[15] : f32 from vector<16xf32>
        %eq3A_634 = arith.constant 6 : i32
        %eq3A_635 = vector.broadcast %eq3A_634 : i32 to vector<16xi32>
        %eq3A_636 = arith.cmpi eq, %iota3A, %eq3A_635 : vector<16xi32>
        %broadcast_in_dim3A_637 = vector.broadcast %reduce_sum3A_633 : f32 to vector<16xf32>
        %select_n3A_638 = arith.select %eq3A_636, %broadcast_in_dim3A_637, %select_n3A_618 : vector<16xi1>, vector<16xf32>
        %get3A_639 = arith.index_cast %add3A_434 : i32 to index
        %get3A_640 = arith.constant 112 : index
        %get3A_641 = tpu.vector_load %arg14[%get3A_639, %get3A_640] {strides = array<i32>} : memref<32x288xf32, #tpu.memory_space<vmem>>, vector<16xf32>,
        %get3A_642 = arith.index_cast %add3A_434 : i32 to index
        %get3A_643 = arith.constant 112 : index
        %get3A_644 = tpu.vector_load %arg16[%get3A_642, %get3A_643] {strides = array<i32>} : memref<32x128xf32, #tpu.memory_space<vmem>>, vector<16xf32>,
        %get3A_645 = arith.index_cast %add3A_434 : i32 to index
        %get3A_646 = arith.constant 112 : index
        %get3A_647 = tpu.vector_load %arg15[%get3A_645, %get3A_646] {strides = array<i32>} : memref<32x272xf32, #tpu.memory_space<vmem>>, vector<16xf32>,
        %add3A_648 = arith.addf %get3A_644, %get3A_647 : vector<16xf32>
        %mul3A_649 = arith.mulf %get3A_641, %add3A_648 : vector<16xf32>
        %reduce_sum3A_650 = arith.constant true
        %reduce_sum3A_651 = vector.broadcast %reduce_sum3A_650 : i1 to vector<16xi1>
        %reduce_sum3A_652 = tpu.scan <sum>, %mul3A_649 masked %reduce_sum3A_651 : vector<16xf32>, vector<16xi1> -> vector<16xf32>
        %reduce_sum3A_653 = vector.extract %reduce_sum3A_652[15] : f32 from vector<16xf32>
        %eq3A_654 = arith.constant 7 : i32
        %eq3A_655 = vector.broadcast %eq3A_654 : i32 to vector<16xi32>
        %eq3A_656 = arith.cmpi eq, %iota3A, %eq3A_655 : vector<16xi32>
        %broadcast_in_dim3A_657 = vector.broadcast %reduce_sum3A_653 : f32 to vector<16xf32>
        %select_n3A_658 = arith.select %eq3A_656, %broadcast_in_dim3A_657, %select_n3A_638 : vector<16xi1>, vector<16xf32>
        %get3A_659 = arith.index_cast %add3A_434 : i32 to index
        %get3A_660 = arith.constant 256 : index
        %get3A_661 = tpu.vector_load %arg14[%get3A_659, %get3A_660] {strides = array<i32>} : memref<32x288xf32, #tpu.memory_space<vmem>>, vector<16xf32>,
        %add3A_662 = arith.addf %select_n3A_658, %get3A_661 : vector<16xf32>
        %mul3A_663 = arith.mulf %broadcast_in_dim3A, %get3A_437 : vector<16xf32>
        %sub3A_664 = arith.subf %add3A_662, %mul3A_663 : vector<16xf32>
        %mul3A_665 = arith.mulf %sub3A_664, %mul3A_499 : vector<16xf32>
        %lt3A_666 = arith.constant 8 : i32
        %lt3A_667 = vector.broadcast %lt3A_666 : i32 to vector<16xi32>
        %lt3A_668 = arith.cmpi slt, %iota3A, %lt3A_667 : vector<16xi32>
        %exp3A = math.exp %mul3A_665 : vector<16xf32>
        %jit3A = arith.constant 0.000000e+00 : f32
        %broadcast_in_dim3A_669 = vector.broadcast %jit3A : f32 to vector<16xf32>
        %select_n3A_670 = arith.select %lt3A_668, %exp3A, %broadcast_in_dim3A_669 : vector<16xi1>, vector<16xf32>
        %swap3A = arith.index_cast %add3A_434 : i32 to index
        %swap3A_671 = arith.constant 128 : index
        %swap3A_672 = tpu.vector_load %arg20[%swap3A, %swap3A_671] {strides = array<i32>} : memref<32x144xf32, #tpu.memory_space<vmem>>, vector<16xf32>,
        tpu.vector_store %arg20[%swap3A, %swap3A_671], %select_n3A_670 {strides = array<i32>} : memref<32x144xf32, #tpu.memory_space<vmem>>, vector<16xf32>,
        %mul3A_673 = arith.mulf %mul3A_499, %broadcast_in_dim3A : vector<16xf32>
        %get3A_674 = arith.index_cast %add3A_434 : i32 to index
        %get3A_675 = arith.constant 0 : index
        %get3A_676 = tpu.vector_load %arg17[%get3A_674, %get3A_675] {strides = array<i32>} : memref<32x128xf32, #tpu.memory_space<vmem>>, vector<16xf32>,
        %get3A_677 = arith.index_cast %add3A_434 : i32 to index
        %get3A_678 = arith.constant 128 : index
        %get3A_679 = tpu.vector_load %arg15[%get3A_677, %get3A_678] {strides = array<i32>} : memref<32x272xf32, #tpu.memory_space<vmem>>, vector<16xf32>,
        %add3A_680 = arith.addf %get3A_676, %get3A_679 : vector<16xf32>
        %get3A_681 = arith.index_cast %add3A_434 : i32 to index
        %get3A_682 = arith.constant 128 : index
        %get3A_683 = tpu.vector_load %arg14[%get3A_681, %get3A_682] {strides = array<i32>} : memref<32x288xf32, #tpu.memory_space<vmem>>, vector<16xf32>,
        %add3A_684 = arith.addf %add3A_680, %get3A_683 : vector<16xf32>
        %mul3A_685 = arith.mulf %mul3A_499, %add3A_684 : vector<16xf32>
        %mul3A_686 = arith.mulf %mul3A_673, %get3A_89 : vector<16xf32>
        %sub3A_687 = arith.subf %mul3A_685, %mul3A_686 : vector<16xf32>
        %add3A_688 = arith.addf %sub3A_687, %get3A_121 : vector<16xf32>
        %slice3A_689 = vector.extract_strided_slice %select_n3A_670 {offsets = [0], sizes = [1], strides = [1]} : vector<16xf32> to vector<1xf32>
        %squeeze3A_690 = vector.extract %slice3A_689[0] : f32 from vector<1xf32>
        %broadcast_in_dim3A_691 = vector.broadcast %squeeze3A_690 : f32 to vector<16xf32>
        %get3A_692 = arith.index_cast %add3A_434 : i32 to index
        %get3A_693 = arith.constant 0 : index
        %get3A_694 = tpu.vector_load %arg18[%get3A_692, %get3A_693] {strides = array<i32>} : memref<32x128xf32, #tpu.memory_space<vmem>>, vector<16xf32>,
        %mul3A_695 = arith.mulf %broadcast_in_dim3A_691, %get3A_694 : vector<16xf32>
        %mul3A_696 = arith.mulf %mul3A_695, %add3A_688 : vector<16xf32>
        %swap3A_697 = arith.index_cast %add3A_434 : i32 to index
        %swap3A_698 = arith.constant 0 : index
        %swap3A_699 = tpu.vector_load %arg20[%swap3A_697, %swap3A_698] {strides = array<i32>} : memref<32x144xf32, #tpu.memory_space<vmem>>, vector<16xf32>,
        tpu.vector_store %arg20[%swap3A_697, %swap3A_698], %mul3A_696 {strides = array<i32>} : memref<32x144xf32, #tpu.memory_space<vmem>>, vector<16xf32>,
        %get3A_700 = arith.index_cast %add3A_434 : i32 to index
        %get3A_701 = arith.constant 16 : index
        %get3A_702 = tpu.vector_load %arg17[%get3A_700, %get3A_701] {strides = array<i32>} : memref<32x128xf32, #tpu.memory_space<vmem>>, vector<16xf32>,
        %get3A_703 = arith.index_cast %add3A_434 : i32 to index
        %get3A_704 = arith.constant 144 : index
        %get3A_705 = tpu.vector_load %arg15[%get3A_703, %get3A_704] {strides = array<i32>} : memref<32x272xf32, #tpu.memory_space<vmem>>, vector<16xf32>,
        %add3A_706 = arith.addf %get3A_702, %get3A_705 : vector<16xf32>
        %get3A_707 = arith.index_cast %add3A_434 : i32 to index
        %get3A_708 = arith.constant 144 : index
        %get3A_709 = tpu.vector_load %arg14[%get3A_707, %get3A_708] {strides = array<i32>} : memref<32x288xf32, #tpu.memory_space<vmem>>, vector<16xf32>,
        %add3A_710 = arith.addf %add3A_706, %get3A_709 : vector<16xf32>
        %mul3A_711 = arith.mulf %mul3A_499, %add3A_710 : vector<16xf32>
        %mul3A_712 = arith.mulf %mul3A_673, %get3A_93 : vector<16xf32>
        %sub3A_713 = arith.subf %mul3A_711, %mul3A_712 : vector<16xf32>
        %add3A_714 = arith.addf %sub3A_713, %get3A_125 : vector<16xf32>
        %slice3A_715 = vector.extract_strided_slice %select_n3A_670 {offsets = [1], sizes = [1], strides = [1]} : vector<16xf32> to vector<1xf32>
        %squeeze3A_716 = vector.extract %slice3A_715[0] : f32 from vector<1xf32>
        %broadcast_in_dim3A_717 = vector.broadcast %squeeze3A_716 : f32 to vector<16xf32>
        %get3A_718 = arith.index_cast %add3A_434 : i32 to index
        %get3A_719 = arith.constant 16 : index
        %get3A_720 = tpu.vector_load %arg18[%get3A_718, %get3A_719] {strides = array<i32>} : memref<32x128xf32, #tpu.memory_space<vmem>>, vector<16xf32>,
        %mul3A_721 = arith.mulf %broadcast_in_dim3A_717, %get3A_720 : vector<16xf32>
        %mul3A_722 = arith.mulf %mul3A_721, %add3A_714 : vector<16xf32>
        %swap3A_723 = arith.index_cast %add3A_434 : i32 to index
        %swap3A_724 = arith.constant 16 : index
        %swap3A_725 = tpu.vector_load %arg20[%swap3A_723, %swap3A_724] {strides = array<i32>} : memref<32x144xf32, #tpu.memory_space<vmem>>, vector<16xf32>,
        tpu.vector_store %arg20[%swap3A_723, %swap3A_724], %mul3A_722 {strides = array<i32>} : memref<32x144xf32, #tpu.memory_space<vmem>>, vector<16xf32>,
        %get3A_726 = arith.index_cast %add3A_434 : i32 to index
        %get3A_727 = arith.constant 32 : index
        %get3A_728 = tpu.vector_load %arg17[%get3A_726, %get3A_727] {strides = array<i32>} : memref<32x128xf32, #tpu.memory_space<vmem>>, vector<16xf32>,
        %get3A_729 = arith.index_cast %add3A_434 : i32 to index
        %get3A_730 = arith.constant 160 : index
        %get3A_731 = tpu.vector_load %arg15[%get3A_729, %get3A_730] {strides = array<i32>} : memref<32x272xf32, #tpu.memory_space<vmem>>, vector<16xf32>,
        %add3A_732 = arith.addf %get3A_728, %get3A_731 : vector<16xf32>
        %get3A_733 = arith.index_cast %add3A_434 : i32 to index
        %get3A_734 = arith.constant 160 : index
        %get3A_735 = tpu.vector_load %arg14[%get3A_733, %get3A_734] {strides = array<i32>} : memref<32x288xf32, #tpu.memory_space<vmem>>, vector<16xf32>,
        %add3A_736 = arith.addf %add3A_732, %get3A_735 : vector<16xf32>
        %mul3A_737 = arith.mulf %mul3A_499, %add3A_736 : vector<16xf32>
        %mul3A_738 = arith.mulf %mul3A_673, %get3A_97 : vector<16xf32>
        %sub3A_739 = arith.subf %mul3A_737, %mul3A_738 : vector<16xf32>
        %add3A_740 = arith.addf %sub3A_739, %get3A_129 : vector<16xf32>
        %slice3A_741 = vector.extract_strided_slice %select_n3A_670 {offsets = [2], sizes = [1], strides = [1]} : vector<16xf32> to vector<1xf32>
        %squeeze3A_742 = vector.extract %slice3A_741[0] : f32 from vector<1xf32>
        %broadcast_in_dim3A_743 = vector.broadcast %squeeze3A_742 : f32 to vector<16xf32>
        %get3A_744 = arith.index_cast %add3A_434 : i32 to index
        %get3A_745 = arith.constant 32 : index
        %get3A_746 = tpu.vector_load %arg18[%get3A_744, %get3A_745] {strides = array<i32>} : memref<32x128xf32, #tpu.memory_space<vmem>>, vector<16xf32>,
        %mul3A_747 = arith.mulf %broadcast_in_dim3A_743, %get3A_746 : vector<16xf32>
        %mul3A_748 = arith.mulf %mul3A_747, %add3A_740 : vector<16xf32>
        %swap3A_749 = arith.index_cast %add3A_434 : i32 to index
        %swap3A_750 = arith.constant 32 : index
        %swap3A_751 = tpu.vector_load %arg20[%swap3A_749, %swap3A_750] {strides = array<i32>} : memref<32x144xf32, #tpu.memory_space<vmem>>, vector<16xf32>,
        tpu.vector_store %arg20[%swap3A_749, %swap3A_750], %mul3A_748 {strides = array<i32>} : memref<32x144xf32, #tpu.memory_space<vmem>>, vector<16xf32>,
        %get3A_752 = arith.index_cast %add3A_434 : i32 to index
        %get3A_753 = arith.constant 48 : index
        %get3A_754 = tpu.vector_load %arg17[%get3A_752, %get3A_753] {strides = array<i32>} : memref<32x128xf32, #tpu.memory_space<vmem>>, vector<16xf32>,
        %get3A_755 = arith.index_cast %add3A_434 : i32 to index
        %get3A_756 = arith.constant 176 : index
        %get3A_757 = tpu.vector_load %arg15[%get3A_755, %get3A_756] {strides = array<i32>} : memref<32x272xf32, #tpu.memory_space<vmem>>, vector<16xf32>,
        %add3A_758 = arith.addf %get3A_754, %get3A_757 : vector<16xf32>
        %get3A_759 = arith.index_cast %add3A_434 : i32 to index
        %get3A_760 = arith.constant 176 : index
        %get3A_761 = tpu.vector_load %arg14[%get3A_759, %get3A_760] {strides = array<i32>} : memref<32x288xf32, #tpu.memory_space<vmem>>, vector<16xf32>,
        %add3A_762 = arith.addf %add3A_758, %get3A_761 : vector<16xf32>
        %mul3A_763 = arith.mulf %mul3A_499, %add3A_762 : vector<16xf32>
        %mul3A_764 = arith.mulf %mul3A_673, %get3A_101 : vector<16xf32>
        %sub3A_765 = arith.subf %mul3A_763, %mul3A_764 : vector<16xf32>
        %add3A_766 = arith.addf %sub3A_765, %get3A_133 : vector<16xf32>
        %slice3A_767 = vector.extract_strided_slice %select_n3A_670 {offsets = [3], sizes = [1], strides = [1]} : vector<16xf32> to vector<1xf32>
        %squeeze3A_768 = vector.extract %slice3A_767[0] : f32 from vector<1xf32>
        %broadcast_in_dim3A_769 = vector.broadcast %squeeze3A_768 : f32 to vector<16xf32>
        %get3A_770 = arith.index_cast %add3A_434 : i32 to index
        %get3A_771 = arith.constant 48 : index
        %get3A_772 = tpu.vector_load %arg18[%get3A_770, %get3A_771] {strides = array<i32>} : memref<32x128xf32, #tpu.memory_space<vmem>>, vector<16xf32>,
        %mul3A_773 = arith.mulf %broadcast_in_dim3A_769, %get3A_772 : vector<16xf32>
        %mul3A_774 = arith.mulf %mul3A_773, %add3A_766 : vector<16xf32>
        %swap3A_775 = arith.index_cast %add3A_434 : i32 to index
        %swap3A_776 = arith.constant 48 : index
        %swap3A_777 = tpu.vector_load %arg20[%swap3A_775, %swap3A_776] {strides = array<i32>} : memref<32x144xf32, #tpu.memory_space<vmem>>, vector<16xf32>,
        tpu.vector_store %arg20[%swap3A_775, %swap3A_776], %mul3A_774 {strides = array<i32>} : memref<32x144xf32, #tpu.memory_space<vmem>>, vector<16xf32>,
        %get3A_778 = arith.index_cast %add3A_434 : i32 to index
        %get3A_779 = arith.constant 64 : index
        %get3A_780 = tpu.vector_load %arg17[%get3A_778, %get3A_779] {strides = array<i32>} : memref<32x128xf32, #tpu.memory_space<vmem>>, vector<16xf32>,
        %get3A_781 = arith.index_cast %add3A_434 : i32 to index
        %get3A_782 = arith.constant 192 : index
        %get3A_783 = tpu.vector_load %arg15[%get3A_781, %get3A_782] {strides = array<i32>} : memref<32x272xf32, #tpu.memory_space<vmem>>, vector<16xf32>,
        %add3A_784 = arith.addf %get3A_780, %get3A_783 : vector<16xf32>
        %get3A_785 = arith.index_cast %add3A_434 : i32 to index
        %get3A_786 = arith.constant 192 : index
        %get3A_787 = tpu.vector_load %arg14[%get3A_785, %get3A_786] {strides = array<i32>} : memref<32x288xf32, #tpu.memory_space<vmem>>, vector<16xf32>,
        %add3A_788 = arith.addf %add3A_784, %get3A_787 : vector<16xf32>
        %mul3A_789 = arith.mulf %mul3A_499, %add3A_788 : vector<16xf32>
        %mul3A_790 = arith.mulf %mul3A_673, %get3A_105 : vector<16xf32>
        %sub3A_791 = arith.subf %mul3A_789, %mul3A_790 : vector<16xf32>
        %add3A_792 = arith.addf %sub3A_791, %get3A_137 : vector<16xf32>
        %slice3A_793 = vector.extract_strided_slice %select_n3A_670 {offsets = [4], sizes = [1], strides = [1]} : vector<16xf32> to vector<1xf32>
        %squeeze3A_794 = vector.extract %slice3A_793[0] : f32 from vector<1xf32>
        %broadcast_in_dim3A_795 = vector.broadcast %squeeze3A_794 : f32 to vector<16xf32>
        %get3A_796 = arith.index_cast %add3A_434 : i32 to index
        %get3A_797 = arith.constant 64 : index
        %get3A_798 = tpu.vector_load %arg18[%get3A_796, %get3A_797] {strides = array<i32>} : memref<32x128xf32, #tpu.memory_space<vmem>>, vector<16xf32>,
        %mul3A_799 = arith.mulf %broadcast_in_dim3A_795, %get3A_798 : vector<16xf32>
        %mul3A_800 = arith.mulf %mul3A_799, %add3A_792 : vector<16xf32>
        %swap3A_801 = arith.index_cast %add3A_434 : i32 to index
        %swap3A_802 = arith.constant 64 : index
        %swap3A_803 = tpu.vector_load %arg20[%swap3A_801, %swap3A_802] {strides = array<i32>} : memref<32x144xf32, #tpu.memory_space<vmem>>, vector<16xf32>,
        tpu.vector_store %arg20[%swap3A_801, %swap3A_802], %mul3A_800 {strides = array<i32>} : memref<32x144xf32, #tpu.memory_space<vmem>>, vector<16xf32>,
        %get3A_804 = arith.index_cast %add3A_434 : i32 to index
        %get3A_805 = arith.constant 80 : index
        %get3A_806 = tpu.vector_load %arg17[%get3A_804, %get3A_805] {strides = array<i32>} : memref<32x128xf32, #tpu.memory_space<vmem>>, vector<16xf32>,
        %get3A_807 = arith.index_cast %add3A_434 : i32 to index
        %get3A_808 = arith.constant 208 : index
        %get3A_809 = tpu.vector_load %arg15[%get3A_807, %get3A_808] {strides = array<i32>} : memref<32x272xf32, #tpu.memory_space<vmem>>, vector<16xf32>,
        %add3A_810 = arith.addf %get3A_806, %get3A_809 : vector<16xf32>
        %get3A_811 = arith.index_cast %add3A_434 : i32 to index
        %get3A_812 = arith.constant 208 : index
        %get3A_813 = tpu.vector_load %arg14[%get3A_811, %get3A_812] {strides = array<i32>} : memref<32x288xf32, #tpu.memory_space<vmem>>, vector<16xf32>,
        %add3A_814 = arith.addf %add3A_810, %get3A_813 : vector<16xf32>
        %mul3A_815 = arith.mulf %mul3A_499, %add3A_814 : vector<16xf32>
        %mul3A_816 = arith.mulf %mul3A_673, %get3A_109 : vector<16xf32>
        %sub3A_817 = arith.subf %mul3A_815, %mul3A_816 : vector<16xf32>
        %add3A_818 = arith.addf %sub3A_817, %get3A_141 : vector<16xf32>
        %slice3A_819 = vector.extract_strided_slice %select_n3A_670 {offsets = [5], sizes = [1], strides = [1]} : vector<16xf32> to vector<1xf32>
        %squeeze3A_820 = vector.extract %slice3A_819[0] : f32 from vector<1xf32>
        %broadcast_in_dim3A_821 = vector.broadcast %squeeze3A_820 : f32 to vector<16xf32>
        %get3A_822 = arith.index_cast %add3A_434 : i32 to index
        %get3A_823 = arith.constant 80 : index
        %get3A_824 = tpu.vector_load %arg18[%get3A_822, %get3A_823] {strides = array<i32>} : memref<32x128xf32, #tpu.memory_space<vmem>>, vector<16xf32>,
        %mul3A_825 = arith.mulf %broadcast_in_dim3A_821, %get3A_824 : vector<16xf32>
        %mul3A_826 = arith.mulf %mul3A_825, %add3A_818 : vector<16xf32>
        %swap3A_827 = arith.index_cast %add3A_434 : i32 to index
        %swap3A_828 = arith.constant 80 : index
        %swap3A_829 = tpu.vector_load %arg20[%swap3A_827, %swap3A_828] {strides = array<i32>} : memref<32x144xf32, #tpu.memory_space<vmem>>, vector<16xf32>,
        tpu.vector_store %arg20[%swap3A_827, %swap3A_828], %mul3A_826 {strides = array<i32>} : memref<32x144xf32, #tpu.memory_space<vmem>>, vector<16xf32>,
        %get3A_830 = arith.index_cast %add3A_434 : i32 to index
        %get3A_831 = arith.constant 96 : index
        %get3A_832 = tpu.vector_load %arg17[%get3A_830, %get3A_831] {strides = array<i32>} : memref<32x128xf32, #tpu.memory_space<vmem>>, vector<16xf32>,
        %get3A_833 = arith.index_cast %add3A_434 : i32 to index
        %get3A_834 = arith.constant 224 : index
        %get3A_835 = tpu.vector_load %arg15[%get3A_833, %get3A_834] {strides = array<i32>} : memref<32x272xf32, #tpu.memory_space<vmem>>, vector<16xf32>,
        %add3A_836 = arith.addf %get3A_832, %get3A_835 : vector<16xf32>
        %get3A_837 = arith.index_cast %add3A_434 : i32 to index
        %get3A_838 = arith.constant 224 : index
        %get3A_839 = tpu.vector_load %arg14[%get3A_837, %get3A_838] {strides = array<i32>} : memref<32x288xf32, #tpu.memory_space<vmem>>, vector<16xf32>,
        %add3A_840 = arith.addf %add3A_836, %get3A_839 : vector<16xf32>
        %mul3A_841 = arith.mulf %mul3A_499, %add3A_840 : vector<16xf32>
        %mul3A_842 = arith.mulf %mul3A_673, %get3A_113 : vector<16xf32>
        %sub3A_843 = arith.subf %mul3A_841, %mul3A_842 : vector<16xf32>
        %add3A_844 = arith.addf %sub3A_843, %get3A_145 : vector<16xf32>
        %slice3A_845 = vector.extract_strided_slice %select_n3A_670 {offsets = [6], sizes = [1], strides = [1]} : vector<16xf32> to vector<1xf32>
        %squeeze3A_846 = vector.extract %slice3A_845[0] : f32 from vector<1xf32>
        %broadcast_in_dim3A_847 = vector.broadcast %squeeze3A_846 : f32 to vector<16xf32>
        %get3A_848 = arith.index_cast %add3A_434 : i32 to index
        %get3A_849 = arith.constant 96 : index
        %get3A_850 = tpu.vector_load %arg18[%get3A_848, %get3A_849] {strides = array<i32>} : memref<32x128xf32, #tpu.memory_space<vmem>>, vector<16xf32>,
        %mul3A_851 = arith.mulf %broadcast_in_dim3A_847, %get3A_850 : vector<16xf32>
        %mul3A_852 = arith.mulf %mul3A_851, %add3A_844 : vector<16xf32>
        %swap3A_853 = arith.index_cast %add3A_434 : i32 to index
        %swap3A_854 = arith.constant 96 : index
        %swap3A_855 = tpu.vector_load %arg20[%swap3A_853, %swap3A_854] {strides = array<i32>} : memref<32x144xf32, #tpu.memory_space<vmem>>, vector<16xf32>,
        tpu.vector_store %arg20[%swap3A_853, %swap3A_854], %mul3A_852 {strides = array<i32>} : memref<32x144xf32, #tpu.memory_space<vmem>>, vector<16xf32>,
        %get3A_856 = arith.index_cast %add3A_434 : i32 to index
        %get3A_857 = arith.constant 112 : index
        %get3A_858 = tpu.vector_load %arg17[%get3A_856, %get3A_857] {strides = array<i32>} : memref<32x128xf32, #tpu.memory_space<vmem>>, vector<16xf32>,
        %get3A_859 = arith.index_cast %add3A_434 : i32 to index
        %get3A_860 = arith.constant 240 : index
        %get3A_861 = tpu.vector_load %arg15[%get3A_859, %get3A_860] {strides = array<i32>} : memref<32x272xf32, #tpu.memory_space<vmem>>, vector<16xf32>,
        %add3A_862 = arith.addf %get3A_858, %get3A_861 : vector<16xf32>
        %get3A_863 = arith.index_cast %add3A_434 : i32 to index
        %get3A_864 = arith.constant 240 : index
        %get3A_865 = tpu.vector_load %arg14[%get3A_863, %get3A_864] {strides = array<i32>} : memref<32x288xf32, #tpu.memory_space<vmem>>, vector<16xf32>,
        %add3A_866 = arith.addf %add3A_862, %get3A_865 : vector<16xf32>
        %mul3A_867 = arith.mulf %mul3A_499, %add3A_866 : vector<16xf32>
        %mul3A_868 = arith.mulf %mul3A_673, %get3A_117 : vector<16xf32>
        %sub3A_869 = arith.subf %mul3A_867, %mul3A_868 : vector<16xf32>
        %add3A_870 = arith.addf %sub3A_869, %get3A_149 : vector<16xf32>
        %slice3A_871 = vector.extract_strided_slice %select_n3A_670 {offsets = [7], sizes = [1], strides = [1]} : vector<16xf32> to vector<1xf32>
        %squeeze3A_872 = vector.extract %slice3A_871[0] : f32 from vector<1xf32>
        %broadcast_in_dim3A_873 = vector.broadcast %squeeze3A_872 : f32 to vector<16xf32>
        %get3A_874 = arith.index_cast %add3A_434 : i32 to index
        %get3A_875 = arith.constant 112 : index
        %get3A_876 = tpu.vector_load %arg18[%get3A_874, %get3A_875] {strides = array<i32>} : memref<32x128xf32, #tpu.memory_space<vmem>>, vector<16xf32>,
        %mul3A_877 = arith.mulf %broadcast_in_dim3A_873, %get3A_876 : vector<16xf32>
        %mul3A_878 = arith.mulf %mul3A_877, %add3A_870 : vector<16xf32>
        %swap3A_879 = arith.index_cast %add3A_434 : i32 to index
        %swap3A_880 = arith.constant 112 : index
        %swap3A_881 = tpu.vector_load %arg20[%swap3A_879, %swap3A_880] {strides = array<i32>} : memref<32x144xf32, #tpu.memory_space<vmem>>, vector<16xf32>,
        tpu.vector_store %arg20[%swap3A_879, %swap3A_880], %mul3A_878 {strides = array<i32>} : memref<32x144xf32, #tpu.memory_space<vmem>>, vector<16xf32>,
        %scan3A_882 = arith.constant 0 : i32
        scf.yield %scan3A_882 : i32
      }
      %scan3A_324 = arith.constant 16 : i32
      %run_scoped3A = arith.constant 0 : i32
      "tpu.region"() ({
        %run_scoped3A_431 = tpu.sem_alloc : memref<!tpu.dma_semaphore, #tpu.memory_space<semaphore_mem>>
        %dma_start3A_432 = arith.constant 0 : i32
        %dma_start3A_433 = arith.constant 0 : i32
        %dma_start3A_434 = tpu.memref_slice %arg20[%dma_start3A_432, %dma_start3A_433] : memref<32x144xf32, #tpu.memory_space<vmem>> -> memref<16x144xf32, #tpu.memory_space<vmem>>
        %dma_start3A_435 = arith.constant 0 : i32
        %dma_start3A_436 = tpu.memref_slice %arg12[%run_scoped3A, %dma_start3A_435] : memref<2x16xi32, #tpu.memory_space<vmem>> -> memref<1x16xi32, #tpu.memory_space<vmem>>
        %dma_start3A_437 = tpu.memref_squeeze %dma_start3A_436 : memref<1x16xi32, #tpu.memory_space<vmem>> -> memref<16xi32, #tpu.memory_space<vmem>>
        %dma_start3A_438 = arith.constant 0 : i32
        %dma_start3A_439 = arith.constant 0 : i32
        %dma_start3A_440 = tpu.memref_slice %arg23[%dma_start3A_438, %dma_start3A_439] : memref<10112x144xf32, #tpu.memory_space<vmem_shared>> -> memref<10112x144xf32, #tpu.memory_space<vmem_shared>>
        tpu.enqueue_indirect_dma source(%dma_start3A_434 : memref<16x144xf32, #tpu.memory_space<vmem>>) target(%dma_start3A_440 : memref<10112x144xf32, #tpu.memory_space<vmem_shared>>) offsets(%dma_start3A_437 : memref<16xi32, #tpu.memory_space<vmem>>) semaphore(%run_scoped3A_431 : memref<!tpu.dma_semaphore, #tpu.memory_space<semaphore_mem>>) {add = true}
        %dma_wait3A_441 = arith.constant 0 : i32
        %dma_wait3A_442 = arith.constant 0 : i32
        %dma_wait3A_443 = tpu.memref_slice %arg20[%dma_wait3A_441, %dma_wait3A_442] : memref<32x144xf32, #tpu.memory_space<vmem>> -> memref<16x144xf32, #tpu.memory_space<vmem>>
        %dma_wait3A_444 = arith.constant 0 : i32
        %dma_wait3A_445 = tpu.memref_slice %arg12[%run_scoped3A, %dma_wait3A_444] : memref<2x16xi32, #tpu.memory_space<vmem>> -> memref<1x16xi32, #tpu.memory_space<vmem>>
        %dma_wait3A_446 = tpu.memref_squeeze %dma_wait3A_445 : memref<1x16xi32, #tpu.memory_space<vmem>> -> memref<16xi32, #tpu.memory_space<vmem>>
        %dma_wait3A_447 = arith.constant 0 : i32
        %dma_wait3A_448 = arith.constant 0 : i32
        %dma_wait3A_449 = tpu.memref_slice %arg23[%dma_wait3A_447, %dma_wait3A_448] : memref<10112x144xf32, #tpu.memory_space<vmem_shared>> -> memref<10112x144xf32, #tpu.memory_space<vmem_shared>>
        tpu.wait_indirect_dma semaphore(%run_scoped3A_431 : memref<!tpu.dma_semaphore, #tpu.memory_space<semaphore_mem>>) src(%dma_wait3A_443 : memref<16x144xf32, #tpu.memory_space<vmem>>) dst(%dma_wait3A_449 : memref<10112x144xf32, #tpu.memory_space<vmem_shared>>)
        tpu.yield
      }) : () -> ()
      %add3A_325 = arith.constant 2 : i32
      %add3A_326 = arith.addi %add3A_242, %add3A_325 : i32
      %lt3A_327 = arith.constant 632 : i32
      %lt3A_328 = arith.cmpi slt, %add3A_326, %lt3A_327 : i32
      %convert_element_type3A_329 = arith.extui %lt3A_328 : i1 to i32
      %cond3A_330 = arith.constant 0 : i32
      %cond3A_331 = arith.cmpi ne, %convert_element_type3A_329, %cond3A_330 : i32
      scf.if %cond3A_331 {
        %add3A_431 = arith.addi %mul3A_151, %add3A_242 : i32
        %add3A_432 = arith.constant 2 : i32
        %add3A_433 = arith.addi %add3A_431, %add3A_432 : i32
        %dma_start3A_434 = arith.constant 0 : i32
        %dma_start3A_435 = arith.constant 0 : i32
        %dma_start3A_436 = tpu.memref_slice %arg2[%add3A_433, %dma_start3A_434, %dma_start3A_435] : memref<20224x2x16xi32, #tpu.memory_space<hbm>> -> memref<1x2x16xi32, #tpu.memory_space<hbm>>
        %dma_start3A_437 = tpu.memref_squeeze %dma_start3A_436 : memref<1x2x16xi32, #tpu.memory_space<hbm>> -> memref<2x16xi32, #tpu.memory_space<hbm>>
        %dma_start3A_438 = arith.constant 0 : i32
        %dma_start3A_439 = arith.constant 0 : i32
        %dma_start3A_440 = tpu.memref_slice %arg2[%add3A_433, %dma_start3A_438, %dma_start3A_439] : memref<20224x2x16xi32, #tpu.memory_space<hbm>> -> memref<1x2x16xi32, #tpu.memory_space<hbm>>
        %dma_start3A_441 = tpu.memref_squeeze %dma_start3A_440 : memref<1x2x16xi32, #tpu.memory_space<hbm>> -> memref<2x16xi32, #tpu.memory_space<hbm>>
        tpu.enqueue_dma source(%dma_start3A_441 : memref<2x16xi32, #tpu.memory_space<hbm>>) target(%arg12 : memref<2x16xi32, #tpu.memory_space<vmem>>) target_semaphore(%arg24 : memref<!tpu.dma_semaphore, #tpu.memory_space<semaphore_mem>>)
      } else {
      }
      %mul3A_332 = arith.constant 2 : i32
      %mul3A_333 = arith.muli %mul3A_332, %scan3A_237 : i32
      %add3A_334 = arith.constant 1 : i32
      %add3A_335 = arith.addi %mul3A_333, %add3A_334 : i32
      %add3A_336 = arith.constant 1 : i32
      %add3A_337 = arith.addi %add3A_335, %add3A_336 : i32
      %lt3A_338 = arith.constant 632 : i32
      %lt3A_339 = arith.cmpi slt, %add3A_337, %lt3A_338 : i32
      %convert_element_type3A_340 = arith.extui %lt3A_339 : i1 to i32
      %cond3A_341 = arith.constant 0 : i32
      %cond3A_342 = arith.cmpi ne, %convert_element_type3A_340, %cond3A_341 : i32
      scf.if %cond3A_342 {
        %dma_wait3A_431 = arith.constant 0 : i32
        %dma_wait3A_432 = arith.constant 0 : i32
        %dma_wait3A_433 = tpu.memref_slice %arg2[%mul3A_151, %dma_wait3A_431, %dma_wait3A_432] : memref<20224x2x16xi32, #tpu.memory_space<hbm>> -> memref<1x2x16xi32, #tpu.memory_space<hbm>>
        %dma_wait3A_434 = tpu.memref_squeeze %dma_wait3A_433 : memref<1x2x16xi32, #tpu.memory_space<hbm>> -> memref<2x16xi32, #tpu.memory_space<hbm>>
        %dma_wait3A_435 = arith.constant 0 : i32
        %dma_wait3A_436 = arith.constant 0 : i32
        %dma_wait3A_437 = tpu.memref_slice %arg2[%mul3A_151, %dma_wait3A_435, %dma_wait3A_436] : memref<20224x2x16xi32, #tpu.memory_space<hbm>> -> memref<1x2x16xi32, #tpu.memory_space<hbm>>
        %dma_wait3A_438 = tpu.memref_squeeze %dma_wait3A_437 : memref<1x2x16xi32, #tpu.memory_space<hbm>> -> memref<2x16xi32, #tpu.memory_space<hbm>>
        tpu.wait_dma2 semaphore(%arg24 : memref<!tpu.dma_semaphore, #tpu.memory_space<semaphore_mem>>) src(%dma_wait3A_438 : memref<2x16xi32, #tpu.memory_space<hbm>>) dst(%arg12 : memref<2x16xi32, #tpu.memory_space<vmem>>)
        %add3A_439 = arith.constant 1 : i32
        %add3A_440 = arith.addi %add3A_335, %add3A_439 : i32
        %mul3A_441 = arith.constant 16 : i32
        %mul3A_442 = arith.muli %add3A_440, %mul3A_441 : i32
        %add3A_443 = arith.addi %mul3A_153, %mul3A_442 : i32
        %dma_start3A_444 = arith.constant 0 : i32
        %dma_start3A_445 = arith.constant 0 : i32
        %dma_start3A_446 = arith.constant 0 : i32
        %dma_start3A_447 = tpu.memref_slice %arg14[%dma_start3A_445, %dma_start3A_446] : memref<32x288xf32, #tpu.memory_space<vmem>> -> memref<16x288xf32, #tpu.memory_space<vmem>>
        %dma_start3A_448 = arith.constant 0 : i32
        %dma_start3A_449 = tpu.memref_slice %arg12[%dma_start3A_444, %dma_start3A_448] : memref<2x16xi32, #tpu.memory_space<vmem>> -> memref<1x16xi32, #tpu.memory_space<vmem>>
        %dma_start3A_450 = tpu.memref_squeeze %dma_start3A_449 : memref<1x16xi32, #tpu.memory_space<vmem>> -> memref<16xi32, #tpu.memory_space<vmem>>
        %dma_start3A_451 = arith.constant 0 : i32
        %dma_start3A_452 = arith.constant 0 : i32
        %dma_start3A_453 = tpu.memref_slice %arg3[%dma_start3A_451, %dma_start3A_452] : memref<10112x288xf32, #tpu.memory_space<hbm>> -> memref<10112x288xf32, #tpu.memory_space<hbm>>
        tpu.enqueue_indirect_dma source(%dma_start3A_453 : memref<10112x288xf32, #tpu.memory_space<hbm>>) target(%dma_start3A_447 : memref<16x288xf32, #tpu.memory_space<vmem>>) offsets(%dma_start3A_450 : memref<16xi32, #tpu.memory_space<vmem>>) semaphore(%arg26 : memref<!tpu.dma_semaphore, #tpu.memory_space<semaphore_mem>>)
        %dma_start3A_454 = arith.constant 1 : i32
        %dma_start3A_455 = arith.constant 0 : i32
        %dma_start3A_456 = arith.constant 0 : i32
        %dma_start3A_457 = tpu.memref_slice %arg15[%dma_start3A_455, %dma_start3A_456] : memref<32x272xf32, #tpu.memory_space<vmem>> -> memref<16x272xf32, #tpu.memory_space<vmem>>
        %dma_start3A_458 = arith.constant 0 : i32
        %dma_start3A_459 = tpu.memref_slice %arg12[%dma_start3A_454, %dma_start3A_458] : memref<2x16xi32, #tpu.memory_space<vmem>> -> memref<1x16xi32, #tpu.memory_space<vmem>>
        %dma_start3A_460 = tpu.memref_squeeze %dma_start3A_459 : memref<1x16xi32, #tpu.memory_space<vmem>> -> memref<16xi32, #tpu.memory_space<vmem>>
        %dma_start3A_461 = arith.constant 0 : i32
        %dma_start3A_462 = arith.constant 0 : i32
        %dma_start3A_463 = tpu.memref_slice %arg4[%dma_start3A_461, %dma_start3A_462] : memref<10112x272xf32, #tpu.memory_space<hbm>> -> memref<10112x272xf32, #tpu.memory_space<hbm>>
        tpu.enqueue_indirect_dma source(%dma_start3A_463 : memref<10112x272xf32, #tpu.memory_space<hbm>>) target(%dma_start3A_457 : memref<16x272xf32, #tpu.memory_space<vmem>>) offsets(%dma_start3A_460 : memref<16xi32, #tpu.memory_space<vmem>>) semaphore(%arg28 : memref<!tpu.dma_semaphore, #tpu.memory_space<semaphore_mem>>)
        %dma_start3A_464 = arith.constant 0 : i32
        %dma_start3A_465 = arith.constant 0 : i32
        %dma_start3A_466 = tpu.memref_slice %arg16[%dma_start3A_464, %dma_start3A_465] : memref<32x128xf32, #tpu.memory_space<vmem>> -> memref<16x128xf32, #tpu.memory_space<vmem>>
        %dma_start3A_467 = arith.constant 0 : i32
        %dma_start3A_468 = tpu.memref_slice %arg5[%add3A_443, %dma_start3A_467] : memref<323584x128xf32, #tpu.memory_space<hbm>> -> memref<16x128xf32, #tpu.memory_space<hbm>>
        %dma_start3A_469 = arith.constant 0 : i32
        %dma_start3A_470 = arith.constant 0 : i32
        %dma_start3A_471 = tpu.memref_slice %arg16[%dma_start3A_469, %dma_start3A_470] : memref<32x128xf32, #tpu.memory_space<vmem>> -> memref<16x128xf32, #tpu.memory_space<vmem>>
        %dma_start3A_472 = arith.constant 0 : i32
        %dma_start3A_473 = tpu.memref_slice %arg5[%add3A_443, %dma_start3A_472] : memref<323584x128xf32, #tpu.memory_space<hbm>> -> memref<16x128xf32, #tpu.memory_space<hbm>>
        tpu.enqueue_dma source(%dma_start3A_473 : memref<16x128xf32, #tpu.memory_space<hbm>>) target(%dma_start3A_471 : memref<16x128xf32, #tpu.memory_space<vmem>>) target_semaphore(%arg30 : memref<!tpu.dma_semaphore, #tpu.memory_space<semaphore_mem>>)
        %dma_start3A_474 = arith.constant 0 : i32
        %dma_start3A_475 = arith.constant 0 : i32
        %dma_start3A_476 = tpu.memref_slice %arg17[%dma_start3A_474, %dma_start3A_475] : memref<32x128xf32, #tpu.memory_space<vmem>> -> memref<16x128xf32, #tpu.memory_space<vmem>>
        %dma_start3A_477 = arith.constant 0 : i32
        %dma_start3A_478 = tpu.memref_slice %arg6[%add3A_443, %dma_start3A_477] : memref<323584x128xf32, #tpu.memory_space<hbm>> -> memref<16x128xf32, #tpu.memory_space<hbm>>
        %dma_start3A_479 = arith.constant 0 : i32
        %dma_start3A_480 = arith.constant 0 : i32
        %dma_start3A_481 = tpu.memref_slice %arg17[%dma_start3A_479, %dma_start3A_480] : memref<32x128xf32, #tpu.memory_space<vmem>> -> memref<16x128xf32, #tpu.memory_space<vmem>>
        %dma_start3A_482 = arith.constant 0 : i32
        %dma_start3A_483 = tpu.memref_slice %arg6[%add3A_443, %dma_start3A_482] : memref<323584x128xf32, #tpu.memory_space<hbm>> -> memref<16x128xf32, #tpu.memory_space<hbm>>
        tpu.enqueue_dma source(%dma_start3A_483 : memref<16x128xf32, #tpu.memory_space<hbm>>) target(%dma_start3A_481 : memref<16x128xf32, #tpu.memory_space<vmem>>) target_semaphore(%arg30 : memref<!tpu.dma_semaphore, #tpu.memory_space<semaphore_mem>>)
        %dma_start3A_484 = arith.constant 0 : i32
        %dma_start3A_485 = arith.constant 0 : i32
        %dma_start3A_486 = tpu.memref_slice %arg18[%dma_start3A_484, %dma_start3A_485] : memref<32x128xf32, #tpu.memory_space<vmem>> -> memref<16x128xf32, #tpu.memory_space<vmem>>
        %dma_start3A_487 = arith.constant 0 : i32
        %dma_start3A_488 = tpu.memref_slice %arg7[%add3A_443, %dma_start3A_487] : memref<323584x128xf32, #tpu.memory_space<hbm>> -> memref<16x128xf32, #tpu.memory_space<hbm>>
        %dma_start3A_489 = arith.constant 0 : i32
        %dma_start3A_490 = arith.constant 0 : i32
        %dma_start3A_491 = tpu.memref_slice %arg18[%dma_start3A_489, %dma_start3A_490] : memref<32x128xf32, #tpu.memory_space<vmem>> -> memref<16x128xf32, #tpu.memory_space<vmem>>
        %dma_start3A_492 = arith.constant 0 : i32
        %dma_start3A_493 = tpu.memref_slice %arg7[%add3A_443, %dma_start3A_492] : memref<323584x128xf32, #tpu.memory_space<hbm>> -> memref<16x128xf32, #tpu.memory_space<hbm>>
        tpu.enqueue_dma source(%dma_start3A_493 : memref<16x128xf32, #tpu.memory_space<hbm>>) target(%dma_start3A_491 : memref<16x128xf32, #tpu.memory_space<vmem>>) target_semaphore(%arg30 : memref<!tpu.dma_semaphore, #tpu.memory_space<semaphore_mem>>)
        %dma_start3A_494 = arith.constant 0 : i32
        %dma_start3A_495 = arith.constant 0 : i32
        %dma_start3A_496 = tpu.memref_slice %arg19[%dma_start3A_494, %dma_start3A_495] : memref<32x16xf32, #tpu.memory_space<vmem>> -> memref<16x16xf32, #tpu.memory_space<vmem>>
        %dma_start3A_497 = arith.constant 0 : i32
        %dma_start3A_498 = tpu.memref_slice %arg8[%add3A_443, %dma_start3A_497] : memref<323584x16xf32, #tpu.memory_space<hbm>> -> memref<16x16xf32, #tpu.memory_space<hbm>>
        %dma_start3A_499 = arith.constant 0 : i32
        %dma_start3A_500 = arith.constant 0 : i32
        %dma_start3A_501 = tpu.memref_slice %arg19[%dma_start3A_499, %dma_start3A_500] : memref<32x16xf32, #tpu.memory_space<vmem>> -> memref<16x16xf32, #tpu.memory_space<vmem>>
        %dma_start3A_502 = arith.constant 0 : i32
        %dma_start3A_503 = tpu.memref_slice %arg8[%add3A_443, %dma_start3A_502] : memref<323584x16xf32, #tpu.memory_space<hbm>> -> memref<16x16xf32, #tpu.memory_space<hbm>>
        tpu.enqueue_dma source(%dma_start3A_503 : memref<16x16xf32, #tpu.memory_space<hbm>>) target(%dma_start3A_501 : memref<16x16xf32, #tpu.memory_space<vmem>>) target_semaphore(%arg30 : memref<!tpu.dma_semaphore, #tpu.memory_space<semaphore_mem>>)
      } else {
      }
      %dma_wait3A_343 = arith.constant 16 : i32
      %dma_wait3A_344 = arith.constant 0 : i32
      %dma_wait3A_345 = tpu.memref_slice %arg14[%dma_wait3A_343, %dma_wait3A_344] : memref<32x288xf32, #tpu.memory_space<vmem>> -> memref<16x288xf32, #tpu.memory_space<vmem>>
      %dma_wait3A_346 = arith.constant 0 : i32
      %dma_wait3A_347 = arith.constant 0 : i32
      %dma_wait3A_348 = tpu.memref_slice %arg3[%dma_wait3A_346, %dma_wait3A_347] : memref<10112x288xf32, #tpu.memory_space<hbm>> -> memref<16x288xf32, #tpu.memory_space<hbm>>
      %dma_wait3A_349 = arith.constant 16 : i32
      %dma_wait3A_350 = arith.constant 0 : i32
      %dma_wait3A_351 = tpu.memref_slice %arg14[%dma_wait3A_349, %dma_wait3A_350] : memref<32x288xf32, #tpu.memory_space<vmem>> -> memref<16x288xf32, #tpu.memory_space<vmem>>
      %dma_wait3A_352 = arith.constant 0 : i32
      %dma_wait3A_353 = arith.constant 0 : i32
      %dma_wait3A_354 = tpu.memref_slice %arg3[%dma_wait3A_352, %dma_wait3A_353] : memref<10112x288xf32, #tpu.memory_space<hbm>> -> memref<16x288xf32, #tpu.memory_space<hbm>>
      tpu.wait_dma2 semaphore(%arg27 : memref<!tpu.dma_semaphore, #tpu.memory_space<semaphore_mem>>) src(%dma_wait3A_354 : memref<16x288xf32, #tpu.memory_space<hbm>>) dst(%dma_wait3A_351 : memref<16x288xf32, #tpu.memory_space<vmem>>)
      %dma_wait3A_355 = arith.constant 16 : i32
      %dma_wait3A_356 = arith.constant 0 : i32
      %dma_wait3A_357 = tpu.memref_slice %arg15[%dma_wait3A_355, %dma_wait3A_356] : memref<32x272xf32, #tpu.memory_space<vmem>> -> memref<16x272xf32, #tpu.memory_space<vmem>>
      %dma_wait3A_358 = arith.constant 0 : i32
      %dma_wait3A_359 = arith.constant 0 : i32
      %dma_wait3A_360 = tpu.memref_slice %arg4[%dma_wait3A_358, %dma_wait3A_359] : memref<10112x272xf32, #tpu.memory_space<hbm>> -> memref<16x272xf32, #tpu.memory_space<hbm>>
      %dma_wait3A_361 = arith.constant 16 : i32
      %dma_wait3A_362 = arith.constant 0 : i32
      %dma_wait3A_363 = tpu.memref_slice %arg15[%dma_wait3A_361, %dma_wait3A_362] : memref<32x272xf32, #tpu.memory_space<vmem>> -> memref<16x272xf32, #tpu.memory_space<vmem>>
      %dma_wait3A_364 = arith.constant 0 : i32
      %dma_wait3A_365 = arith.constant 0 : i32
      %dma_wait3A_366 = tpu.memref_slice %arg4[%dma_wait3A_364, %dma_wait3A_365] : memref<10112x272xf32, #tpu.memory_space<hbm>> -> memref<16x272xf32, #tpu.memory_space<hbm>>
      tpu.wait_dma2 semaphore(%arg29 : memref<!tpu.dma_semaphore, #tpu.memory_space<semaphore_mem>>) src(%dma_wait3A_366 : memref<16x272xf32, #tpu.memory_space<hbm>>) dst(%dma_wait3A_363 : memref<16x272xf32, #tpu.memory_space<vmem>>)
      %dma_wait3A_367 = arith.constant 16 : i32
      %dma_wait3A_368 = arith.constant 0 : i32
      %dma_wait3A_369 = tpu.memref_slice %arg16[%dma_wait3A_367, %dma_wait3A_368] : memref<32x128xf32, #tpu.memory_space<vmem>> -> memref<16x128xf32, #tpu.memory_space<vmem>>
      %dma_wait3A_370 = arith.constant 0 : i32
      %dma_wait3A_371 = arith.constant 0 : i32
      %dma_wait3A_372 = tpu.memref_slice %arg5[%dma_wait3A_370, %dma_wait3A_371] : memref<323584x128xf32, #tpu.memory_space<hbm>> -> memref<16x128xf32, #tpu.memory_space<hbm>>
      %dma_wait3A_373 = arith.constant 16 : i32
      %dma_wait3A_374 = arith.constant 0 : i32
      %dma_wait3A_375 = tpu.memref_slice %arg16[%dma_wait3A_373, %dma_wait3A_374] : memref<32x128xf32, #tpu.memory_space<vmem>> -> memref<16x128xf32, #tpu.memory_space<vmem>>
      %dma_wait3A_376 = arith.constant 0 : i32
      %dma_wait3A_377 = arith.constant 0 : i32
      %dma_wait3A_378 = tpu.memref_slice %arg5[%dma_wait3A_376, %dma_wait3A_377] : memref<323584x128xf32, #tpu.memory_space<hbm>> -> memref<16x128xf32, #tpu.memory_space<hbm>>
      tpu.wait_dma2 semaphore(%arg31 : memref<!tpu.dma_semaphore, #tpu.memory_space<semaphore_mem>>) src(%dma_wait3A_378 : memref<16x128xf32, #tpu.memory_space<hbm>>) dst(%dma_wait3A_375 : memref<16x128xf32, #tpu.memory_space<vmem>>)
      %dma_wait3A_379 = arith.constant 16 : i32
      %dma_wait3A_380 = arith.constant 0 : i32
      %dma_wait3A_381 = tpu.memref_slice %arg17[%dma_wait3A_379, %dma_wait3A_380] : memref<32x128xf32, #tpu.memory_space<vmem>> -> memref<16x128xf32, #tpu.memory_space<vmem>>
      %dma_wait3A_382 = arith.constant 0 : i32
      %dma_wait3A_383 = arith.constant 0 : i32
      %dma_wait3A_384 = tpu.memref_slice %arg6[%dma_wait3A_382, %dma_wait3A_383] : memref<323584x128xf32, #tpu.memory_space<hbm>> -> memref<16x128xf32, #tpu.memory_space<hbm>>
      %dma_wait3A_385 = arith.constant 16 : i32
      %dma_wait3A_386 = arith.constant 0 : i32
      %dma_wait3A_387 = tpu.memref_slice %arg17[%dma_wait3A_385, %dma_wait3A_386] : memref<32x128xf32, #tpu.memory_space<vmem>> -> memref<16x128xf32, #tpu.memory_space<vmem>>
      %dma_wait3A_388 = arith.constant 0 : i32
      %dma_wait3A_389 = arith.constant 0 : i32
      %dma_wait3A_390 = tpu.memref_slice %arg6[%dma_wait3A_388, %dma_wait3A_389] : memref<323584x128xf32, #tpu.memory_space<hbm>> -> memref<16x128xf32, #tpu.memory_space<hbm>>
      tpu.wait_dma2 semaphore(%arg31 : memref<!tpu.dma_semaphore, #tpu.memory_space<semaphore_mem>>) src(%dma_wait3A_390 : memref<16x128xf32, #tpu.memory_space<hbm>>) dst(%dma_wait3A_387 : memref<16x128xf32, #tpu.memory_space<vmem>>)
      %dma_wait3A_391 = arith.constant 16 : i32
      %dma_wait3A_392 = arith.constant 0 : i32
      %dma_wait3A_393 = tpu.memref_slice %arg18[%dma_wait3A_391, %dma_wait3A_392] : memref<32x128xf32, #tpu.memory_space<vmem>> -> memref<16x128xf32, #tpu.memory_space<vmem>>
      %dma_wait3A_394 = arith.constant 0 : i32
      %dma_wait3A_395 = arith.constant 0 : i32
      %dma_wait3A_396 = tpu.memref_slice %arg7[%dma_wait3A_394, %dma_wait3A_395] : memref<323584x128xf32, #tpu.memory_space<hbm>> -> memref<16x128xf32, #tpu.memory_space<hbm>>
      %dma_wait3A_397 = arith.constant 16 : i32
      %dma_wait3A_398 = arith.constant 0 : i32
      %dma_wait3A_399 = tpu.memref_slice %arg18[%dma_wait3A_397, %dma_wait3A_398] : memref<32x128xf32, #tpu.memory_space<vmem>> -> memref<16x128xf32, #tpu.memory_space<vmem>>
      %dma_wait3A_400 = arith.constant 0 : i32
      %dma_wait3A_401 = arith.constant 0 : i32
      %dma_wait3A_402 = tpu.memref_slice %arg7[%dma_wait3A_400, %dma_wait3A_401] : memref<323584x128xf32, #tpu.memory_space<hbm>> -> memref<16x128xf32, #tpu.memory_space<hbm>>
      tpu.wait_dma2 semaphore(%arg31 : memref<!tpu.dma_semaphore, #tpu.memory_space<semaphore_mem>>) src(%dma_wait3A_402 : memref<16x128xf32, #tpu.memory_space<hbm>>) dst(%dma_wait3A_399 : memref<16x128xf32, #tpu.memory_space<vmem>>)
      %dma_wait3A_403 = arith.constant 16 : i32
      %dma_wait3A_404 = arith.constant 0 : i32
      %dma_wait3A_405 = tpu.memref_slice %arg19[%dma_wait3A_403, %dma_wait3A_404] : memref<32x16xf32, #tpu.memory_space<vmem>> -> memref<16x16xf32, #tpu.memory_space<vmem>>
      %dma_wait3A_406 = arith.constant 0 : i32
      %dma_wait3A_407 = arith.constant 0 : i32
      %dma_wait3A_408 = tpu.memref_slice %arg8[%dma_wait3A_406, %dma_wait3A_407] : memref<323584x16xf32, #tpu.memory_space<hbm>> -> memref<16x16xf32, #tpu.memory_space<hbm>>
      %dma_wait3A_409 = arith.constant 16 : i32
      %dma_wait3A_410 = arith.constant 0 : i32
      %dma_wait3A_411 = tpu.memref_slice %arg19[%dma_wait3A_409, %dma_wait3A_410] : memref<32x16xf32, #tpu.memory_space<vmem>> -> memref<16x16xf32, #tpu.memory_space<vmem>>
      %dma_wait3A_412 = arith.constant 0 : i32
      %dma_wait3A_413 = arith.constant 0 : i32
      %dma_wait3A_414 = tpu.memref_slice %arg8[%dma_wait3A_412, %dma_wait3A_413] : memref<323584x16xf32, #tpu.memory_space<hbm>> -> memref<16x16xf32, #tpu.memory_space<hbm>>
      tpu.wait_dma2 semaphore(%arg31 : memref<!tpu.dma_semaphore, #tpu.memory_space<semaphore_mem>>) src(%dma_wait3A_414 : memref<16x16xf32, #tpu.memory_space<hbm>>) dst(%dma_wait3A_411 : memref<16x16xf32, #tpu.memory_space<vmem>>)
      %scan3A_415 = arith.constant 0 : i32
      %scan3A_416 = arith.constant 0 : i32
      %scan3A_417 = arith.constant 16 : i32
      %scan3A_418 = arith.addi %scan3A_416, %scan3A_417 : i32
      %scan3A_419 = arith.constant 1 : i32
      %scan3A_420 = scf.for %scan3A_431 = %scan3A_416 to %scan3A_418 step %scan3A_419 iter_args(%scan3A_432 = %scan3A_415) -> (i32)  : i32 {
        %add3A_433 = arith.constant 16 : i32
        %add3A_434 = arith.addi %add3A_433, %scan3A_431 : i32
        %get3A_435 = arith.index_cast %add3A_434 : i32 to index
        %get3A_436 = arith.constant 272 : index
        %get3A_437 = tpu.vector_load %arg14[%get3A_435, %get3A_436] {strides = array<i32>} : memref<32x288xf32, #tpu.memory_space<vmem>>, vector<16xf32>,
        %get3A_438 = arith.index_cast %add3A_434 : i32 to index
        %get3A_439 = arith.constant 256 : index
        %get3A_440 = tpu.vector_load %arg15[%get3A_438, %get3A_439] {strides = array<i32>} : memref<32x272xf32, #tpu.memory_space<vmem>>, vector<16xf32>,
        %get3A_441 = arith.index_cast %add3A_434 : i32 to index
        %get3A_442 = arith.constant 0 : index
        %get3A_443 = tpu.vector_load %arg19[%get3A_441, %get3A_442] {strides = array<i32>} : memref<32x16xf32, #tpu.memory_space<vmem>>, vector<16xf32>,
        %slice3A = vector.extract_strided_slice %get3A_443 {offsets = [0], sizes = [1], strides = [1]} : vector<16xf32> to vector<1xf32>
        %squeeze3A = vector.extract %slice3A[0] : f32 from vector<1xf32>
        %slice3A_444 = vector.extract_strided_slice %get3A_437 {offsets = [8], sizes = [1], strides = [1]} : vector<16xf32> to vector<1xf32>
        %squeeze3A_445 = vector.extract %slice3A_444[0] : f32 from vector<1xf32>
        %add3A_446 = arith.addf %squeeze3A, %squeeze3A_445 : f32
        %slice3A_447 = vector.extract_strided_slice %get3A_440 {offsets = [0], sizes = [1], strides = [1]} : vector<16xf32> to vector<1xf32>
        %squeeze3A_448 = vector.extract %slice3A_447[0] : f32 from vector<1xf32>
        %add3A_449 = arith.addf %add3A_446, %squeeze3A_448 : f32
        %mul3A_450 = arith.constant 0.0036764706 : f32
        %mul3A_451 = arith.mulf %add3A_449, %mul3A_450 : f32
        %broadcast_in_dim3A = vector.broadcast %mul3A_451 : f32 to vector<16xf32>
        %slice3A_452 = vector.extract_strided_slice %get3A_443 {offsets = [1], sizes = [1], strides = [1]} : vector<16xf32> to vector<1xf32>
        %squeeze3A_453 = vector.extract %slice3A_452[0] : f32 from vector<1xf32>
        %slice3A_454 = vector.extract_strided_slice %get3A_437 {offsets = [9], sizes = [1], strides = [1]} : vector<16xf32> to vector<1xf32>
        %squeeze3A_455 = vector.extract %slice3A_454[0] : f32 from vector<1xf32>
        %add3A_456 = arith.addf %squeeze3A_453, %squeeze3A_455 : f32
        %slice3A_457 = vector.extract_strided_slice %get3A_440 {offsets = [1], sizes = [1], strides = [1]} : vector<16xf32> to vector<1xf32>
        %squeeze3A_458 = vector.extract %slice3A_457[0] : f32 from vector<1xf32>
        %add3A_459 = arith.addf %add3A_456, %squeeze3A_458 : f32
        %mul3A_460 = arith.constant 0.0036764706 : f32
        %mul3A_461 = arith.mulf %add3A_459, %mul3A_460 : f32
        %broadcast_in_dim3A_462 = vector.broadcast %mul3A_461 : f32 to vector<16xf32>
        %mul3A_463 = arith.mulf %broadcast_in_dim3A, %broadcast_in_dim3A : vector<16xf32>
        %sub3A = arith.subf %broadcast_in_dim3A_462, %mul3A_463 : vector<16xf32>
        %add3A_464 = arith.constant 9.99999974E-6 : f32
        %add3A_465 = vector.broadcast %add3A_464 : f32 to vector<16xf32>
        %add3A_466 = arith.addf %sub3A, %add3A_465 : vector<16xf32>
        %bitcast_convert_type3A = tpu.bitcast %add3A_466 : vector<16xf32> -> vector<16xi32>
        %shift_right_arithmetic3A = arith.constant 1 : i32
        %shift_right_arithmetic3A_467 = vector.broadcast %shift_right_arithmetic3A : i32 to vector<16xi32>
        %shift_right_arithmetic3A_468 = arith.shrsi %bitcast_convert_type3A, %shift_right_arithmetic3A_467 : vector<16xi32>
        %sub3A_469 = arith.constant 1597463007 : i32
        %sub3A_470 = vector.broadcast %sub3A_469 : i32 to vector<16xi32>
        %sub3A_471 = arith.subi %sub3A_470, %shift_right_arithmetic3A_468 : vector<16xi32>
        %bitcast_convert_type3A_472 = tpu.bitcast %sub3A_471 : vector<16xi32> -> vector<16xf32>
        %mul3A_473 = arith.constant 5.000000e-01 : f32
        %mul3A_474 = vector.broadcast %mul3A_473 : f32 to vector<16xf32>
        %mul3A_475 = arith.mulf %mul3A_474, %add3A_466 : vector<16xf32>
        %mul3A_476 = arith.mulf %mul3A_475, %bitcast_convert_type3A_472 : vector<16xf32>
        %mul3A_477 = arith.mulf %mul3A_476, %bitcast_convert_type3A_472 : vector<16xf32>
        %sub3A_478 = arith.constant 1.500000e+00 : f32
        %sub3A_479 = vector.broadcast %sub3A_478 : f32 to vector<16xf32>
        %sub3A_480 = arith.subf %sub3A_479, %mul3A_477 : vector<16xf32>
        %mul3A_481 = arith.mulf %bitcast_convert_type3A_472, %sub3A_480 : vector<16xf32>
        %mul3A_482 = arith.constant 5.000000e-01 : f32
        %mul3A_483 = vector.broadcast %mul3A_482 : f32 to vector<16xf32>
        %mul3A_484 = arith.mulf %mul3A_483, %add3A_466 : vector<16xf32>
        %mul3A_485 = arith.mulf %mul3A_484, %mul3A_481 : vector<16xf32>
        %mul3A_486 = arith.mulf %mul3A_485, %mul3A_481 : vector<16xf32>
        %sub3A_487 = arith.constant 1.500000e+00 : f32
        %sub3A_488 = vector.broadcast %sub3A_487 : f32 to vector<16xf32>
        %sub3A_489 = arith.subf %sub3A_488, %mul3A_486 : vector<16xf32>
        %mul3A_490 = arith.mulf %mul3A_481, %sub3A_489 : vector<16xf32>
        %mul3A_491 = arith.constant 5.000000e-01 : f32
        %mul3A_492 = vector.broadcast %mul3A_491 : f32 to vector<16xf32>
        %mul3A_493 = arith.mulf %mul3A_492, %add3A_466 : vector<16xf32>
        %mul3A_494 = arith.mulf %mul3A_493, %mul3A_490 : vector<16xf32>
        %mul3A_495 = arith.mulf %mul3A_494, %mul3A_490 : vector<16xf32>
        %sub3A_496 = arith.constant 1.500000e+00 : f32
        %sub3A_497 = vector.broadcast %sub3A_496 : f32 to vector<16xf32>
        %sub3A_498 = arith.subf %sub3A_497, %mul3A_495 : vector<16xf32>
        %mul3A_499 = arith.mulf %mul3A_490, %sub3A_498 : vector<16xf32>
        %broadcast_in_dim3A_500 = arith.constant 0.000000e+00 : f32
        %broadcast_in_dim3A_501 = vector.broadcast %broadcast_in_dim3A_500 : f32 to vector<16xf32>
        %get3A_502 = arith.index_cast %add3A_434 : i32 to index
        %get3A_503 = arith.constant 0 : index
        %get3A_504 = tpu.vector_load %arg14[%get3A_502, %get3A_503] {strides = array<i32>} : memref<32x288xf32, #tpu.memory_space<vmem>>, vector<16xf32>,
        %get3A_505 = arith.index_cast %add3A_434 : i32 to index
        %get3A_506 = arith.constant 0 : index
        %get3A_507 = tpu.vector_load %arg16[%get3A_505, %get3A_506] {strides = array<i32>} : memref<32x128xf32, #tpu.memory_space<vmem>>, vector<16xf32>,
        %get3A_508 = arith.index_cast %add3A_434 : i32 to index
        %get3A_509 = arith.constant 0 : index
        %get3A_510 = tpu.vector_load %arg15[%get3A_508, %get3A_509] {strides = array<i32>} : memref<32x272xf32, #tpu.memory_space<vmem>>, vector<16xf32>,
        %add3A_511 = arith.addf %get3A_507, %get3A_510 : vector<16xf32>
        %mul3A_512 = arith.mulf %get3A_504, %add3A_511 : vector<16xf32>
        %reduce_sum3A = arith.constant true
        %reduce_sum3A_513 = vector.broadcast %reduce_sum3A : i1 to vector<16xi1>
        %reduce_sum3A_514 = tpu.scan <sum>, %mul3A_512 masked %reduce_sum3A_513 : vector<16xf32>, vector<16xi1> -> vector<16xf32>
        %reduce_sum3A_515 = vector.extract %reduce_sum3A_514[15] : f32 from vector<16xf32>
        %eq3A = arith.constant 0 : i32
        %eq3A_516 = vector.broadcast %eq3A : i32 to vector<16xi32>
        %eq3A_517 = arith.cmpi eq, %iota3A, %eq3A_516 : vector<16xi32>
        %broadcast_in_dim3A_518 = vector.broadcast %reduce_sum3A_515 : f32 to vector<16xf32>
        %select_n3A = arith.select %eq3A_517, %broadcast_in_dim3A_518, %broadcast_in_dim3A_501 : vector<16xi1>, vector<16xf32>
        %get3A_519 = arith.index_cast %add3A_434 : i32 to index
        %get3A_520 = arith.constant 16 : index
        %get3A_521 = tpu.vector_load %arg14[%get3A_519, %get3A_520] {strides = array<i32>} : memref<32x288xf32, #tpu.memory_space<vmem>>, vector<16xf32>,
        %get3A_522 = arith.index_cast %add3A_434 : i32 to index
        %get3A_523 = arith.constant 16 : index
        %get3A_524 = tpu.vector_load %arg16[%get3A_522, %get3A_523] {strides = array<i32>} : memref<32x128xf32, #tpu.memory_space<vmem>>, vector<16xf32>,
        %get3A_525 = arith.index_cast %add3A_434 : i32 to index
        %get3A_526 = arith.constant 16 : index
        %get3A_527 = tpu.vector_load %arg15[%get3A_525, %get3A_526] {strides = array<i32>} : memref<32x272xf32, #tpu.memory_space<vmem>>, vector<16xf32>,
        %add3A_528 = arith.addf %get3A_524, %get3A_527 : vector<16xf32>
        %mul3A_529 = arith.mulf %get3A_521, %add3A_528 : vector<16xf32>
        %reduce_sum3A_530 = arith.constant true
        %reduce_sum3A_531 = vector.broadcast %reduce_sum3A_530 : i1 to vector<16xi1>
        %reduce_sum3A_532 = tpu.scan <sum>, %mul3A_529 masked %reduce_sum3A_531 : vector<16xf32>, vector<16xi1> -> vector<16xf32>
        %reduce_sum3A_533 = vector.extract %reduce_sum3A_532[15] : f32 from vector<16xf32>
        %eq3A_534 = arith.constant 1 : i32
        %eq3A_535 = vector.broadcast %eq3A_534 : i32 to vector<16xi32>
        %eq3A_536 = arith.cmpi eq, %iota3A, %eq3A_535 : vector<16xi32>
        %broadcast_in_dim3A_537 = vector.broadcast %reduce_sum3A_533 : f32 to vector<16xf32>
        %select_n3A_538 = arith.select %eq3A_536, %broadcast_in_dim3A_537, %select_n3A : vector<16xi1>, vector<16xf32>
        %get3A_539 = arith.index_cast %add3A_434 : i32 to index
        %get3A_540 = arith.constant 32 : index
        %get3A_541 = tpu.vector_load %arg14[%get3A_539, %get3A_540] {strides = array<i32>} : memref<32x288xf32, #tpu.memory_space<vmem>>, vector<16xf32>,
        %get3A_542 = arith.index_cast %add3A_434 : i32 to index
        %get3A_543 = arith.constant 32 : index
        %get3A_544 = tpu.vector_load %arg16[%get3A_542, %get3A_543] {strides = array<i32>} : memref<32x128xf32, #tpu.memory_space<vmem>>, vector<16xf32>,
        %get3A_545 = arith.index_cast %add3A_434 : i32 to index
        %get3A_546 = arith.constant 32 : index
        %get3A_547 = tpu.vector_load %arg15[%get3A_545, %get3A_546] {strides = array<i32>} : memref<32x272xf32, #tpu.memory_space<vmem>>, vector<16xf32>,
        %add3A_548 = arith.addf %get3A_544, %get3A_547 : vector<16xf32>
        %mul3A_549 = arith.mulf %get3A_541, %add3A_548 : vector<16xf32>
        %reduce_sum3A_550 = arith.constant true
        %reduce_sum3A_551 = vector.broadcast %reduce_sum3A_550 : i1 to vector<16xi1>
        %reduce_sum3A_552 = tpu.scan <sum>, %mul3A_549 masked %reduce_sum3A_551 : vector<16xf32>, vector<16xi1> -> vector<16xf32>
        %reduce_sum3A_553 = vector.extract %reduce_sum3A_552[15] : f32 from vector<16xf32>
        %eq3A_554 = arith.constant 2 : i32
        %eq3A_555 = vector.broadcast %eq3A_554 : i32 to vector<16xi32>
        %eq3A_556 = arith.cmpi eq, %iota3A, %eq3A_555 : vector<16xi32>
        %broadcast_in_dim3A_557 = vector.broadcast %reduce_sum3A_553 : f32 to vector<16xf32>
        %select_n3A_558 = arith.select %eq3A_556, %broadcast_in_dim3A_557, %select_n3A_538 : vector<16xi1>, vector<16xf32>
        %get3A_559 = arith.index_cast %add3A_434 : i32 to index
        %get3A_560 = arith.constant 48 : index
        %get3A_561 = tpu.vector_load %arg14[%get3A_559, %get3A_560] {strides = array<i32>} : memref<32x288xf32, #tpu.memory_space<vmem>>, vector<16xf32>,
        %get3A_562 = arith.index_cast %add3A_434 : i32 to index
        %get3A_563 = arith.constant 48 : index
        %get3A_564 = tpu.vector_load %arg16[%get3A_562, %get3A_563] {strides = array<i32>} : memref<32x128xf32, #tpu.memory_space<vmem>>, vector<16xf32>,
        %get3A_565 = arith.index_cast %add3A_434 : i32 to index
        %get3A_566 = arith.constant 48 : index
        %get3A_567 = tpu.vector_load %arg15[%get3A_565, %get3A_566] {strides = array<i32>} : memref<32x272xf32, #tpu.memory_space<vmem>>, vector<16xf32>,
        %add3A_568 = arith.addf %get3A_564, %get3A_567 : vector<16xf32>
        %mul3A_569 = arith.mulf %get3A_561, %add3A_568 : vector<16xf32>
        %reduce_sum3A_570 = arith.constant true
        %reduce_sum3A_571 = vector.broadcast %reduce_sum3A_570 : i1 to vector<16xi1>
        %reduce_sum3A_572 = tpu.scan <sum>, %mul3A_569 masked %reduce_sum3A_571 : vector<16xf32>, vector<16xi1> -> vector<16xf32>
        %reduce_sum3A_573 = vector.extract %reduce_sum3A_572[15] : f32 from vector<16xf32>
        %eq3A_574 = arith.constant 3 : i32
        %eq3A_575 = vector.broadcast %eq3A_574 : i32 to vector<16xi32>
        %eq3A_576 = arith.cmpi eq, %iota3A, %eq3A_575 : vector<16xi32>
        %broadcast_in_dim3A_577 = vector.broadcast %reduce_sum3A_573 : f32 to vector<16xf32>
        %select_n3A_578 = arith.select %eq3A_576, %broadcast_in_dim3A_577, %select_n3A_558 : vector<16xi1>, vector<16xf32>
        %get3A_579 = arith.index_cast %add3A_434 : i32 to index
        %get3A_580 = arith.constant 64 : index
        %get3A_581 = tpu.vector_load %arg14[%get3A_579, %get3A_580] {strides = array<i32>} : memref<32x288xf32, #tpu.memory_space<vmem>>, vector<16xf32>,
        %get3A_582 = arith.index_cast %add3A_434 : i32 to index
        %get3A_583 = arith.constant 64 : index
        %get3A_584 = tpu.vector_load %arg16[%get3A_582, %get3A_583] {strides = array<i32>} : memref<32x128xf32, #tpu.memory_space<vmem>>, vector<16xf32>,
        %get3A_585 = arith.index_cast %add3A_434 : i32 to index
        %get3A_586 = arith.constant 64 : index
        %get3A_587 = tpu.vector_load %arg15[%get3A_585, %get3A_586] {strides = array<i32>} : memref<32x272xf32, #tpu.memory_space<vmem>>, vector<16xf32>,
        %add3A_588 = arith.addf %get3A_584, %get3A_587 : vector<16xf32>
        %mul3A_589 = arith.mulf %get3A_581, %add3A_588 : vector<16xf32>
        %reduce_sum3A_590 = arith.constant true
        %reduce_sum3A_591 = vector.broadcast %reduce_sum3A_590 : i1 to vector<16xi1>
        %reduce_sum3A_592 = tpu.scan <sum>, %mul3A_589 masked %reduce_sum3A_591 : vector<16xf32>, vector<16xi1> -> vector<16xf32>
        %reduce_sum3A_593 = vector.extract %reduce_sum3A_592[15] : f32 from vector<16xf32>
        %eq3A_594 = arith.constant 4 : i32
        %eq3A_595 = vector.broadcast %eq3A_594 : i32 to vector<16xi32>
        %eq3A_596 = arith.cmpi eq, %iota3A, %eq3A_595 : vector<16xi32>
        %broadcast_in_dim3A_597 = vector.broadcast %reduce_sum3A_593 : f32 to vector<16xf32>
        %select_n3A_598 = arith.select %eq3A_596, %broadcast_in_dim3A_597, %select_n3A_578 : vector<16xi1>, vector<16xf32>
        %get3A_599 = arith.index_cast %add3A_434 : i32 to index
        %get3A_600 = arith.constant 80 : index
        %get3A_601 = tpu.vector_load %arg14[%get3A_599, %get3A_600] {strides = array<i32>} : memref<32x288xf32, #tpu.memory_space<vmem>>, vector<16xf32>,
        %get3A_602 = arith.index_cast %add3A_434 : i32 to index
        %get3A_603 = arith.constant 80 : index
        %get3A_604 = tpu.vector_load %arg16[%get3A_602, %get3A_603] {strides = array<i32>} : memref<32x128xf32, #tpu.memory_space<vmem>>, vector<16xf32>,
        %get3A_605 = arith.index_cast %add3A_434 : i32 to index
        %get3A_606 = arith.constant 80 : index
        %get3A_607 = tpu.vector_load %arg15[%get3A_605, %get3A_606] {strides = array<i32>} : memref<32x272xf32, #tpu.memory_space<vmem>>, vector<16xf32>,
        %add3A_608 = arith.addf %get3A_604, %get3A_607 : vector<16xf32>
        %mul3A_609 = arith.mulf %get3A_601, %add3A_608 : vector<16xf32>
        %reduce_sum3A_610 = arith.constant true
        %reduce_sum3A_611 = vector.broadcast %reduce_sum3A_610 : i1 to vector<16xi1>
        %reduce_sum3A_612 = tpu.scan <sum>, %mul3A_609 masked %reduce_sum3A_611 : vector<16xf32>, vector<16xi1> -> vector<16xf32>
        %reduce_sum3A_613 = vector.extract %reduce_sum3A_612[15] : f32 from vector<16xf32>
        %eq3A_614 = arith.constant 5 : i32
        %eq3A_615 = vector.broadcast %eq3A_614 : i32 to vector<16xi32>
        %eq3A_616 = arith.cmpi eq, %iota3A, %eq3A_615 : vector<16xi32>
        %broadcast_in_dim3A_617 = vector.broadcast %reduce_sum3A_613 : f32 to vector<16xf32>
        %select_n3A_618 = arith.select %eq3A_616, %broadcast_in_dim3A_617, %select_n3A_598 : vector<16xi1>, vector<16xf32>
        %get3A_619 = arith.index_cast %add3A_434 : i32 to index
        %get3A_620 = arith.constant 96 : index
        %get3A_621 = tpu.vector_load %arg14[%get3A_619, %get3A_620] {strides = array<i32>} : memref<32x288xf32, #tpu.memory_space<vmem>>, vector<16xf32>,
        %get3A_622 = arith.index_cast %add3A_434 : i32 to index
        %get3A_623 = arith.constant 96 : index
        %get3A_624 = tpu.vector_load %arg16[%get3A_622, %get3A_623] {strides = array<i32>} : memref<32x128xf32, #tpu.memory_space<vmem>>, vector<16xf32>,
        %get3A_625 = arith.index_cast %add3A_434 : i32 to index
        %get3A_626 = arith.constant 96 : index
        %get3A_627 = tpu.vector_load %arg15[%get3A_625, %get3A_626] {strides = array<i32>} : memref<32x272xf32, #tpu.memory_space<vmem>>, vector<16xf32>,
        %add3A_628 = arith.addf %get3A_624, %get3A_627 : vector<16xf32>
        %mul3A_629 = arith.mulf %get3A_621, %add3A_628 : vector<16xf32>
        %reduce_sum3A_630 = arith.constant true
        %reduce_sum3A_631 = vector.broadcast %reduce_sum3A_630 : i1 to vector<16xi1>
        %reduce_sum3A_632 = tpu.scan <sum>, %mul3A_629 masked %reduce_sum3A_631 : vector<16xf32>, vector<16xi1> -> vector<16xf32>
        %reduce_sum3A_633 = vector.extract %reduce_sum3A_632[15] : f32 from vector<16xf32>
        %eq3A_634 = arith.constant 6 : i32
        %eq3A_635 = vector.broadcast %eq3A_634 : i32 to vector<16xi32>
        %eq3A_636 = arith.cmpi eq, %iota3A, %eq3A_635 : vector<16xi32>
        %broadcast_in_dim3A_637 = vector.broadcast %reduce_sum3A_633 : f32 to vector<16xf32>
        %select_n3A_638 = arith.select %eq3A_636, %broadcast_in_dim3A_637, %select_n3A_618 : vector<16xi1>, vector<16xf32>
        %get3A_639 = arith.index_cast %add3A_434 : i32 to index
        %get3A_640 = arith.constant 112 : index
        %get3A_641 = tpu.vector_load %arg14[%get3A_639, %get3A_640] {strides = array<i32>} : memref<32x288xf32, #tpu.memory_space<vmem>>, vector<16xf32>,
        %get3A_642 = arith.index_cast %add3A_434 : i32 to index
        %get3A_643 = arith.constant 112 : index
        %get3A_644 = tpu.vector_load %arg16[%get3A_642, %get3A_643] {strides = array<i32>} : memref<32x128xf32, #tpu.memory_space<vmem>>, vector<16xf32>,
        %get3A_645 = arith.index_cast %add3A_434 : i32 to index
        %get3A_646 = arith.constant 112 : index
        %get3A_647 = tpu.vector_load %arg15[%get3A_645, %get3A_646] {strides = array<i32>} : memref<32x272xf32, #tpu.memory_space<vmem>>, vector<16xf32>,
        %add3A_648 = arith.addf %get3A_644, %get3A_647 : vector<16xf32>
        %mul3A_649 = arith.mulf %get3A_641, %add3A_648 : vector<16xf32>
        %reduce_sum3A_650 = arith.constant true
        %reduce_sum3A_651 = vector.broadcast %reduce_sum3A_650 : i1 to vector<16xi1>
        %reduce_sum3A_652 = tpu.scan <sum>, %mul3A_649 masked %reduce_sum3A_651 : vector<16xf32>, vector<16xi1> -> vector<16xf32>
        %reduce_sum3A_653 = vector.extract %reduce_sum3A_652[15] : f32 from vector<16xf32>
        %eq3A_654 = arith.constant 7 : i32
        %eq3A_655 = vector.broadcast %eq3A_654 : i32 to vector<16xi32>
        %eq3A_656 = arith.cmpi eq, %iota3A, %eq3A_655 : vector<16xi32>
        %broadcast_in_dim3A_657 = vector.broadcast %reduce_sum3A_653 : f32 to vector<16xf32>
        %select_n3A_658 = arith.select %eq3A_656, %broadcast_in_dim3A_657, %select_n3A_638 : vector<16xi1>, vector<16xf32>
        %get3A_659 = arith.index_cast %add3A_434 : i32 to index
        %get3A_660 = arith.constant 256 : index
        %get3A_661 = tpu.vector_load %arg14[%get3A_659, %get3A_660] {strides = array<i32>} : memref<32x288xf32, #tpu.memory_space<vmem>>, vector<16xf32>,
        %add3A_662 = arith.addf %select_n3A_658, %get3A_661 : vector<16xf32>
        %mul3A_663 = arith.mulf %broadcast_in_dim3A, %get3A_437 : vector<16xf32>
        %sub3A_664 = arith.subf %add3A_662, %mul3A_663 : vector<16xf32>
        %mul3A_665 = arith.mulf %sub3A_664, %mul3A_499 : vector<16xf32>
        %lt3A_666 = arith.constant 8 : i32
        %lt3A_667 = vector.broadcast %lt3A_666 : i32 to vector<16xi32>
        %lt3A_668 = arith.cmpi slt, %iota3A, %lt3A_667 : vector<16xi32>
        %exp3A = math.exp %mul3A_665 : vector<16xf32>
        %jit3A = arith.constant 0.000000e+00 : f32
        %broadcast_in_dim3A_669 = vector.broadcast %jit3A : f32 to vector<16xf32>
        %select_n3A_670 = arith.select %lt3A_668, %exp3A, %broadcast_in_dim3A_669 : vector<16xi1>, vector<16xf32>
        %swap3A = arith.index_cast %add3A_434 : i32 to index
        %swap3A_671 = arith.constant 128 : index
        %swap3A_672 = tpu.vector_load %arg20[%swap3A, %swap3A_671] {strides = array<i32>} : memref<32x144xf32, #tpu.memory_space<vmem>>, vector<16xf32>,
        tpu.vector_store %arg20[%swap3A, %swap3A_671], %select_n3A_670 {strides = array<i32>} : memref<32x144xf32, #tpu.memory_space<vmem>>, vector<16xf32>,
        %mul3A_673 = arith.mulf %mul3A_499, %broadcast_in_dim3A : vector<16xf32>
        %get3A_674 = arith.index_cast %add3A_434 : i32 to index
        %get3A_675 = arith.constant 0 : index
        %get3A_676 = tpu.vector_load %arg17[%get3A_674, %get3A_675] {strides = array<i32>} : memref<32x128xf32, #tpu.memory_space<vmem>>, vector<16xf32>,
        %get3A_677 = arith.index_cast %add3A_434 : i32 to index
        %get3A_678 = arith.constant 128 : index
        %get3A_679 = tpu.vector_load %arg15[%get3A_677, %get3A_678] {strides = array<i32>} : memref<32x272xf32, #tpu.memory_space<vmem>>, vector<16xf32>,
        %add3A_680 = arith.addf %get3A_676, %get3A_679 : vector<16xf32>
        %get3A_681 = arith.index_cast %add3A_434 : i32 to index
        %get3A_682 = arith.constant 128 : index
        %get3A_683 = tpu.vector_load %arg14[%get3A_681, %get3A_682] {strides = array<i32>} : memref<32x288xf32, #tpu.memory_space<vmem>>, vector<16xf32>,
        %add3A_684 = arith.addf %add3A_680, %get3A_683 : vector<16xf32>
        %mul3A_685 = arith.mulf %mul3A_499, %add3A_684 : vector<16xf32>
        %mul3A_686 = arith.mulf %mul3A_673, %get3A_89 : vector<16xf32>
        %sub3A_687 = arith.subf %mul3A_685, %mul3A_686 : vector<16xf32>
        %add3A_688 = arith.addf %sub3A_687, %get3A_121 : vector<16xf32>
        %slice3A_689 = vector.extract_strided_slice %select_n3A_670 {offsets = [0], sizes = [1], strides = [1]} : vector<16xf32> to vector<1xf32>
        %squeeze3A_690 = vector.extract %slice3A_689[0] : f32 from vector<1xf32>
        %broadcast_in_dim3A_691 = vector.broadcast %squeeze3A_690 : f32 to vector<16xf32>
        %get3A_692 = arith.index_cast %add3A_434 : i32 to index
        %get3A_693 = arith.constant 0 : index
        %get3A_694 = tpu.vector_load %arg18[%get3A_692, %get3A_693] {strides = array<i32>} : memref<32x128xf32, #tpu.memory_space<vmem>>, vector<16xf32>,
        %mul3A_695 = arith.mulf %broadcast_in_dim3A_691, %get3A_694 : vector<16xf32>
        %mul3A_696 = arith.mulf %mul3A_695, %add3A_688 : vector<16xf32>
        %swap3A_697 = arith.index_cast %add3A_434 : i32 to index
        %swap3A_698 = arith.constant 0 : index
        %swap3A_699 = tpu.vector_load %arg20[%swap3A_697, %swap3A_698] {strides = array<i32>} : memref<32x144xf32, #tpu.memory_space<vmem>>, vector<16xf32>,
        tpu.vector_store %arg20[%swap3A_697, %swap3A_698], %mul3A_696 {strides = array<i32>} : memref<32x144xf32, #tpu.memory_space<vmem>>, vector<16xf32>,
        %get3A_700 = arith.index_cast %add3A_434 : i32 to index
        %get3A_701 = arith.constant 16 : index
        %get3A_702 = tpu.vector_load %arg17[%get3A_700, %get3A_701] {strides = array<i32>} : memref<32x128xf32, #tpu.memory_space<vmem>>, vector<16xf32>,
        %get3A_703 = arith.index_cast %add3A_434 : i32 to index
        %get3A_704 = arith.constant 144 : index
        %get3A_705 = tpu.vector_load %arg15[%get3A_703, %get3A_704] {strides = array<i32>} : memref<32x272xf32, #tpu.memory_space<vmem>>, vector<16xf32>,
        %add3A_706 = arith.addf %get3A_702, %get3A_705 : vector<16xf32>
        %get3A_707 = arith.index_cast %add3A_434 : i32 to index
        %get3A_708 = arith.constant 144 : index
        %get3A_709 = tpu.vector_load %arg14[%get3A_707, %get3A_708] {strides = array<i32>} : memref<32x288xf32, #tpu.memory_space<vmem>>, vector<16xf32>,
        %add3A_710 = arith.addf %add3A_706, %get3A_709 : vector<16xf32>
        %mul3A_711 = arith.mulf %mul3A_499, %add3A_710 : vector<16xf32>
        %mul3A_712 = arith.mulf %mul3A_673, %get3A_93 : vector<16xf32>
        %sub3A_713 = arith.subf %mul3A_711, %mul3A_712 : vector<16xf32>
        %add3A_714 = arith.addf %sub3A_713, %get3A_125 : vector<16xf32>
        %slice3A_715 = vector.extract_strided_slice %select_n3A_670 {offsets = [1], sizes = [1], strides = [1]} : vector<16xf32> to vector<1xf32>
        %squeeze3A_716 = vector.extract %slice3A_715[0] : f32 from vector<1xf32>
        %broadcast_in_dim3A_717 = vector.broadcast %squeeze3A_716 : f32 to vector<16xf32>
        %get3A_718 = arith.index_cast %add3A_434 : i32 to index
        %get3A_719 = arith.constant 16 : index
        %get3A_720 = tpu.vector_load %arg18[%get3A_718, %get3A_719] {strides = array<i32>} : memref<32x128xf32, #tpu.memory_space<vmem>>, vector<16xf32>,
        %mul3A_721 = arith.mulf %broadcast_in_dim3A_717, %get3A_720 : vector<16xf32>
        %mul3A_722 = arith.mulf %mul3A_721, %add3A_714 : vector<16xf32>
        %swap3A_723 = arith.index_cast %add3A_434 : i32 to index
        %swap3A_724 = arith.constant 16 : index
        %swap3A_725 = tpu.vector_load %arg20[%swap3A_723, %swap3A_724] {strides = array<i32>} : memref<32x144xf32, #tpu.memory_space<vmem>>, vector<16xf32>,
        tpu.vector_store %arg20[%swap3A_723, %swap3A_724], %mul3A_722 {strides = array<i32>} : memref<32x144xf32, #tpu.memory_space<vmem>>, vector<16xf32>,
        %get3A_726 = arith.index_cast %add3A_434 : i32 to index
        %get3A_727 = arith.constant 32 : index
        %get3A_728 = tpu.vector_load %arg17[%get3A_726, %get3A_727] {strides = array<i32>} : memref<32x128xf32, #tpu.memory_space<vmem>>, vector<16xf32>,
        %get3A_729 = arith.index_cast %add3A_434 : i32 to index
        %get3A_730 = arith.constant 160 : index
        %get3A_731 = tpu.vector_load %arg15[%get3A_729, %get3A_730] {strides = array<i32>} : memref<32x272xf32, #tpu.memory_space<vmem>>, vector<16xf32>,
        %add3A_732 = arith.addf %get3A_728, %get3A_731 : vector<16xf32>
        %get3A_733 = arith.index_cast %add3A_434 : i32 to index
        %get3A_734 = arith.constant 160 : index
        %get3A_735 = tpu.vector_load %arg14[%get3A_733, %get3A_734] {strides = array<i32>} : memref<32x288xf32, #tpu.memory_space<vmem>>, vector<16xf32>,
        %add3A_736 = arith.addf %add3A_732, %get3A_735 : vector<16xf32>
        %mul3A_737 = arith.mulf %mul3A_499, %add3A_736 : vector<16xf32>
        %mul3A_738 = arith.mulf %mul3A_673, %get3A_97 : vector<16xf32>
        %sub3A_739 = arith.subf %mul3A_737, %mul3A_738 : vector<16xf32>
        %add3A_740 = arith.addf %sub3A_739, %get3A_129 : vector<16xf32>
        %slice3A_741 = vector.extract_strided_slice %select_n3A_670 {offsets = [2], sizes = [1], strides = [1]} : vector<16xf32> to vector<1xf32>
        %squeeze3A_742 = vector.extract %slice3A_741[0] : f32 from vector<1xf32>
        %broadcast_in_dim3A_743 = vector.broadcast %squeeze3A_742 : f32 to vector<16xf32>
        %get3A_744 = arith.index_cast %add3A_434 : i32 to index
        %get3A_745 = arith.constant 32 : index
        %get3A_746 = tpu.vector_load %arg18[%get3A_744, %get3A_745] {strides = array<i32>} : memref<32x128xf32, #tpu.memory_space<vmem>>, vector<16xf32>,
        %mul3A_747 = arith.mulf %broadcast_in_dim3A_743, %get3A_746 : vector<16xf32>
        %mul3A_748 = arith.mulf %mul3A_747, %add3A_740 : vector<16xf32>
        %swap3A_749 = arith.index_cast %add3A_434 : i32 to index
        %swap3A_750 = arith.constant 32 : index
        %swap3A_751 = tpu.vector_load %arg20[%swap3A_749, %swap3A_750] {strides = array<i32>} : memref<32x144xf32, #tpu.memory_space<vmem>>, vector<16xf32>,
        tpu.vector_store %arg20[%swap3A_749, %swap3A_750], %mul3A_748 {strides = array<i32>} : memref<32x144xf32, #tpu.memory_space<vmem>>, vector<16xf32>,
        %get3A_752 = arith.index_cast %add3A_434 : i32 to index
        %get3A_753 = arith.constant 48 : index
        %get3A_754 = tpu.vector_load %arg17[%get3A_752, %get3A_753] {strides = array<i32>} : memref<32x128xf32, #tpu.memory_space<vmem>>, vector<16xf32>,
        %get3A_755 = arith.index_cast %add3A_434 : i32 to index
        %get3A_756 = arith.constant 176 : index
        %get3A_757 = tpu.vector_load %arg15[%get3A_755, %get3A_756] {strides = array<i32>} : memref<32x272xf32, #tpu.memory_space<vmem>>, vector<16xf32>,
        %add3A_758 = arith.addf %get3A_754, %get3A_757 : vector<16xf32>
        %get3A_759 = arith.index_cast %add3A_434 : i32 to index
        %get3A_760 = arith.constant 176 : index
        %get3A_761 = tpu.vector_load %arg14[%get3A_759, %get3A_760] {strides = array<i32>} : memref<32x288xf32, #tpu.memory_space<vmem>>, vector<16xf32>,
        %add3A_762 = arith.addf %add3A_758, %get3A_761 : vector<16xf32>
        %mul3A_763 = arith.mulf %mul3A_499, %add3A_762 : vector<16xf32>
        %mul3A_764 = arith.mulf %mul3A_673, %get3A_101 : vector<16xf32>
        %sub3A_765 = arith.subf %mul3A_763, %mul3A_764 : vector<16xf32>
        %add3A_766 = arith.addf %sub3A_765, %get3A_133 : vector<16xf32>
        %slice3A_767 = vector.extract_strided_slice %select_n3A_670 {offsets = [3], sizes = [1], strides = [1]} : vector<16xf32> to vector<1xf32>
        %squeeze3A_768 = vector.extract %slice3A_767[0] : f32 from vector<1xf32>
        %broadcast_in_dim3A_769 = vector.broadcast %squeeze3A_768 : f32 to vector<16xf32>
        %get3A_770 = arith.index_cast %add3A_434 : i32 to index
        %get3A_771 = arith.constant 48 : index
        %get3A_772 = tpu.vector_load %arg18[%get3A_770, %get3A_771] {strides = array<i32>} : memref<32x128xf32, #tpu.memory_space<vmem>>, vector<16xf32>,
        %mul3A_773 = arith.mulf %broadcast_in_dim3A_769, %get3A_772 : vector<16xf32>
        %mul3A_774 = arith.mulf %mul3A_773, %add3A_766 : vector<16xf32>
        %swap3A_775 = arith.index_cast %add3A_434 : i32 to index
        %swap3A_776 = arith.constant 48 : index
        %swap3A_777 = tpu.vector_load %arg20[%swap3A_775, %swap3A_776] {strides = array<i32>} : memref<32x144xf32, #tpu.memory_space<vmem>>, vector<16xf32>,
        tpu.vector_store %arg20[%swap3A_775, %swap3A_776], %mul3A_774 {strides = array<i32>} : memref<32x144xf32, #tpu.memory_space<vmem>>, vector<16xf32>,
        %get3A_778 = arith.index_cast %add3A_434 : i32 to index
        %get3A_779 = arith.constant 64 : index
        %get3A_780 = tpu.vector_load %arg17[%get3A_778, %get3A_779] {strides = array<i32>} : memref<32x128xf32, #tpu.memory_space<vmem>>, vector<16xf32>,
        %get3A_781 = arith.index_cast %add3A_434 : i32 to index
        %get3A_782 = arith.constant 192 : index
        %get3A_783 = tpu.vector_load %arg15[%get3A_781, %get3A_782] {strides = array<i32>} : memref<32x272xf32, #tpu.memory_space<vmem>>, vector<16xf32>,
        %add3A_784 = arith.addf %get3A_780, %get3A_783 : vector<16xf32>
        %get3A_785 = arith.index_cast %add3A_434 : i32 to index
        %get3A_786 = arith.constant 192 : index
        %get3A_787 = tpu.vector_load %arg14[%get3A_785, %get3A_786] {strides = array<i32>} : memref<32x288xf32, #tpu.memory_space<vmem>>, vector<16xf32>,
        %add3A_788 = arith.addf %add3A_784, %get3A_787 : vector<16xf32>
        %mul3A_789 = arith.mulf %mul3A_499, %add3A_788 : vector<16xf32>
        %mul3A_790 = arith.mulf %mul3A_673, %get3A_105 : vector<16xf32>
        %sub3A_791 = arith.subf %mul3A_789, %mul3A_790 : vector<16xf32>
        %add3A_792 = arith.addf %sub3A_791, %get3A_137 : vector<16xf32>
        %slice3A_793 = vector.extract_strided_slice %select_n3A_670 {offsets = [4], sizes = [1], strides = [1]} : vector<16xf32> to vector<1xf32>
        %squeeze3A_794 = vector.extract %slice3A_793[0] : f32 from vector<1xf32>
        %broadcast_in_dim3A_795 = vector.broadcast %squeeze3A_794 : f32 to vector<16xf32>
        %get3A_796 = arith.index_cast %add3A_434 : i32 to index
        %get3A_797 = arith.constant 64 : index
        %get3A_798 = tpu.vector_load %arg18[%get3A_796, %get3A_797] {strides = array<i32>} : memref<32x128xf32, #tpu.memory_space<vmem>>, vector<16xf32>,
        %mul3A_799 = arith.mulf %broadcast_in_dim3A_795, %get3A_798 : vector<16xf32>
        %mul3A_800 = arith.mulf %mul3A_799, %add3A_792 : vector<16xf32>
        %swap3A_801 = arith.index_cast %add3A_434 : i32 to index
        %swap3A_802 = arith.constant 64 : index
        %swap3A_803 = tpu.vector_load %arg20[%swap3A_801, %swap3A_802] {strides = array<i32>} : memref<32x144xf32, #tpu.memory_space<vmem>>, vector<16xf32>,
        tpu.vector_store %arg20[%swap3A_801, %swap3A_802], %mul3A_800 {strides = array<i32>} : memref<32x144xf32, #tpu.memory_space<vmem>>, vector<16xf32>,
        %get3A_804 = arith.index_cast %add3A_434 : i32 to index
        %get3A_805 = arith.constant 80 : index
        %get3A_806 = tpu.vector_load %arg17[%get3A_804, %get3A_805] {strides = array<i32>} : memref<32x128xf32, #tpu.memory_space<vmem>>, vector<16xf32>,
        %get3A_807 = arith.index_cast %add3A_434 : i32 to index
        %get3A_808 = arith.constant 208 : index
        %get3A_809 = tpu.vector_load %arg15[%get3A_807, %get3A_808] {strides = array<i32>} : memref<32x272xf32, #tpu.memory_space<vmem>>, vector<16xf32>,
        %add3A_810 = arith.addf %get3A_806, %get3A_809 : vector<16xf32>
        %get3A_811 = arith.index_cast %add3A_434 : i32 to index
        %get3A_812 = arith.constant 208 : index
        %get3A_813 = tpu.vector_load %arg14[%get3A_811, %get3A_812] {strides = array<i32>} : memref<32x288xf32, #tpu.memory_space<vmem>>, vector<16xf32>,
        %add3A_814 = arith.addf %add3A_810, %get3A_813 : vector<16xf32>
        %mul3A_815 = arith.mulf %mul3A_499, %add3A_814 : vector<16xf32>
        %mul3A_816 = arith.mulf %mul3A_673, %get3A_109 : vector<16xf32>
        %sub3A_817 = arith.subf %mul3A_815, %mul3A_816 : vector<16xf32>
        %add3A_818 = arith.addf %sub3A_817, %get3A_141 : vector<16xf32>
        %slice3A_819 = vector.extract_strided_slice %select_n3A_670 {offsets = [5], sizes = [1], strides = [1]} : vector<16xf32> to vector<1xf32>
        %squeeze3A_820 = vector.extract %slice3A_819[0] : f32 from vector<1xf32>
        %broadcast_in_dim3A_821 = vector.broadcast %squeeze3A_820 : f32 to vector<16xf32>
        %get3A_822 = arith.index_cast %add3A_434 : i32 to index
        %get3A_823 = arith.constant 80 : index
        %get3A_824 = tpu.vector_load %arg18[%get3A_822, %get3A_823] {strides = array<i32>} : memref<32x128xf32, #tpu.memory_space<vmem>>, vector<16xf32>,
        %mul3A_825 = arith.mulf %broadcast_in_dim3A_821, %get3A_824 : vector<16xf32>
        %mul3A_826 = arith.mulf %mul3A_825, %add3A_818 : vector<16xf32>
        %swap3A_827 = arith.index_cast %add3A_434 : i32 to index
        %swap3A_828 = arith.constant 80 : index
        %swap3A_829 = tpu.vector_load %arg20[%swap3A_827, %swap3A_828] {strides = array<i32>} : memref<32x144xf32, #tpu.memory_space<vmem>>, vector<16xf32>,
        tpu.vector_store %arg20[%swap3A_827, %swap3A_828], %mul3A_826 {strides = array<i32>} : memref<32x144xf32, #tpu.memory_space<vmem>>, vector<16xf32>,
        %get3A_830 = arith.index_cast %add3A_434 : i32 to index
        %get3A_831 = arith.constant 96 : index
        %get3A_832 = tpu.vector_load %arg17[%get3A_830, %get3A_831] {strides = array<i32>} : memref<32x128xf32, #tpu.memory_space<vmem>>, vector<16xf32>,
        %get3A_833 = arith.index_cast %add3A_434 : i32 to index
        %get3A_834 = arith.constant 224 : index
        %get3A_835 = tpu.vector_load %arg15[%get3A_833, %get3A_834] {strides = array<i32>} : memref<32x272xf32, #tpu.memory_space<vmem>>, vector<16xf32>,
        %add3A_836 = arith.addf %get3A_832, %get3A_835 : vector<16xf32>
        %get3A_837 = arith.index_cast %add3A_434 : i32 to index
        %get3A_838 = arith.constant 224 : index
        %get3A_839 = tpu.vector_load %arg14[%get3A_837, %get3A_838] {strides = array<i32>} : memref<32x288xf32, #tpu.memory_space<vmem>>, vector<16xf32>,
        %add3A_840 = arith.addf %add3A_836, %get3A_839 : vector<16xf32>
        %mul3A_841 = arith.mulf %mul3A_499, %add3A_840 : vector<16xf32>
        %mul3A_842 = arith.mulf %mul3A_673, %get3A_113 : vector<16xf32>
        %sub3A_843 = arith.subf %mul3A_841, %mul3A_842 : vector<16xf32>
        %add3A_844 = arith.addf %sub3A_843, %get3A_145 : vector<16xf32>
        %slice3A_845 = vector.extract_strided_slice %select_n3A_670 {offsets = [6], sizes = [1], strides = [1]} : vector<16xf32> to vector<1xf32>
        %squeeze3A_846 = vector.extract %slice3A_845[0] : f32 from vector<1xf32>
        %broadcast_in_dim3A_847 = vector.broadcast %squeeze3A_846 : f32 to vector<16xf32>
        %get3A_848 = arith.index_cast %add3A_434 : i32 to index
        %get3A_849 = arith.constant 96 : index
        %get3A_850 = tpu.vector_load %arg18[%get3A_848, %get3A_849] {strides = array<i32>} : memref<32x128xf32, #tpu.memory_space<vmem>>, vector<16xf32>,
        %mul3A_851 = arith.mulf %broadcast_in_dim3A_847, %get3A_850 : vector<16xf32>
        %mul3A_852 = arith.mulf %mul3A_851, %add3A_844 : vector<16xf32>
        %swap3A_853 = arith.index_cast %add3A_434 : i32 to index
        %swap3A_854 = arith.constant 96 : index
        %swap3A_855 = tpu.vector_load %arg20[%swap3A_853, %swap3A_854] {strides = array<i32>} : memref<32x144xf32, #tpu.memory_space<vmem>>, vector<16xf32>,
        tpu.vector_store %arg20[%swap3A_853, %swap3A_854], %mul3A_852 {strides = array<i32>} : memref<32x144xf32, #tpu.memory_space<vmem>>, vector<16xf32>,
        %get3A_856 = arith.index_cast %add3A_434 : i32 to index
        %get3A_857 = arith.constant 112 : index
        %get3A_858 = tpu.vector_load %arg17[%get3A_856, %get3A_857] {strides = array<i32>} : memref<32x128xf32, #tpu.memory_space<vmem>>, vector<16xf32>,
        %get3A_859 = arith.index_cast %add3A_434 : i32 to index
        %get3A_860 = arith.constant 240 : index
        %get3A_861 = tpu.vector_load %arg15[%get3A_859, %get3A_860] {strides = array<i32>} : memref<32x272xf32, #tpu.memory_space<vmem>>, vector<16xf32>,
        %add3A_862 = arith.addf %get3A_858, %get3A_861 : vector<16xf32>
        %get3A_863 = arith.index_cast %add3A_434 : i32 to index
        %get3A_864 = arith.constant 240 : index
        %get3A_865 = tpu.vector_load %arg14[%get3A_863, %get3A_864] {strides = array<i32>} : memref<32x288xf32, #tpu.memory_space<vmem>>, vector<16xf32>,
        %add3A_866 = arith.addf %add3A_862, %get3A_865 : vector<16xf32>
        %mul3A_867 = arith.mulf %mul3A_499, %add3A_866 : vector<16xf32>
        %mul3A_868 = arith.mulf %mul3A_673, %get3A_117 : vector<16xf32>
        %sub3A_869 = arith.subf %mul3A_867, %mul3A_868 : vector<16xf32>
        %add3A_870 = arith.addf %sub3A_869, %get3A_149 : vector<16xf32>
        %slice3A_871 = vector.extract_strided_slice %select_n3A_670 {offsets = [7], sizes = [1], strides = [1]} : vector<16xf32> to vector<1xf32>
        %squeeze3A_872 = vector.extract %slice3A_871[0] : f32 from vector<1xf32>
        %broadcast_in_dim3A_873 = vector.broadcast %squeeze3A_872 : f32 to vector<16xf32>
        %get3A_874 = arith.index_cast %add3A_434 : i32 to index
        %get3A_875 = arith.constant 112 : index
        %get3A_876 = tpu.vector_load %arg18[%get3A_874, %get3A_875] {strides = array<i32>} : memref<32x128xf32, #tpu.memory_space<vmem>>, vector<16xf32>,
        %mul3A_877 = arith.mulf %broadcast_in_dim3A_873, %get3A_876 : vector<16xf32>
        %mul3A_878 = arith.mulf %mul3A_877, %add3A_870 : vector<16xf32>
        %swap3A_879 = arith.index_cast %add3A_434 : i32 to index
        %swap3A_880 = arith.constant 112 : index
        %swap3A_881 = tpu.vector_load %arg20[%swap3A_879, %swap3A_880] {strides = array<i32>} : memref<32x144xf32, #tpu.memory_space<vmem>>, vector<16xf32>,
        tpu.vector_store %arg20[%swap3A_879, %swap3A_880], %mul3A_878 {strides = array<i32>} : memref<32x144xf32, #tpu.memory_space<vmem>>, vector<16xf32>,
        %scan3A_882 = arith.constant 0 : i32
        scf.yield %scan3A_882 : i32
      }
      %scan3A_421 = arith.constant 16 : i32
      %run_scoped3A_422 = arith.constant 0 : i32
      "tpu.region"() ({
        %run_scoped3A_431 = tpu.sem_alloc : memref<!tpu.dma_semaphore, #tpu.memory_space<semaphore_mem>>
        %dma_start3A_432 = arith.constant 16 : i32
        %dma_start3A_433 = arith.constant 0 : i32
        %dma_start3A_434 = tpu.memref_slice %arg20[%dma_start3A_432, %dma_start3A_433] : memref<32x144xf32, #tpu.memory_space<vmem>> -> memref<16x144xf32, #tpu.memory_space<vmem>>
        %dma_start3A_435 = arith.constant 0 : i32
        %dma_start3A_436 = tpu.memref_slice %arg13[%run_scoped3A_422, %dma_start3A_435] : memref<2x16xi32, #tpu.memory_space<vmem>> -> memref<1x16xi32, #tpu.memory_space<vmem>>
        %dma_start3A_437 = tpu.memref_squeeze %dma_start3A_436 : memref<1x16xi32, #tpu.memory_space<vmem>> -> memref<16xi32, #tpu.memory_space<vmem>>
        %dma_start3A_438 = arith.constant 0 : i32
        %dma_start3A_439 = arith.constant 0 : i32
        %dma_start3A_440 = tpu.memref_slice %arg23[%dma_start3A_438, %dma_start3A_439] : memref<10112x144xf32, #tpu.memory_space<vmem_shared>> -> memref<10112x144xf32, #tpu.memory_space<vmem_shared>>
        tpu.enqueue_indirect_dma source(%dma_start3A_434 : memref<16x144xf32, #tpu.memory_space<vmem>>) target(%dma_start3A_440 : memref<10112x144xf32, #tpu.memory_space<vmem_shared>>) offsets(%dma_start3A_437 : memref<16xi32, #tpu.memory_space<vmem>>) semaphore(%run_scoped3A_431 : memref<!tpu.dma_semaphore, #tpu.memory_space<semaphore_mem>>) {add = true}
        %dma_wait3A_441 = arith.constant 16 : i32
        %dma_wait3A_442 = arith.constant 0 : i32
        %dma_wait3A_443 = tpu.memref_slice %arg20[%dma_wait3A_441, %dma_wait3A_442] : memref<32x144xf32, #tpu.memory_space<vmem>> -> memref<16x144xf32, #tpu.memory_space<vmem>>
        %dma_wait3A_444 = arith.constant 0 : i32
        %dma_wait3A_445 = tpu.memref_slice %arg13[%run_scoped3A_422, %dma_wait3A_444] : memref<2x16xi32, #tpu.memory_space<vmem>> -> memref<1x16xi32, #tpu.memory_space<vmem>>
        %dma_wait3A_446 = tpu.memref_squeeze %dma_wait3A_445 : memref<1x16xi32, #tpu.memory_space<vmem>> -> memref<16xi32, #tpu.memory_space<vmem>>
        %dma_wait3A_447 = arith.constant 0 : i32
        %dma_wait3A_448 = arith.constant 0 : i32
        %dma_wait3A_449 = tpu.memref_slice %arg23[%dma_wait3A_447, %dma_wait3A_448] : memref<10112x144xf32, #tpu.memory_space<vmem_shared>> -> memref<10112x144xf32, #tpu.memory_space<vmem_shared>>
        tpu.wait_indirect_dma semaphore(%run_scoped3A_431 : memref<!tpu.dma_semaphore, #tpu.memory_space<semaphore_mem>>) src(%dma_wait3A_443 : memref<16x144xf32, #tpu.memory_space<vmem>>) dst(%dma_wait3A_449 : memref<10112x144xf32, #tpu.memory_space<vmem_shared>>)
        tpu.yield
      }) : () -> ()
      %add3A_423 = arith.constant 2 : i32
      %add3A_424 = arith.addi %add3A_335, %add3A_423 : i32
      %lt3A_425 = arith.constant 632 : i32
      %lt3A_426 = arith.cmpi slt, %add3A_424, %lt3A_425 : i32
      %convert_element_type3A_427 = arith.extui %lt3A_426 : i1 to i32
      %cond3A_428 = arith.constant 0 : i32
      %cond3A_429 = arith.cmpi ne, %convert_element_type3A_427, %cond3A_428 : i32
      scf.if %cond3A_429 {
        %add3A_431 = arith.addi %mul3A_151, %add3A_335 : i32
        %add3A_432 = arith.constant 2 : i32
        %add3A_433 = arith.addi %add3A_431, %add3A_432 : i32
        %dma_start3A_434 = arith.constant 0 : i32
        %dma_start3A_435 = arith.constant 0 : i32
        %dma_start3A_436 = tpu.memref_slice %arg2[%add3A_433, %dma_start3A_434, %dma_start3A_435] : memref<20224x2x16xi32, #tpu.memory_space<hbm>> -> memref<1x2x16xi32, #tpu.memory_space<hbm>>
        %dma_start3A_437 = tpu.memref_squeeze %dma_start3A_436 : memref<1x2x16xi32, #tpu.memory_space<hbm>> -> memref<2x16xi32, #tpu.memory_space<hbm>>
        %dma_start3A_438 = arith.constant 0 : i32
        %dma_start3A_439 = arith.constant 0 : i32
        %dma_start3A_440 = tpu.memref_slice %arg2[%add3A_433, %dma_start3A_438, %dma_start3A_439] : memref<20224x2x16xi32, #tpu.memory_space<hbm>> -> memref<1x2x16xi32, #tpu.memory_space<hbm>>
        %dma_start3A_441 = tpu.memref_squeeze %dma_start3A_440 : memref<1x2x16xi32, #tpu.memory_space<hbm>> -> memref<2x16xi32, #tpu.memory_space<hbm>>
        tpu.enqueue_dma source(%dma_start3A_441 : memref<2x16xi32, #tpu.memory_space<hbm>>) target(%arg13 : memref<2x16xi32, #tpu.memory_space<vmem>>) target_semaphore(%arg25 : memref<!tpu.dma_semaphore, #tpu.memory_space<semaphore_mem>>)
      } else {
      }
      %scan3A_430 = arith.constant 0 : i32
      scf.yield %scan3A_430 : i32
    }
    %scan3A_231 = arith.constant 316 : i32
    %barrier3A_232 = arith.constant 0 : index
    tpu.barrier barrier_id(%barrier3A_232)
    %mul3A_233 = arith.constant 632 : i32
    %mul3A_234 = arith.muli %arg1, %mul3A_233 : i32
    %mul3A_235 = arith.constant 632 : i32
    %mul3A_236 = arith.muli %arg1, %mul3A_235 : i32
    "tpu.region"() ({
      %run_scoped3A = tpu.sem_alloc : memref<!tpu.dma_semaphore, #tpu.memory_space<semaphore_mem>>
      %dma_start3A_237 = arith.constant 0 : i32
      %dma_start3A_238 = tpu.memref_slice %arg11[%arg0, %mul3A_236, %dma_start3A_237] : memref<2x10112x144xf32, #tpu.memory_space<hbm>> -> memref<1x632x144xf32, #tpu.memory_space<hbm>>
      %dma_start3A_239 = tpu.memref_squeeze %dma_start3A_238 : memref<1x632x144xf32, #tpu.memory_space<hbm>> -> memref<632x144xf32, #tpu.memory_space<hbm>>
      %dma_start3A_240 = arith.constant 0 : i32
      %dma_start3A_241 = tpu.memref_slice %arg23[%mul3A_234, %dma_start3A_240] : memref<10112x144xf32, #tpu.memory_space<vmem_shared>> -> memref<632x144xf32, #tpu.memory_space<vmem_shared>>
      tpu.enqueue_dma source(%dma_start3A_241 : memref<632x144xf32, #tpu.memory_space<vmem_shared>>) target(%dma_start3A_239 : memref<632x144xf32, #tpu.memory_space<hbm>>) target_semaphore(%run_scoped3A : memref<!tpu.dma_semaphore, #tpu.memory_space<semaphore_mem>>)
      %dma_wait3A = arith.constant 0 : i32
      %dma_wait3A_242 = tpu.memref_slice %arg11[%arg0, %mul3A_236, %dma_wait3A] : memref<2x10112x144xf32, #tpu.memory_space<hbm>> -> memref<1x632x144xf32, #tpu.memory_space<hbm>>
      %dma_wait3A_243 = tpu.memref_squeeze %dma_wait3A_242 : memref<1x632x144xf32, #tpu.memory_space<hbm>> -> memref<632x144xf32, #tpu.memory_space<hbm>>
      %dma_wait3A_244 = arith.constant 0 : i32
      %dma_wait3A_245 = tpu.memref_slice %arg23[%mul3A_234, %dma_wait3A_244] : memref<10112x144xf32, #tpu.memory_space<vmem_shared>> -> memref<632x144xf32, #tpu.memory_space<vmem_shared>>
      tpu.wait_dma2 semaphore(%run_scoped3A : memref<!tpu.dma_semaphore, #tpu.memory_space<semaphore_mem>>) src(%dma_wait3A_245 : memref<632x144xf32, #tpu.memory_space<vmem_shared>>) dst(%dma_wait3A_243 : memref<632x144xf32, #tpu.memory_space<hbm>>)
      tpu.yield
    }) : () -> ()
    return
  }
}

module attributes {stable_mosaic.version = 14 : i64} {
  func.func @_a1_body(%arg0: i32, %arg1: memref<1000x128xf32, #tpu.memory_space<vmem>>, %arg2: memref<1000x128xf32, #tpu.memory_space<vmem>>, %arg3: memref<128x128xf32, #tpu.memory_space<vmem>>, %arg4: memref<1x128xf32, #tpu.memory_space<vmem>>, %arg5: memref<128x128xf32, #tpu.memory_space<vmem>>, %arg6: memref<128x128xf32, #tpu.memory_space<vmem>>, %arg7: memref<128x128xf32, #tpu.memory_space<vmem>>, %arg8: memref<128x128xf32, #tpu.memory_space<vmem>>, %arg9: memref<1x128xf32, #tpu.memory_space<vmem>>, %arg10: memref<128x8xf32, #tpu.memory_space<vmem>>, %arg11: memref<1000x288xf32, #tpu.memory_space<vmem>>, %arg12: memref<1000x272xf32, #tpu.memory_space<vmem>>) attributes {dimension_semantics = [#tpu.dimension_semantics<arbitrary>], iteration_bounds = array<i64: 10>, scalar_prefetch = 0 : i64, scratch_operands = 0 : i64, tpu.core_type = #tpu.core_type<tc>, window_params = [{transform_indices = @transform_0, window_bounds = array<i64: 1000, 128>}, {transform_indices = @transform_1, window_bounds = array<i64: 1000, 128>}, {pipeline_mode = #tpu.pipeline_mode<synchronous>, transform_indices = @transform_2, window_bounds = array<i64: 128, 128>}, {pipeline_mode = #tpu.pipeline_mode<synchronous>, transform_indices = @transform_3, window_bounds = array<i64: 1, 128>}, {pipeline_mode = #tpu.pipeline_mode<synchronous>, transform_indices = @transform_4, window_bounds = array<i64: 128, 128>}, {pipeline_mode = #tpu.pipeline_mode<synchronous>, transform_indices = @transform_5, window_bounds = array<i64: 128, 128>}, {pipeline_mode = #tpu.pipeline_mode<synchronous>, transform_indices = @transform_6, window_bounds = array<i64: 128, 128>}, {pipeline_mode = #tpu.pipeline_mode<synchronous>, transform_indices = @transform_7, window_bounds = array<i64: 128, 128>}, {pipeline_mode = #tpu.pipeline_mode<synchronous>, transform_indices = @transform_8, window_bounds = array<i64: 1, 128>}, {pipeline_mode = #tpu.pipeline_mode<synchronous>, transform_indices = @transform_9, window_bounds = array<i64: 128, 8>}, {transform_indices = @transform_10, window_bounds = array<i64: 1000, 288>}, {transform_indices = @transform_11, window_bounds = array<i64: 1000, 272>}]} {
    %get3A = arith.constant 0 : index
    %get3A_0 = arith.constant 0 : index
    %get3A_1 = vector.load %arg1[%get3A, %get3A_0] : memref<1000x128xf32, #tpu.memory_space<vmem>>, vector<1000x128xf32>
    %get3A_2 = arith.constant 0 : index
    %get3A_3 = arith.constant 0 : index
    %get3A_4 = vector.load %arg2[%get3A_2, %get3A_3] : memref<1000x128xf32, #tpu.memory_space<vmem>>, vector<1000x128xf32>
    %get3A_5 = arith.constant 0 : index
    %get3A_6 = arith.constant 0 : index
    %get3A_7 = vector.load %arg10[%get3A_5, %get3A_6] : memref<128x8xf32, #tpu.memory_space<vmem>>, vector<128x8xf32>
    %get3A_8 = arith.constant 0 : index
    %get3A_9 = arith.constant 0 : index
    %get3A_10 = vector.load %arg3[%get3A_8, %get3A_9] : memref<128x128xf32, #tpu.memory_space<vmem>>, vector<128x128xf32>
    %dot_general3A = arith.constant dense<0.000000e+00> : vector<1000x128xf32>
    %dot_general3A_11 = tpu.matmul %get3A_1, %get3A_10, %dot_general3A {dimension_numbers = #tpu.dot_dimension_numbers<[1], [0], [0], [1], [0, 0, 1, 1], [], []>, transpose_lhs_hint = false} : vector<1000x128xf32>, vector<128x128xf32>, vector<1000x128xf32> -> vector<1000x128xf32>
    %get3A_12 = arith.constant 0 : index
    %get3A_13 = arith.constant 0 : index
    %get3A_14 = vector.load %arg4[%get3A_12, %get3A_13] : memref<1x128xf32, #tpu.memory_space<vmem>>, vector<1x128xf32>
    %add3A = vector.broadcast %get3A_14 : vector<1x128xf32> to vector<1000x128xf32>
    %add3A_15 = arith.addf %dot_general3A_11, %add3A : vector<1000x128xf32>
    %get3A_16 = arith.constant 0 : index
    %get3A_17 = arith.constant 0 : index
    %get3A_18 = vector.load %arg5[%get3A_16, %get3A_17] : memref<128x128xf32, #tpu.memory_space<vmem>>, vector<128x128xf32>
    %dot_general3A_19 = arith.constant dense<0.000000e+00> : vector<1000x128xf32>
    %dot_general3A_20 = tpu.matmul %get3A_1, %get3A_18, %dot_general3A_19 {dimension_numbers = #tpu.dot_dimension_numbers<[1], [0], [0], [1], [0, 0, 1, 1], [], []>, transpose_lhs_hint = false} : vector<1000x128xf32>, vector<128x128xf32>, vector<1000x128xf32> -> vector<1000x128xf32>
    %get3A_21 = arith.constant 0 : index
    %get3A_22 = arith.constant 0 : index
    %get3A_23 = vector.load %arg6[%get3A_21, %get3A_22] : memref<128x128xf32, #tpu.memory_space<vmem>>, vector<128x128xf32>
    %dot_general3A_24 = arith.constant dense<0.000000e+00> : vector<1000x128xf32>
    %dot_general3A_25 = tpu.matmul %get3A_1, %get3A_23, %dot_general3A_24 {dimension_numbers = #tpu.dot_dimension_numbers<[1], [0], [0], [1], [0, 0, 1, 1], [], []>, transpose_lhs_hint = false} : vector<1000x128xf32>, vector<128x128xf32>, vector<1000x128xf32> -> vector<1000x128xf32>
    %get3A_26 = arith.constant 0 : index
    %get3A_27 = arith.constant 0 : index
    %get3A_28 = vector.load %arg7[%get3A_26, %get3A_27] : memref<128x128xf32, #tpu.memory_space<vmem>>, vector<128x128xf32>
    %dot_general3A_29 = arith.constant dense<0.000000e+00> : vector<1000x128xf32>
    %dot_general3A_30 = tpu.matmul %get3A_4, %get3A_28, %dot_general3A_29 {dimension_numbers = #tpu.dot_dimension_numbers<[1], [0], [0], [1], [0, 0, 1, 1], [], []>, transpose_lhs_hint = false} : vector<1000x128xf32>, vector<128x128xf32>, vector<1000x128xf32> -> vector<1000x128xf32>
    %get3A_31 = arith.constant 0 : index
    %get3A_32 = arith.constant 0 : index
    %get3A_33 = vector.load %arg8[%get3A_31, %get3A_32] : memref<128x128xf32, #tpu.memory_space<vmem>>, vector<128x128xf32>
    %dot_general3A_34 = arith.constant dense<0.000000e+00> : vector<1000x128xf32>
    %dot_general3A_35 = tpu.matmul %get3A_4, %get3A_33, %dot_general3A_34 {dimension_numbers = #tpu.dot_dimension_numbers<[1], [0], [0], [1], [0, 0, 1, 1], [], []>, transpose_lhs_hint = false} : vector<1000x128xf32>, vector<128x128xf32>, vector<1000x128xf32> -> vector<1000x128xf32>
    %mul3A = arith.mulf %add3A_15, %dot_general3A_20 : vector<1000x128xf32>
    %dot_general3A_36 = arith.constant dense<0.000000e+00> : vector<1000x8xf32>
    %dot_general3A_37 = tpu.matmul %mul3A, %get3A_7, %dot_general3A_36 {dimension_numbers = #tpu.dot_dimension_numbers<[1], [0], [0], [1], [0, 0, 1, 1], [], []>, transpose_lhs_hint = false} : vector<1000x128xf32>, vector<128x8xf32>, vector<1000x8xf32> -> vector<1000x8xf32>
    %get3A_38 = arith.constant 0 : index
    %get3A_39 = arith.constant 0 : index
    %get3A_40 = vector.load %arg9[%get3A_38, %get3A_39] : memref<1x128xf32, #tpu.memory_space<vmem>>, vector<1x128xf32>
    %mul3A_41 = vector.broadcast %get3A_40 : vector<1x128xf32> to vector<1000x128xf32>
    %mul3A_42 = arith.mulf %add3A_15, %mul3A_41 : vector<1000x128xf32>
    %dot_general3A_43 = arith.constant dense<0.000000e+00> : vector<1000x8xf32>
    %dot_general3A_44 = tpu.matmul %mul3A_42, %get3A_7, %dot_general3A_43 {dimension_numbers = #tpu.dot_dimension_numbers<[1], [0], [0], [1], [0, 0, 1, 1], [], []>, transpose_lhs_hint = false} : vector<1000x128xf32>, vector<128x8xf32>, vector<1000x8xf32> -> vector<1000x8xf32>
    %reduce_sum3A = arith.constant dense<0.000000e+00> : vector<1000xf32>
    %reduce_sum3A_45 = vector.multi_reduction <add>, %get3A_1, %reduce_sum3A [1] : vector<1000x128xf32> to vector<1000xf32>
    %broadcast_in_dim3A = vector.shape_cast %reduce_sum3A_45 : vector<1000xf32> to vector<1000x1xf32>
    %mul3A_46 = arith.mulf %get3A_1, %get3A_1 : vector<1000x128xf32>
    %reduce_sum3A_47 = arith.constant dense<0.000000e+00> : vector<1000xf32>
    %reduce_sum3A_48 = vector.multi_reduction <add>, %mul3A_46, %reduce_sum3A_47 [1] : vector<1000x128xf32> to vector<1000xf32>
    %broadcast_in_dim3A_49 = vector.shape_cast %reduce_sum3A_48 : vector<1000xf32> to vector<1000x1xf32>
    %reduce_sum3A_50 = arith.constant dense<0.000000e+00> : vector<1000xf32>
    %reduce_sum3A_51 = vector.multi_reduction <add>, %get3A_4, %reduce_sum3A_50 [1] : vector<1000x128xf32> to vector<1000xf32>
    %broadcast_in_dim3A_52 = vector.shape_cast %reduce_sum3A_51 : vector<1000xf32> to vector<1000x1xf32>
    %mul3A_53 = arith.mulf %get3A_4, %get3A_4 : vector<1000x128xf32>
    %reduce_sum3A_54 = arith.constant dense<0.000000e+00> : vector<1000xf32>
    %reduce_sum3A_55 = vector.multi_reduction <add>, %mul3A_53, %reduce_sum3A_54 [1] : vector<1000x128xf32> to vector<1000xf32>
    %broadcast_in_dim3A_56 = vector.shape_cast %reduce_sum3A_55 : vector<1000xf32> to vector<1000x1xf32>
    %broadcast_in_dim3A_57 = arith.constant 0.000000e+00 : f32
    %broadcast_in_dim3A_58 = vector.broadcast %broadcast_in_dim3A_57 : f32 to vector<1000x8xf32>
    %broadcast_in_dim3A_59 = arith.constant 0.000000e+00 : f32
    %broadcast_in_dim3A_60 = vector.broadcast %broadcast_in_dim3A_59 : f32 to vector<1000x6xf32>
    %broadcast_in_dim3A_61 = arith.constant 0.000000e+00 : f32
    %broadcast_in_dim3A_62 = vector.broadcast %broadcast_in_dim3A_61 : f32 to vector<1000x14xf32>
    %swap3A = arith.constant 0 : index
    %swap3A_63 = arith.constant 0 : index
    %swap3A_64 = vector.load %arg11[%swap3A, %swap3A_63] : memref<1000x288xf32, #tpu.memory_space<vmem>>, vector<1000x128xf32>
    tpu.vector_store %arg11[%swap3A, %swap3A_63], %add3A_15 {strides = array<i32>} : memref<1000x288xf32, #tpu.memory_space<vmem>>, vector<1000x128xf32>,
    %swap3A_65 = arith.constant 0 : index
    %swap3A_66 = arith.constant 128 : index
    %swap3A_67 = vector.load %arg11[%swap3A_65, %swap3A_66] : memref<1000x288xf32, #tpu.memory_space<vmem>>, vector<1000x128xf32>
    tpu.vector_store %arg11[%swap3A_65, %swap3A_66], %dot_general3A_25 {strides = array<i32>} : memref<1000x288xf32, #tpu.memory_space<vmem>>, vector<1000x128xf32>,
    %concatenate3A = tpu.concatenate %dot_general3A_37, %broadcast_in_dim3A_58, %dot_general3A_44, %broadcast_in_dim3A, %broadcast_in_dim3A_49, %broadcast_in_dim3A_60 in 1 : vector<1000x8xf32>, vector<1000x8xf32>, vector<1000x8xf32>, vector<1000x1xf32>, vector<1000x1xf32>, vector<1000x6xf32> -> vector<1000x32xf32>
    %swap3A_68 = arith.constant 0 : index
    %swap3A_69 = arith.constant 256 : index
    %swap3A_70 = vector.load %arg11[%swap3A_68, %swap3A_69] : memref<1000x288xf32, #tpu.memory_space<vmem>>, vector<1000x32xf32>
    tpu.vector_store %arg11[%swap3A_68, %swap3A_69], %concatenate3A {strides = array<i32>} : memref<1000x288xf32, #tpu.memory_space<vmem>>, vector<1000x32xf32>,
    %swap3A_71 = arith.constant 0 : index
    %swap3A_72 = arith.constant 0 : index
    %swap3A_73 = vector.load %arg12[%swap3A_71, %swap3A_72] : memref<1000x272xf32, #tpu.memory_space<vmem>>, vector<1000x128xf32>
    tpu.vector_store %arg12[%swap3A_71, %swap3A_72], %dot_general3A_30 {strides = array<i32>} : memref<1000x272xf32, #tpu.memory_space<vmem>>, vector<1000x128xf32>,
    %swap3A_74 = arith.constant 0 : index
    %swap3A_75 = arith.constant 128 : index
    %swap3A_76 = vector.load %arg12[%swap3A_74, %swap3A_75] : memref<1000x272xf32, #tpu.memory_space<vmem>>, vector<1000x128xf32>
    tpu.vector_store %arg12[%swap3A_74, %swap3A_75], %dot_general3A_35 {strides = array<i32>} : memref<1000x272xf32, #tpu.memory_space<vmem>>, vector<1000x128xf32>,
    %concatenate3A_77 = tpu.concatenate %broadcast_in_dim3A_52, %broadcast_in_dim3A_56, %broadcast_in_dim3A_62 in 1 : vector<1000x1xf32>, vector<1000x1xf32>, vector<1000x14xf32> -> vector<1000x16xf32>
    %swap3A_78 = arith.constant 0 : index
    %swap3A_79 = arith.constant 256 : index
    %swap3A_80 = vector.load %arg12[%swap3A_78, %swap3A_79] : memref<1000x272xf32, #tpu.memory_space<vmem>>, vector<1000x16xf32>
    tpu.vector_store %arg12[%swap3A_78, %swap3A_79], %concatenate3A_77 {strides = array<i32>} : memref<1000x272xf32, #tpu.memory_space<vmem>>, vector<1000x16xf32>,
    return
  }
  func.func @transform_0(%arg0: i32) -> (i32, i32) {
    %c0_i32 = arith.constant 0 : i32
    %c0_i32_0 = arith.constant 0 : i32
    return %arg0, %c0_i32 : i32, i32
  }
  func.func @transform_1(%arg0: i32) -> (i32, i32) {
    %c0_i32 = arith.constant 0 : i32
    %c0_i32_0 = arith.constant 0 : i32
    return %arg0, %c0_i32 : i32, i32
  }
  func.func @transform_2(%arg0: i32) -> (i32, i32) {
    %c0_i32 = arith.constant 0 : i32
    %c0_i32_0 = arith.constant 0 : i32
    %c0_i32_1 = arith.constant 0 : i32
    return %c0_i32, %c0_i32_0 : i32, i32
  }
  func.func @transform_3(%arg0: i32) -> (i32, i32) {
    %c0_i32 = arith.constant 0 : i32
    %c0_i32_0 = arith.constant 0 : i32
    %c0_i32_1 = arith.constant 0 : i32
    return %c0_i32, %c0_i32_0 : i32, i32
  }
  func.func @transform_4(%arg0: i32) -> (i32, i32) {
    %c0_i32 = arith.constant 0 : i32
    %c0_i32_0 = arith.constant 0 : i32
    %c0_i32_1 = arith.constant 0 : i32
    return %c0_i32, %c0_i32_0 : i32, i32
  }
  func.func @transform_5(%arg0: i32) -> (i32, i32) {
    %c0_i32 = arith.constant 0 : i32
    %c0_i32_0 = arith.constant 0 : i32
    %c0_i32_1 = arith.constant 0 : i32
    return %c0_i32, %c0_i32_0 : i32, i32
  }
  func.func @transform_6(%arg0: i32) -> (i32, i32) {
    %c0_i32 = arith.constant 0 : i32
    %c0_i32_0 = arith.constant 0 : i32
    %c0_i32_1 = arith.constant 0 : i32
    return %c0_i32, %c0_i32_0 : i32, i32
  }
  func.func @transform_7(%arg0: i32) -> (i32, i32) {
    %c0_i32 = arith.constant 0 : i32
    %c0_i32_0 = arith.constant 0 : i32
    %c0_i32_1 = arith.constant 0 : i32
    return %c0_i32, %c0_i32_0 : i32, i32
  }
  func.func @transform_8(%arg0: i32) -> (i32, i32) {
    %c0_i32 = arith.constant 0 : i32
    %c0_i32_0 = arith.constant 0 : i32
    %c0_i32_1 = arith.constant 0 : i32
    return %c0_i32, %c0_i32_0 : i32, i32
  }
  func.func @transform_9(%arg0: i32) -> (i32, i32) {
    %c0_i32 = arith.constant 0 : i32
    %c0_i32_0 = arith.constant 0 : i32
    %c0_i32_1 = arith.constant 0 : i32
    return %c0_i32, %c0_i32_0 : i32, i32
  }
  func.func @transform_10(%arg0: i32) -> (i32, i32) {
    %c0_i32 = arith.constant 0 : i32
    %c0_i32_0 = arith.constant 0 : i32
    return %arg0, %c0_i32 : i32, i32
  }
  func.func @transform_11(%arg0: i32) -> (i32, i32) {
    %c0_i32 = arith.constant 0 : i32
    %c0_i32_0 = arith.constant 0 : i32
    return %arg0, %c0_i32 : i32, i32
  }
}

module attributes {stable_mosaic.version = 14 : i64} {
  func.func @_a2_body(%arg0: i32, %arg1: memref<2000x16xf32, #tpu.memory_space<vmem>>, %arg2: memref<16x128xf32, #tpu.memory_space<vmem>>, %arg3: memref<16x128xf32, #tpu.memory_space<vmem>>, %arg4: memref<16x128xf32, #tpu.memory_space<vmem>>, %arg5: memref<2000x128xf32, #tpu.memory_space<vmem>>, %arg6: memref<2000x128xf32, #tpu.memory_space<vmem>>, %arg7: memref<2000x128xf32, #tpu.memory_space<vmem>>, %arg8: memref<2000x16xf32, #tpu.memory_space<vmem>>) attributes {dimension_semantics = [#tpu.dimension_semantics<arbitrary>], iteration_bounds = array<i64: 160>, scalar_prefetch = 0 : i64, scratch_operands = 0 : i64, tpu.core_type = #tpu.core_type<tc>, window_params = [{transform_indices = @transform_0, window_bounds = array<i64: 2000, 16>}, {pipeline_mode = #tpu.pipeline_mode<synchronous>, transform_indices = @transform_1, window_bounds = array<i64: 16, 128>}, {pipeline_mode = #tpu.pipeline_mode<synchronous>, transform_indices = @transform_2, window_bounds = array<i64: 16, 128>}, {pipeline_mode = #tpu.pipeline_mode<synchronous>, transform_indices = @transform_3, window_bounds = array<i64: 16, 128>}, {transform_indices = @transform_4, window_bounds = array<i64: 2000, 128>}, {transform_indices = @transform_5, window_bounds = array<i64: 2000, 128>}, {transform_indices = @transform_6, window_bounds = array<i64: 2000, 128>}, {transform_indices = @transform_7, window_bounds = array<i64: 2000, 16>}]} {
    %get3A = arith.constant 0 : index
    %get3A_0 = arith.constant 0 : index
    %get3A_1 = vector.load %arg1[%get3A, %get3A_0] : memref<2000x16xf32, #tpu.memory_space<vmem>>, vector<2000x16xf32>
    %get3A_2 = arith.constant 0 : index
    %get3A_3 = arith.constant 0 : index
    %get3A_4 = vector.load %arg2[%get3A_2, %get3A_3] : memref<16x128xf32, #tpu.memory_space<vmem>>, vector<16x128xf32>
    %dot_general3A = arith.constant dense<0.000000e+00> : vector<2000x128xf32>
    %dot_general3A_5 = tpu.matmul %get3A_1, %get3A_4, %dot_general3A {dimension_numbers = #tpu.dot_dimension_numbers<[1], [0], [0], [1], [0, 0, 1, 1], [], []>, transpose_lhs_hint = false} : vector<2000x16xf32>, vector<16x128xf32>, vector<2000x128xf32> -> vector<2000x128xf32>
    %swap3A = arith.constant 0 : index
    %swap3A_6 = arith.constant 0 : index
    %swap3A_7 = vector.load %arg5[%swap3A, %swap3A_6] : memref<2000x128xf32, #tpu.memory_space<vmem>>, vector<2000x128xf32>
    tpu.vector_store %arg5[%swap3A, %swap3A_6], %dot_general3A_5 {strides = array<i32>} : memref<2000x128xf32, #tpu.memory_space<vmem>>, vector<2000x128xf32>,
    %get3A_8 = arith.constant 0 : index
    %get3A_9 = arith.constant 0 : index
    %get3A_10 = vector.load %arg3[%get3A_8, %get3A_9] : memref<16x128xf32, #tpu.memory_space<vmem>>, vector<16x128xf32>
    %dot_general3A_11 = arith.constant dense<0.000000e+00> : vector<2000x128xf32>
    %dot_general3A_12 = tpu.matmul %get3A_1, %get3A_10, %dot_general3A_11 {dimension_numbers = #tpu.dot_dimension_numbers<[1], [0], [0], [1], [0, 0, 1, 1], [], []>, transpose_lhs_hint = false} : vector<2000x16xf32>, vector<16x128xf32>, vector<2000x128xf32> -> vector<2000x128xf32>
    %swap3A_13 = arith.constant 0 : index
    %swap3A_14 = arith.constant 0 : index
    %swap3A_15 = vector.load %arg6[%swap3A_13, %swap3A_14] : memref<2000x128xf32, #tpu.memory_space<vmem>>, vector<2000x128xf32>
    tpu.vector_store %arg6[%swap3A_13, %swap3A_14], %dot_general3A_12 {strides = array<i32>} : memref<2000x128xf32, #tpu.memory_space<vmem>>, vector<2000x128xf32>,
    %get3A_16 = arith.constant 0 : index
    %get3A_17 = arith.constant 0 : index
    %get3A_18 = vector.load %arg4[%get3A_16, %get3A_17] : memref<16x128xf32, #tpu.memory_space<vmem>>, vector<16x128xf32>
    %dot_general3A_19 = arith.constant dense<0.000000e+00> : vector<2000x128xf32>
    %dot_general3A_20 = tpu.matmul %get3A_1, %get3A_18, %dot_general3A_19 {dimension_numbers = #tpu.dot_dimension_numbers<[1], [0], [0], [1], [0, 0, 1, 1], [], []>, transpose_lhs_hint = false} : vector<2000x16xf32>, vector<16x128xf32>, vector<2000x128xf32> -> vector<2000x128xf32>
    %swap3A_21 = arith.constant 0 : index
    %swap3A_22 = arith.constant 0 : index
    %swap3A_23 = vector.load %arg7[%swap3A_21, %swap3A_22] : memref<2000x128xf32, #tpu.memory_space<vmem>>, vector<2000x128xf32>
    tpu.vector_store %arg7[%swap3A_21, %swap3A_22], %dot_general3A_20 {strides = array<i32>} : memref<2000x128xf32, #tpu.memory_space<vmem>>, vector<2000x128xf32>,
    %reduce_sum3A = arith.constant dense<0.000000e+00> : vector<2000xf32>
    %reduce_sum3A_24 = vector.multi_reduction <add>, %get3A_1, %reduce_sum3A [1] : vector<2000x16xf32> to vector<2000xf32>
    %broadcast_in_dim3A = vector.shape_cast %reduce_sum3A_24 : vector<2000xf32> to vector<2000x1xf32>
    %mul3A = arith.mulf %get3A_1, %get3A_1 : vector<2000x16xf32>
    %reduce_sum3A_25 = arith.constant dense<0.000000e+00> : vector<2000xf32>
    %reduce_sum3A_26 = vector.multi_reduction <add>, %mul3A, %reduce_sum3A_25 [1] : vector<2000x16xf32> to vector<2000xf32>
    %broadcast_in_dim3A_27 = vector.shape_cast %reduce_sum3A_26 : vector<2000xf32> to vector<2000x1xf32>
    %broadcast_in_dim3A_28 = arith.constant 0.000000e+00 : f32
    %broadcast_in_dim3A_29 = vector.broadcast %broadcast_in_dim3A_28 : f32 to vector<2000x14xf32>
    %concatenate3A = tpu.concatenate %broadcast_in_dim3A, %broadcast_in_dim3A_27, %broadcast_in_dim3A_29 in 1 : vector<2000x1xf32>, vector<2000x1xf32>, vector<2000x14xf32> -> vector<2000x16xf32>
    %swap3A_30 = arith.constant 0 : index
    %swap3A_31 = arith.constant 0 : index
    %swap3A_32 = vector.load %arg8[%swap3A_30, %swap3A_31] : memref<2000x16xf32, #tpu.memory_space<vmem>>, vector<2000x16xf32>
    tpu.vector_store %arg8[%swap3A_30, %swap3A_31], %concatenate3A {strides = array<i32>} : memref<2000x16xf32, #tpu.memory_space<vmem>>, vector<2000x16xf32>,
    return
  }
  func.func @transform_0(%arg0: i32) -> (i32, i32) {
    %c0_i32 = arith.constant 0 : i32
    %c0_i32_0 = arith.constant 0 : i32
    return %arg0, %c0_i32 : i32, i32
  }
  func.func @transform_1(%arg0: i32) -> (i32, i32) {
    %c0_i32 = arith.constant 0 : i32
    %c0_i32_0 = arith.constant 0 : i32
    %c0_i32_1 = arith.constant 0 : i32
    return %c0_i32, %c0_i32_0 : i32, i32
  }
  func.func @transform_2(%arg0: i32) -> (i32, i32) {
    %c0_i32 = arith.constant 0 : i32
    %c0_i32_0 = arith.constant 0 : i32
    %c0_i32_1 = arith.constant 0 : i32
    return %c0_i32, %c0_i32_0 : i32, i32
  }
  func.func @transform_3(%arg0: i32) -> (i32, i32) {
    %c0_i32 = arith.constant 0 : i32
    %c0_i32_0 = arith.constant 0 : i32
    %c0_i32_1 = arith.constant 0 : i32
    return %c0_i32, %c0_i32_0 : i32, i32
  }
  func.func @transform_4(%arg0: i32) -> (i32, i32) {
    %c0_i32 = arith.constant 0 : i32
    %c0_i32_0 = arith.constant 0 : i32
    return %arg0, %c0_i32 : i32, i32
  }
  func.func @transform_5(%arg0: i32) -> (i32, i32) {
    %c0_i32 = arith.constant 0 : i32
    %c0_i32_0 = arith.constant 0 : i32
    return %arg0, %c0_i32 : i32, i32
  }
  func.func @transform_6(%arg0: i32) -> (i32, i32) {
    %c0_i32 = arith.constant 0 : i32
    %c0_i32_0 = arith.constant 0 : i32
    return %arg0, %c0_i32 : i32, i32
  }
  func.func @transform_7(%arg0: i32) -> (i32, i32) {
    %c0_i32 = arith.constant 0 : i32
    %c0_i32_0 = arith.constant 0 : i32
    return %arg0, %c0_i32 : i32, i32
  }
}

module attributes {stable_mosaic.version = 14 : i64} {
  func.func @_c_body(%arg0: i32, %arg1: memref<2x1000x144xf32, #tpu.memory_space<vmem>>, %arg2: memref<8x128xf32, #tpu.memory_space<vmem>>, %arg3: memref<128x256xf32, #tpu.memory_space<vmem>>, %arg4: memref<1x256xf32, #tpu.memory_space<vmem>>, %arg5: memref<256x128xf32, #tpu.memory_space<vmem>>, %arg6: memref<1x128xf32, #tpu.memory_space<vmem>>, %arg7: memref<1000x128xf32, #tpu.memory_space<vmem>>) attributes {dimension_semantics = [#tpu.dimension_semantics<arbitrary>], iteration_bounds = array<i64: 10>, scalar_prefetch = 0 : i64, scratch_operands = 0 : i64, tpu.core_type = #tpu.core_type<tc>, window_params = [{transform_indices = @transform_0, window_bounds = array<i64: 2, 1000, 144>}, {pipeline_mode = #tpu.pipeline_mode<synchronous>, transform_indices = @transform_1, window_bounds = array<i64: 8, 128>}, {pipeline_mode = #tpu.pipeline_mode<synchronous>, transform_indices = @transform_2, window_bounds = array<i64: 128, 256>}, {pipeline_mode = #tpu.pipeline_mode<synchronous>, transform_indices = @transform_3, window_bounds = array<i64: 1, 256>}, {pipeline_mode = #tpu.pipeline_mode<synchronous>, transform_indices = @transform_4, window_bounds = array<i64: 256, 128>}, {pipeline_mode = #tpu.pipeline_mode<synchronous>, transform_indices = @transform_5, window_bounds = array<i64: 1, 128>}, {transform_indices = @transform_6, window_bounds = array<i64: 1000, 128>}]} {
    %get3A = arith.constant 0 : index
    %get3A_0 = arith.constant 0 : index
    %get3A_1 = arith.constant 0 : index
    %get3A_2 = vector.load %arg1[%get3A, %get3A_0, %get3A_1] : memref<2x1000x144xf32, #tpu.memory_space<vmem>>, vector<1x1000x144xf32>
    %get3A_3 = vector.shape_cast %get3A_2 : vector<1x1000x144xf32> to vector<1000x144xf32>
    %get3A_4 = arith.constant 1 : index
    %get3A_5 = arith.constant 0 : index
    %get3A_6 = arith.constant 0 : index
    %get3A_7 = vector.load %arg1[%get3A_4, %get3A_5, %get3A_6] : memref<2x1000x144xf32, #tpu.memory_space<vmem>>, vector<1x1000x144xf32>
    %get3A_8 = vector.shape_cast %get3A_7 : vector<1x1000x144xf32> to vector<1000x144xf32>
    %add3A = arith.addf %get3A_3, %get3A_8 : vector<1000x144xf32>
    %slice3A = vector.extract_strided_slice %add3A {offsets = [0, 0], sizes = [1000, 128], strides = [1, 1]} : vector<1000x144xf32> to vector<1000x128xf32>
    %slice3A_9 = vector.extract_strided_slice %add3A {offsets = [0, 128], sizes = [1000, 8], strides = [1, 1]} : vector<1000x144xf32> to vector<1000x8xf32>
    %get3A_10 = arith.constant 0 : index
    %get3A_11 = arith.constant 0 : index
    %get3A_12 = vector.load %arg2[%get3A_10, %get3A_11] : memref<8x128xf32, #tpu.memory_space<vmem>>, vector<8x128xf32>
    %dot_general3A = arith.constant dense<0.000000e+00> : vector<1000x128xf32>
    %dot_general3A_13 = tpu.matmul %slice3A_9, %get3A_12, %dot_general3A {dimension_numbers = #tpu.dot_dimension_numbers<[1], [0], [0], [1], [0, 0, 1, 1], [], []>, transpose_lhs_hint = false} : vector<1000x8xf32>, vector<8x128xf32>, vector<1000x128xf32> -> vector<1000x128xf32>
    %ne3A = arith.constant 0.000000e+00 : f32
    %ne3A_14 = vector.broadcast %ne3A : f32 to vector<1000x128xf32>
    %ne3A_15 = arith.cmpf one, %dot_general3A_13, %ne3A_14 : vector<1000x128xf32>
    %div3A = arith.divf %slice3A, %dot_general3A_13 : vector<1000x128xf32>
    %jit3A = arith.constant 0.000000e+00 : f32
    %broadcast_in_dim3A = vector.broadcast %jit3A : f32 to vector<1000x128xf32>
    %select_n3A = arith.select %ne3A_15, %div3A, %broadcast_in_dim3A : vector<1000x128xi1>, vector<1000x128xf32>
    %get3A_16 = arith.constant 0 : index
    %get3A_17 = arith.constant 0 : index
    %get3A_18 = vector.load %arg3[%get3A_16, %get3A_17] : memref<128x256xf32, #tpu.memory_space<vmem>>, vector<128x256xf32>
    %dot_general3A_19 = arith.constant dense<0.000000e+00> : vector<1000x256xf32>
    %dot_general3A_20 = tpu.matmul %select_n3A, %get3A_18, %dot_general3A_19 {dimension_numbers = #tpu.dot_dimension_numbers<[1], [0], [0], [1], [0, 0, 1, 1], [], []>, transpose_lhs_hint = false} : vector<1000x128xf32>, vector<128x256xf32>, vector<1000x256xf32> -> vector<1000x256xf32>
    %get3A_21 = arith.constant 0 : index
    %get3A_22 = arith.constant 0 : index
    %get3A_23 = vector.load %arg4[%get3A_21, %get3A_22] : memref<1x256xf32, #tpu.memory_space<vmem>>, vector<1x256xf32>
    %add3A_24 = vector.broadcast %get3A_23 : vector<1x256xf32> to vector<1000x256xf32>
    %add3A_25 = arith.addf %dot_general3A_20, %add3A_24 : vector<1000x256xf32>
    %neg3A = arith.constant 0.000000e+00 : f32
    %neg3A_26 = vector.broadcast %neg3A : f32 to vector<1000x256xf32>
    %neg3A_27 = arith.subf %neg3A_26, %add3A_25 : vector<1000x256xf32>
    %exp3A = math.exp %neg3A_27 : vector<1000x256xf32>
    %add3A_28 = arith.constant 1.000000e+00 : f32
    %add3A_29 = vector.broadcast %add3A_28 : f32 to vector<1000x256xf32>
    %add3A_30 = arith.addf %add3A_29, %exp3A : vector<1000x256xf32>
    %div3A_31 = arith.constant 1.000000e+00 : f32
    %div3A_32 = vector.broadcast %div3A_31 : f32 to vector<1000x256xf32>
    %div3A_33 = arith.divf %div3A_32, %add3A_30 : vector<1000x256xf32>
    %mul3A = arith.mulf %add3A_25, %div3A_33 : vector<1000x256xf32>
    %get3A_34 = arith.constant 0 : index
    %get3A_35 = arith.constant 0 : index
    %get3A_36 = vector.load %arg5[%get3A_34, %get3A_35] : memref<256x128xf32, #tpu.memory_space<vmem>>, vector<256x128xf32>
    %dot_general3A_37 = arith.constant dense<0.000000e+00> : vector<1000x128xf32>
    %dot_general3A_38 = tpu.matmul %mul3A, %get3A_36, %dot_general3A_37 {dimension_numbers = #tpu.dot_dimension_numbers<[1], [0], [0], [1], [0, 0, 1, 1], [], []>, transpose_lhs_hint = false} : vector<1000x256xf32>, vector<256x128xf32>, vector<1000x128xf32> -> vector<1000x128xf32>
    %get3A_39 = arith.constant 0 : index
    %get3A_40 = arith.constant 0 : index
    %get3A_41 = vector.load %arg6[%get3A_39, %get3A_40] : memref<1x128xf32, #tpu.memory_space<vmem>>, vector<1x128xf32>
    %add3A_42 = vector.broadcast %get3A_41 : vector<1x128xf32> to vector<1000x128xf32>
    %add3A_43 = arith.addf %dot_general3A_38, %add3A_42 : vector<1000x128xf32>
    %swap3A = arith.constant 0 : index
    %swap3A_44 = arith.constant 0 : index
    %swap3A_45 = vector.load %arg7[%swap3A, %swap3A_44] : memref<1000x128xf32, #tpu.memory_space<vmem>>, vector<1000x128xf32>
    tpu.vector_store %arg7[%swap3A, %swap3A_44], %add3A_43 {strides = array<i32>} : memref<1000x128xf32, #tpu.memory_space<vmem>>, vector<1000x128xf32>,
    return
  }
  func.func @transform_0(%arg0: i32) -> (i32, i32, i32) {
    %c0_i32 = arith.constant 0 : i32
    %c0_i32_0 = arith.constant 0 : i32
    %c0_i32_1 = arith.constant 0 : i32
    return %c0_i32, %arg0, %c0_i32_0 : i32, i32, i32
  }
  func.func @transform_1(%arg0: i32) -> (i32, i32) {
    %c0_i32 = arith.constant 0 : i32
    %c0_i32_0 = arith.constant 0 : i32
    %c0_i32_1 = arith.constant 0 : i32
    return %c0_i32, %c0_i32_0 : i32, i32
  }
  func.func @transform_2(%arg0: i32) -> (i32, i32) {
    %c0_i32 = arith.constant 0 : i32
    %c0_i32_0 = arith.constant 0 : i32
    %c0_i32_1 = arith.constant 0 : i32
    return %c0_i32, %c0_i32_0 : i32, i32
  }
  func.func @transform_3(%arg0: i32) -> (i32, i32) {
    %c0_i32 = arith.constant 0 : i32
    %c0_i32_0 = arith.constant 0 : i32
    %c0_i32_1 = arith.constant 0 : i32
    return %c0_i32, %c0_i32_0 : i32, i32
  }
  func.func @transform_4(%arg0: i32) -> (i32, i32) {
    %c0_i32 = arith.constant 0 : i32
    %c0_i32_0 = arith.constant 0 : i32
    %c0_i32_1 = arith.constant 0 : i32
    return %c0_i32, %c0_i32_0 : i32, i32
  }
  func.func @transform_5(%arg0: i32) -> (i32, i32) {
    %c0_i32 = arith.constant 0 : i32
    %c0_i32_0 = arith.constant 0 : i32
    %c0_i32_1 = arith.constant 0 : i32
    return %c0_i32, %c0_i32_0 : i32, i32
  }
  func.func @transform_6(%arg0: i32) -> (i32, i32) {
    %c0_i32 = arith.constant 0 : i32
    %c0_i32_0 = arith.constant 0 : i32
    return %arg0, %c0_i32 : i32, i32
  }
}

</mosaic_0001>

<sc_bundles>
// kernel: kernel.6.cloned.1.call-start
scs
__scs_entry_jumppad:
0x0: {  	(pc) =	sbr.rel $0x88, $3  }
0x1: {  	(tag) =	ssettag $0x0;
	lr =	simm.s32 $0x1  }
0x2: {  	[smem:$0x3F91] =	sst lr;
	_ =	strace $0xD0000000  }
0x3: {  	_ = 	snop  }
0x4: {  	_ = 	snop  }
0x5: {  	_ = 	snop  }
0x6: {  	_ = 	snop  }
0x7: {  	_ = 	snop  }
__scs_overlays_trampoline_lowered:
0x8: {  	[smem:$0x3FA0] =	sst s0  }
0x9: {  	[smem:$0x3FA1] =	sst s1  }
0xa: {  	[smem:$0x3FA2] =	sst s2  }
0xb: {  	[smem:$0x3FA3] =	sst s3  }
0xc: {  	[smem:$0x3FA4] =	sst s4  }
0xd: {  	[smem:$0x3FA5] =	sst s5  }
0xe: {  	[smem:$0x3FA6] =	sst s6  }
0xf: {  	[smem:$0x3FA7] =	sst s7  }
0x10: {  	[smem:$0x3FA8] =	sst s8  }
0x11: {  	[smem:$0x3FA9] =	sst s9;
	s0 =	simm.s32 @!p0 $0x0  }
0x12: {  	s1 =	sld [smem:$0x3F8F];
	s0 =	simm.s32 @p0 $0x1  }
0x13: {  	[smem:$0x3FAA] =	sst s0;
	s0 =	simm.s32 @!p1 $0x0  }
0x14: {  	s2 =	sld [smem:$0x3F8E];
	s0 =	simm.s32 @p1 $0x1  }
0x15: {  	[smem:$0x3FAB] =	sst s0;
	s0 =	simm.s32 @!p2 $0x0  }
0x16: {  	s3 =	sld [smem:$0x3FDB];
	s0 =	simm.s32 @p2 $0x1  }
0x17: {  	s4 =	simm.s32 $0x1BF5;
	[smem:$0x3FAD] =	sst s0  }
0x18: {  	s0 =	sld [smem:$0x3F90];
	_ =	swait.ge [sflag:s4], $0x0  }
0x19: {  	s7 =	sld [smem:$0x3F91]  }
0x1a: {  	s8 =	sadd.s32 $0xFFFFE003, lr  }
0x1b: {  	s9 =	sadd.s32 $0xFFFFFEF7, lr;
	s5 =	simm.s32 $0xFFFFFFFF;
	p2 =	slt.u32 s8, $0xFFFFF086  }
0x1c: {  	p1 =	slt.u32 s9, $0xF7A;
	s5 =	simm.s32 @!p2 $0x0  }
0x1d: {  	s5 =	simm.s32 @p1 $0x1;
	p0 =	seq.s32 s7, s2  }
0x1e: {  	s7 =	smul.u32 @!p0 $0xF7A, s2;
	p2 =	seq.s32 @!p0 s5, $0x0  }
0x1f: {  	s9 =	smul.u32 $0xF7A, s1;
	s8 =	simm.s32 @!p0 $0x1BF5;
	p2 =	por !p2, p0  }
0x20: {  	[sflag:s8] =	ssyncset.s32 @!p0 $0xFFFFF086;
	s6 =	sadd.s32 @!p0 s3, s7;
	s7 =	simm.s32 @!p0 $0x108  }
0x21: {  	s3 =	sadd.s32 s3, s9;
	s6 =	sadd.s32 @!p0 $0x88, s6;
	s7 =	simm.s32 @p2 $0x1082  }
0x22: {  	[simem:s7], [sflag:s8] =	dma.local @!p0 [hbm:s6], $0xF7A  }
0x23: {  	s9 =	sor.u32 $0xD0000000, s2;
	s6 =	simm.s32 $0x108;
	_ =	swait.ge @!p0 [sflag:s8], $0x0  }
0x24: {  	s3 =	sadd.s32 $0x88, s3;
	s6 =	simm.s32 @!p1 $0x1082;
	[sflag:s4] =	ssyncset.s32 $0xFFFFF086  }
0x25: {  	[simem:s6], [sflag:s4] =	dma.local [hbm:s3], $0xF7A  }
0x26: {  	[smem:$0x3F91] =	sst s1;
	(tag) =	ssettag s2;
	_ =	strace s9  }
0x27: {  	s1 =	sld [smem:$0x3FA1]  }
0x28: {  	s2 =	sld [smem:$0x3FA2]  }
0x29: {  	s4 =	sld [smem:$0x3FA4]  }
0x2a: {  	p0 =	seq.s32 s5, $0x0;
	s5 =	sld [smem:$0x3FA5]  }
0x2b: {  	s6 =	sld [smem:$0x3FA6]  }
0x2c: {  	s7 =	sld [smem:$0x3FA7]  }
0x2d: {  	s3 =	simm.s32 $0x108;
	s8 =	sld [smem:$0x3FA8]  }
0x2e: {  	s3 =	simm.s32 @!p0 $0x1082;
	s9 =	sld [smem:$0x3FA9]  }
0x2f: {  	lr =	sadd.s32 s0, s3;
	s0 =	sld [smem:$0x3FA0]  }
0x30: {  	s3 =	sld [smem:$0x3FA3]  }
0x31: {  	[smem:$0x3FAC] =	sst s10  }
0x32: {  	s10 =	sld [smem:$0x3FAA];
	_ =	sdelay $0x3  }
0x33: {  	p0 =	seq.s32 s10, $0x1;
	s10 =	sld [smem:$0x3FAC];
	_ =	sdelay $0x3  }
0x34: {  	[smem:$0x3FAC] =	sst s10  }
0x35: {  	s10 =	sld [smem:$0x3FAB];
	_ =	sdelay $0x3  }
0x36: {  	p1 =	seq.s32 s10, $0x1;
	s10 =	sld [smem:$0x3FAC];
	_ =	sdelay $0x3  }
0x37: {  	[smem:$0x3FAC] =	sst s10  }
0x38: {  	s10 =	sld [smem:$0x3FAD]  }
0x39: {  	_ = 	snop;
	(pc) =	sbr.ind lr, $3  }
0x3a: {  	_ = 	snop  }
0x3b: {  	_ = 	snop  }
0x3c: {  	p2 =	seq.s32 s10, $0x1;
	s10 =	sld [smem:$0x3FAC]  }
0x3d: {  	_ =	shalt  }
0x3e: {  	_ =	shalt  }
0x3f: {  	_ =	shalt  }
0x40: {  	_ =	shalt  }
0x41: {  	_ =	shalt  }
0x42: {  	_ =	shalt  }
0x43: {  	_ =	shalt  }
0x44: {  	_ =	shalt  }
0x45: {  	_ =	shalt  }
0x46: {  	_ =	shalt  }
0x47: {  	_ =	shalt  }
0x48: {  	_ =	shalt  }
0x49: {  	_ =	shalt  }
0x4a: {  	_ =	shalt  }
0x4b: {  	_ =	shalt  }
0x4c: {  	_ =	shalt  }
0x4d: {  	_ =	shalt  }
0x4e: {  	_ =	shalt  }
0x4f: {  	_ =	shalt  }
0x50: {  	_ =	shalt  }
0x51: {  	_ =	shalt  }
0x52: {  	_ =	shalt  }
0x53: {  	_ =	shalt  }
0x54: {  	_ =	shalt  }
0x55: {  	_ =	shalt  }
0x56: {  	_ =	shalt  }
0x57: {  	_ =	shalt  }
0x58: {  	_ =	shalt  }
0x59: {  	_ =	shalt  }
0x5a: {  	_ =	shalt  }
0x5b: {  	_ =	shalt  }
0x5c: {  	_ =	shalt  }
0x5d: {  	_ =	shalt  }
0x5e: {  	_ =	shalt  }
0x5f: {  	_ =	shalt  }
0x60: {  	_ =	shalt  }
0x61: {  	_ =	shalt  }
0x62: {  	_ =	shalt  }
0x63: {  	_ =	shalt  }
0x64: {  	_ =	shalt  }
0x65: {  	_ =	shalt  }
0x66: {  	_ =	shalt  }
0x67: {  	_ =	shalt  }
0x68: {  	_ =	shalt  }
0x69: {  	_ =	shalt  }
0x6a: {  	_ =	shalt  }
0x6b: {  	_ =	shalt  }
0x6c: {  	_ =	shalt  }
0x6d: {  	_ =	shalt  }
0x6e: {  	_ =	shalt  }
0x6f: {  	_ =	shalt  }
0x70: {  	_ =	shalt  }
0x71: {  	_ =	shalt  }
0x72: {  	_ =	shalt  }
0x73: {  	_ =	shalt  }
0x74: {  	_ =	shalt  }
0x75: {  	_ =	shalt  }
0x76: {  	_ =	shalt  }
0x77: {  	_ =	shalt  }
0x78: {  	_ =	shalt  }
0x79: {  	_ =	shalt  }
0x7a: {  	_ =	shalt  }
0x7b: {  	_ =	shalt  }
0x7c: {  	_ =	shalt  }
0x7d: {  	_ =	shalt  }
0x7e: {  	_ =	shalt  }
0x7f: {  	_ =	shalt  }
0x80: {  	_ =	shalt  }
0x81: {  	_ =	shalt  }
0x82: {  	_ =	shalt  }
0x83: {  	_ =	shalt  }
0x84: {  	_ =	shalt  }
0x85: {  	_ =	shalt  }
0x86: {  	_ =	shalt  }
0x87: {  	_ =	shalt  }
.Lfunc_end0:
.L_simem_size_0:
called_computation_lowered:
.L_overlay_start_0:
0x88: {  	s2 =	sld [smem:$0x3FD9]  }
0x89: {  	s3 =	sld [smem:$0x3FFE];
	_ =	sdelay $0x1  }
0x8a: {  	s1 =	srdreg.scid  }
0x8b: {  	s0 =	sand.u32 $0x1, s1  }
0x8c: {  	s17 =	sshll.u32 s0, $0xA;
	s2 =	sadd.s32 s3, s2  }
0x8d: {  	s2 =	sadd.s32 s2, s17  }
0x8e: {  	[smem:$0x3FB8] =	sst s2  }
0x8f: {  	_ = 	snop  }
0x90: {  	s2 =	sld [smem:$0x3FD0];
	(tm) =	ssettm $0x1  }
0x91: {  	s18 =	sld [smem:$0x3FFB];
	_ =	sdelay $0x3  }
0x92: {  	_ =	strace s18  }
0x93: {  	s3 =	sld [smem:$0x3FFC];
	_ =	sdelay $0x3  }
0x94: {  	_ =	strace s3  }
0x95: {  	s3 =	sld [smem:$0x3FFD];
	_ =	sdelay $0x3  }
0x96: {  	_ =	strace s3  }
0x97: {  	_ =	strace $0x8FFFFFFF  }
0x98: {  	s19 =	sld [smem:$0x3FDB];
	_ =	sdelay $0x1  }
0x99: {  	s4 =	simm.s32 $_scs_section_size  }
0x9a: {  	s5 =	simm.s32 $_size__tile_overlayer_lowered;
	s6 =	simm.s32 $_tile_overlayer_lowered  }
0x9b: {  	s22 =	simm.s32 $0x1BFF;
	s21 =	sshll.u32 s6, $0x1;
	s3 =	sadd.s32 s4, s19  }
0x9c: {  	s7 =	simm.s32 $0x0;
	s20 =	sshll.u32 s5, $0x1;
	s5 =	sadd.s32 s21, s3  }
0x9d: {  	[timem:s7], [sflag:s22] =	dma.local [hbm:s5], s20  }
0x9e: {  	_ =	swait.ge [sflag:s22], s20  }
0x9f: {  	s4 =	ssub.s32 $0x0, s20;
	[sflag:s22] =	ssyncset.done $0x0  }
0xa0: {  	[sflag:s22] =	ssyncadd.s32 s4;
	_ =	sdelay $0x1  }
0xa1: {  	s23 =	simm.s32 $0x1B8B  }
0xa2: {  	_ =	swait.ge [sflag:s23], $0x1  }
0xa3: {  	[sflag:s23] =	ssyncset.done $0x0  }
0xa4: {  	s25 =	simm.s32 $0x1B8E;
	s24 =	sld [smem:$0x3FFE];
	[sflag:s23] =	ssyncadd.s32 $0xFFFFFFFF  }
0xa5: {  	s26 =	simm.s32 $execute0_lowered;
	[smem:$0x3FD2] =	sst s25  }
0xa6: {  	s5 =	sshll.u32 s26, $0x1;
	_ =	strace $0x80000046;
	[dreg:$0x1] =	wrdreg $0xFFFFFFFF  }
0xa7: {  	s28 =	simm.s32 $_size_execute0_lowered;
	s3 =	sadd.s32 s3, s5;
	[dreg:$0x0] =	wrdreg $0x0  }
0xa8: {  	s5 =	sshll.u32 s28, $0x1;
	[dreg:$0x2] =	wrdreg s3  }
0xa9: {  	[dreg:$0x3] =	wrdreg s5  }
0xaa: {  	[dreg:$0x4] =	wrdreg $0xC0  }
0xab: {  	_ =	task [dreg:s7], $0x5FFFF  }
0xac: {  	[dreg:$0x1] =	wrdreg $0xFFFFFFFF  }
0xad: {  	[dreg:$0x0] =	wrdreg $0x60  }
0xae: {  	[dreg:$0x2] =	wrdreg s2  }
0xaf: {  	[dreg:$0x3] =	wrdreg s24  }
0xb0: {  	[dreg:$0x4] =	wrdreg $0x8B400  }
0xb1: {  	[dreg:$0x5] =	wrdreg $0x9  }
0xb2: {  	_ =	task.clear_ibuf [dreg:s7], $0x6FFFF;
	_ =	strace $0x90000046  }
0xb3: {  	s29 =	simm.s32 $0x9;
	_ =	strace $0x80000048  }
0xb4: {  	_ =	swait.ge [sflag:s29], $0x1  }
0xb5: {  	[sflag:s29] =	ssyncadd.s32 $0xFFFFFFFF  }
0xb6: {  	_ =	strace $0x90000048  }
0xb7: {  	_ =	sfence  }
0xb8: {  	s30 =	sld [smem:$0x0];
	_ =	sdelay $0x2  }
0xb9: {  	s31 =	sshll.u32 s1, $0xD;
	s1 =	sshrl.u32 s1, $0x2  }
0xba: {  	s3 =	sand.u32 $0x4000, s31;
	s1 =	sadd.s32 s1, s30  }
0xbb: {  	s0 =	sor.u32 s3, s0;
	s1 =	sshll.u32 s1, $0x11  }
0xbc: {  	s0 =	sor.u32 s1, s0  }
0xbd: {  	s0 =	sadd.s32 $0x8F2B, s0  }
0xbe: {  	[sflag:s0] =	ssyncadd.remote.s32 $0x1  }
0xbf: {  	_ =	sfence.sel $0xFFFF  }
0xc0: {  	[dreg:$0x0] =	wrdreg $0xFFFFFFFF;
	(pc) =	sbr.abs _section_cstart, $3  }
0xc1: {  	[dreg:$0x1] =	wrdreg $0xFFFFFFFF  }
0xc2: {  	_ =	task.clear_ibuf [dreg:s7], $0x2FFFF;
	_ =	strace $0x9FFFFFFF  }
0xc3: {  	(tm) =	ssettm $0x7FFFFFFF  }
tec
execute0_lowered:
.L_overlay_start_1:
0x0: {  	(tag) =	ssettag $0x1  }
0x1: {  	s0 =	rddreg [dreg:$0x0]  }
0x2: {  	s1 =	rddreg [dreg:$0x1]  }
0x3: {  	s14 =	rddreg [dreg:$0x2];
	s2 =	simm.s32 $0x0;
	s15 =	srdreg.scid  }
0x4: {  	s13 =	stileid.u32;
	[smem:$0x7FF] =	sst s2  }
0x5: {  	s2 =	sand.u32 $0x1, s15;
	s3 =	smul.u32 $0x16380, s13;
	s11 =	sadd.s32 $0x3200, s1  }
0x6: {  	s16 =	smul.u32 $0x58E00, s13;
	s12 =	sadd.s32 $0x57400, s1;
	s13 =	sshll.u32 s13, $0x1  }
0x7: {  	_ =	strace $0x80000047;
	s10 =	smul.u32 $0x163800, s2;
	[dreg:$0x4] =	wrdreg s11  }
0x8: {  	[dreg:$0x5] =	wrdreg s12;
	s17 =	ssub.s32 $0x2, s2;
	s11 =	sshrl.u32 s16, $0x2  }
0x9: {  	s2 =	sor.u32 s2, s13;
	s13 =	sadd.s32 s3, s14;
	s11 =	sadd.s32 s11, s14  }
0xa: {  	[dreg:$0x6] =	wrdreg s13;
	s19 =	sadd.s32 $0x1200, s11  }
0xb: {  	s20 =	sadd.s32 $0x2400, s11;
	[dreg:$0x7] =	wrdreg s19  }
0xc: {  	s21 =	sadd.s32 $0x3600, s11;
	[dreg:$0x8] =	wrdreg s20  }
0xd: {  	s22 =	sadd.s32 $0x4800, s11;
	[dreg:$0x9] =	wrdreg s21  }
0xe: {  	s29 =	simm.s32 $0x0;
	s23 =	sadd.s32 $0x5A00, s11;
	[dreg:$0xa] =	wrdreg s22  }
0xf: {  	s4 =	sadd.s32 $0xF0400, s1;
	s24 =	sadd.s32 $0x6C00, s11;
	[dreg:$0xb] =	wrdreg s23  }
0x10: {  	s5 =	sadd.s32 $0x3400, s1;
	s25 =	sadd.s32 $0x7E00, s11;
	[dreg:$0xc] =	wrdreg s24  }
0x11: {  	s6 =	sadd.s32 $0xB1B200, s1;
	s26 =	sadd.s32 $0x9000, s11;
	[dreg:$0xd] =	wrdreg s25  }
0x12: {  	s7 =	sadd.s32 $0x100B200, s1;
	s28 =	sadd.s32 $0xA200, s11;
	[dreg:$0xe] =	wrdreg s26  }
0x13: {  	s8 =	sadd.s32 $0x14FB200, s1;
	s30 =	sadd.s32 $0xB400, s11;
	[dreg:$0xf] =	wrdreg s28  }
0x14: {  	s9 =	sadd.s32 $0x149200, s1;
	s31 =	sadd.s32 $0xC600, s11;
	[dreg:$0x10] =	wrdreg s30  }
0x15: {  	s18 =	sshrl.u32 s17, $0x1;
	s12 =	sadd.s32 $0xD800, s11;
	[dreg:$0x11] =	wrdreg s31  }
0x16: {  	s10 =	sadd.s32 s3, s10;
	s14 =	sadd.s32 $0xEA00, s11;
	[dreg:$0x12] =	wrdreg s12  }
0x17: {  	s10 =	sshrl.u32 s10, $0x3;
	s15 =	sadd.s32 $0xFC00, s11;
	[dreg:$0x13] =	wrdreg s14  }
0x18: {  	s16 =	sadd.s32 $0x10E00, s11;
	s1 =	sadd.s32 s10, s1;
	[dreg:$0x14] =	wrdreg s15  }
0x19: {  	s10 =	ssub.s32 s17, s18;
	[dreg:$0x15] =	wrdreg s16;
	s18 =	sadd.s32 $0x12000, s11  }
0x1a: {  	s26 =	smul.u32 $0x278, s2;
	s19 =	sadd.s32 $0x13200, s11;
	[dreg:$0x16] =	wrdreg s18  }
0x1b: {  	s17 =	smul.u32 $0x9E0, s2;
	s21 =	sadd.s32 $0x14400, s11;
	[dreg:$0x17] =	wrdreg s19  }
0x1c: {  	s20 =	smul.u32 $0x27800, s2;
	s11 =	sadd.s32 $0x15600, s11;
	[dreg:$0x18] =	wrdreg s21  }
0x1d: {  	s22 =	smul.u32 $0x4F00, s2;
	[dreg:$0x19] =	wrdreg s11;
	s25 =	sadd.s32 $0x57600, s1  }
0x1e: {  	s2 =	smul.u32 $0x2780, s2;
	s28 =	smax.u32 s10, $0x1;
	[smem:$0x7FA] =	sst s25  }
0x1f: {  	s16 =	simm.s32 $0x5;
	s18 =	simm.s32 $0x7;
	[smem:$0x7FB] =	sst s28  }
0x20: {  	s19 =	simm.s32 $0x4;
	s23 =	sadd.s32 s6, s20;
	[dreg:$0x1a] =	wrdreg s2  }
0x21: {  	s1 =	simm.s32 $0x0;
	s24 =	sadd.s32 s7, s20;
	[dreg:$0x1c] =	wrdreg s23  }
0x22: {  	s3 =	sadd.s32 s0, s17;
	s12 =	sadd.s32 s8, s20;
	[dreg:$0x1d] =	wrdreg s24  }
.Ltmp0:
0x23: {  	s11 =	sadd.s32 s9, s22;
	[dreg:$0x1e] =	wrdreg s12;
	(pc) =	sbr.rel .LBB2_1-.Ltmp0, $4  }
0x24: {  	v0 =	vimm.f32 $0.0e+00;
	s17 =	sadd.s32 $0x8, s0;
	s31 =	sor.u32 $0x20, s2;
	[dreg:$0x1f] =	wrdreg s11  }
0x25: {  	vm0 =	vmmov $0x1;
	vm1 =	vcmask $0x320;
	vm2 =	vcmask $0x720;
	s22 =	simm.s32 $0x9;
	s25 =	simm.s32 $0x10;
	[dreg:$0x1b] =	wrdreg s3  }
0x26: {  	vm3 =	vcmask $0xB20;
	vm4 =	vcmask $0xF20;
	vm5 =	vcmask $0x1320;
	s20 =	simm.s32 $0x6;
	s30 =	sadd.s32 $0x4, s3;
	[smem:$0x7FD] =	sst s31  }
0x27: {  	vm6 =	vcmask $0x1720;
	vm7 =	vcmask $0x1B20;
	vm8 =	vmmov $0xff;
	s3 =	simm.s32 $0x20;
	s11 =	simm.s32 $0x8;
	[smem:$0x7FC] =	sst s30  }
.LBB2_10:
0x28: {  	[bflag:$0x0] =	sbarrier.arrive $0xFFFF  }
0x29: {  	s0 =	stileid.u32;
	s2 =	sld [smem:$0x7FA]  }
0x2a: {  	s0 =	sshll.u32 s0, $0x6;
	s13 =	rddreg [dreg:$0x6]  }
0x2b: {  	s0 =	sor.u32 $0x1C09, s0;
	s1 =	sshrl.u32 s13, $0x3  }
0x2c: {  	[hbm:s2], [sflag:s0] =	dma.local [spmem:s1], $0x2C70  }
0x2d: {  	_ =	swait.ge [sflag:s22], $0x2C70  }
0x2e: {  	s30 =	sld [smem:$0x7F9]  }
0x2f: {  	s31 =	sld [smem:$0x7FB];
	_ =	sdelay $0x1  }
0x30: {  	s1 =	sadd.s32 $0x1, s30  }
0x31: {  	p0 =	sne.s32 s1, s31  }
.Ltmp1:
0x32: {  	_ = 	snop;
	(pc) =	sbr.rel @!p0 .LBB2_11-.Ltmp1, $3  }
0x33: {  	_ =	sdelay $0x1  }
0x34: {  	[sflag:s22] =	ssyncset.done $0x0  }
0x35: {  	[sflag:s22] =	ssyncadd.s32 $0xFFFFD390  }
.LBB2_1:
0x36: {  	[smem:$0x7F9] =	sst s1  }
0x37: {  	s0 =	simm.s32 $0x0;
	s28 =	rddreg [dreg:$0x4];
	s2 =	simm.s32 $0x8A40  }
0x38: {  	[tilespmem:s2], [sflag:$0x9] =	stream.linear.gather [hbm4b:s28+s0], $0x80, $0x38;
	[tilespmem:$0x1EEC0] =	vst v63  }
0x39: {  	_ =	swait.ge [sflag:s22], $0x80  }
0x3a: {  	[sflag:s22] =	ssyncset.done $0x0  }
0x3b: {  	s31 =	simm.s32 $0x8AC0;
	s30 =	rddreg [dreg:$0x5];
	[sflag:s22] =	ssyncadd.s32 $0xFFFFFF80  }
0x3c: {  	[tilespmem:s31], [sflag:$0x9] =	stream.linear.gather [hbm4b:s30+s0], $0x80, $0x38;
	[tilespmem:$0x1EEC0] =	vst v63  }
0x3d: {  	_ =	swait.ge [sflag:s22], $0x80  }
0x3e: {  	[sflag:s22] =	ssyncset.done $0x0  }
0x3f: {  	s1 =	simm.s32 $0x240;
	s0 =	simm.s32 $0x0;
	[sflag:s22] =	ssyncadd.s32 $0xFFFFFF80  }
.LBB2_2:
0x40: {  	p0 =	sne.s32 s1, $0x45C0;
	[tilespmem:s0+$0x78C0] =	vst v0  }
0x41: {  	[tilespmem:s0+$0x7840] =	vst v0  }
0x42: {  	[tilespmem:s0+$0x7850] =	vst v0  }
0x43: {  	[tilespmem:s0+$0x7860] =	vst v0  }
.Ltmp2:
0x44: {  	[tilespmem:s0+$0x7870] =	vst v0;
	(pc) =	sbr.rel @p0 .LBB2_2-.Ltmp2, $4  }
0x45: {  	[tilespmem:s0+$0x7880] =	vst v0  }
0x46: {  	[tilespmem:s0+$0x7890] =	vst v0  }
0x47: {  	[tilespmem:s0+$0x78A0] =	vst v0  }
0x48: {  	[tilespmem:s0+$0x78B0] =	vst v0;
	s0 =	sshra.s32 s1, $0x2;
	s1 =	sadd.s32 $0x240, s1  }
0x49: {  	[tilespmem:s0+$0x78C0] =	vst v0  }
0x4a: {  	[tilespmem:s0+$0x7840] =	vst v0  }
0x4b: {  	[tilespmem:s0+$0x7850] =	vst v0  }
0x4c: {  	[tilespmem:s0+$0x7860] =	vst v0  }
0x4d: {  	[tilespmem:s0+$0x7870] =	vst v0  }
0x4e: {  	[tilespmem:s0+$0x7880] =	vst v0  }
0x4f: {  	[tilespmem:s0+$0x7890] =	vst v0  }
0x50: {  	[tilespmem:s0+$0x78A0] =	vst v0  }
0x51: {  	[tilespmem:s0+$0x78B0] =	vst v0;
	s1 =	simm.s32 $0x7840  }
0x52: {  	[spmem:s13] =	stream.linear.scatter [tilespmem:s1], [sflag:$0x9], $0x1200, $0x38;
	[tilespmem:$0x1EEC0] =	vst v63  }
0x53: {  	_ =	swait.ge [sflag:s22], $0x1200  }
0x54: {  	[sflag:s22] =	ssyncset.done $0x0  }
0x55: {  	s13 =	rddreg [dreg:$0x7];
	[sflag:s22] =	ssyncadd.s32 $0xFFFFEE00  }
0x56: {  	[spmem:s13] =	stream.linear.scatter [tilespmem:s1], [sflag:$0x9], $0x1200, $0x38;
	[tilespmem:$0x1EEC0] =	vst v63  }
0x57: {  	_ =	swait.ge [sflag:s22], $0x1200  }
0x58: {  	[sflag:s22] =	ssyncset.done $0x0  }
0x59: {  	s14 =	rddreg [dreg:$0x8];
	[sflag:s22] =	ssyncadd.s32 $0xFFFFEE00  }
0x5a: {  	[spmem:s14] =	stream.linear.scatter [tilespmem:s1], [sflag:$0x9], $0x1200, $0x38;
	[tilespmem:$0x1EEC0] =	vst v63  }
0x5b: {  	_ =	swait.ge [sflag:s22], $0x1200  }
0x5c: {  	[sflag:s22] =	ssyncset.done $0x0  }
0x5d: {  	s15 =	rddreg [dreg:$0x9];
	[sflag:s22] =	ssyncadd.s32 $0xFFFFEE00  }
0x5e: {  	[spmem:s15] =	stream.linear.scatter [tilespmem:s1], [sflag:$0x9], $0x1200, $0x38;
	[tilespmem:$0x1EEC0] =	vst v63  }
0x5f: {  	_ =	swait.ge [sflag:s22], $0x1200  }
0x60: {  	[sflag:s22] =	ssyncset.done $0x0  }
0x61: {  	s21 =	rddreg [dreg:$0xa];
	[sflag:s22] =	ssyncadd.s32 $0xFFFFEE00  }
0x62: {  	[spmem:s21] =	stream.linear.scatter [tilespmem:s1], [sflag:$0x9], $0x1200, $0x38;
	[tilespmem:$0x1EEC0] =	vst v63  }
0x63: {  	_ =	swait.ge [sflag:s22], $0x1200  }
0x64: {  	[sflag:s22] =	ssyncset.done $0x0  }
0x65: {  	s23 =	rddreg [dreg:$0xb];
	[sflag:s22] =	ssyncadd.s32 $0xFFFFEE00  }
0x66: {  	[spmem:s23] =	stream.linear.scatter [tilespmem:s1], [sflag:$0x9], $0x1200, $0x38;
	[tilespmem:$0x1EEC0] =	vst v63  }
0x67: {  	_ =	swait.ge [sflag:s22], $0x1200  }
0x68: {  	[sflag:s22] =	ssyncset.done $0x0  }
0x69: {  	s24 =	rddreg [dreg:$0xc];
	[sflag:s22] =	ssyncadd.s32 $0xFFFFEE00  }
0x6a: {  	[spmem:s24] =	stream.linear.scatter [tilespmem:s1], [sflag:$0x9], $0x1200, $0x38;
	[tilespmem:$0x1EEC0] =	vst v63  }
0x6b: {  	_ =	swait.ge [sflag:s22], $0x1200  }
0x6c: {  	[sflag:s22] =	ssyncset.done $0x0  }
0x6d: {  	s28 =	rddreg [dreg:$0xd];
	[sflag:s22] =	ssyncadd.s32 $0xFFFFEE00  }
0x6e: {  	[spmem:s28] =	stream.linear.scatter [tilespmem:s1], [sflag:$0x9], $0x1200, $0x38;
	[tilespmem:$0x1EEC0] =	vst v63  }
0x6f: {  	_ =	swait.ge [sflag:s22], $0x1200  }
0x70: {  	[sflag:s22] =	ssyncset.done $0x0  }
0x71: {  	s31 =	rddreg [dreg:$0xe];
	[sflag:s22] =	ssyncadd.s32 $0xFFFFEE00  }
0x72: {  	[spmem:s31] =	stream.linear.scatter [tilespmem:s1], [sflag:$0x9], $0x1200, $0x38;
	[tilespmem:$0x1EEC0] =	vst v63  }
0x73: {  	_ =	swait.ge [sflag:s22], $0x1200  }
0x74: {  	[sflag:s22] =	ssyncset.done $0x0  }
0x75: {  	s2 =	rddreg [dreg:$0xf];
	[sflag:s22] =	ssyncadd.s32 $0xFFFFEE00  }
0x76: {  	[spmem:s2] =	stream.linear.scatter [tilespmem:s1], [sflag:$0x9], $0x1200, $0x38;
	[tilespmem:$0x1EEC0] =	vst v63  }
0x77: {  	_ =	swait.ge [sflag:s22], $0x1200  }
0x78: {  	[sflag:s22] =	ssyncset.done $0x0  }
0x79: {  	s10 =	rddreg [dreg:$0x10];
	[sflag:s22] =	ssyncadd.s32 $0xFFFFEE00  }
0x7a: {  	[spmem:s10] =	stream.linear.scatter [tilespmem:s1], [sflag:$0x9], $0x1200, $0x38;
	[tilespmem:$0x1EEC0] =	vst v63  }
0x7b: {  	_ =	swait.ge [sflag:s22], $0x1200  }
0x7c: {  	[sflag:s22] =	ssyncset.done $0x0  }
0x7d: {  	s12 =	rddreg [dreg:$0x11];
	[sflag:s22] =	ssyncadd.s32 $0xFFFFEE00  }
0x7e: {  	[spmem:s12] =	stream.linear.scatter [tilespmem:s1], [sflag:$0x9], $0x1200, $0x38;
	[tilespmem:$0x1EEC0] =	vst v63  }
0x7f: {  	_ =	swait.ge [sflag:s22], $0x1200  }
0x80: {  	[sflag:s22] =	ssyncset.done $0x0  }
0x81: {  	s13 =	rddreg [dreg:$0x12];
	[sflag:s22] =	ssyncadd.s32 $0xFFFFEE00  }
0x82: {  	[spmem:s13] =	stream.linear.scatter [tilespmem:s1], [sflag:$0x9], $0x1200, $0x38;
	[tilespmem:$0x1EEC0] =	vst v63  }
0x83: {  	_ =	swait.ge [sflag:s22], $0x1200  }
0x84: {  	[sflag:s22] =	ssyncset.done $0x0  }
0x85: {  	s14 =	rddreg [dreg:$0x13];
	[sflag:s22] =	ssyncadd.s32 $0xFFFFEE00  }
0x86: {  	[spmem:s14] =	stream.linear.scatter [tilespmem:s1], [sflag:$0x9], $0x1200, $0x38;
	[tilespmem:$0x1EEC0] =	vst v63  }
0x87: {  	_ =	swait.ge [sflag:s22], $0x1200  }
0x88: {  	[sflag:s22] =	ssyncset.done $0x0  }
0x89: {  	s15 =	rddreg [dreg:$0x14];
	[sflag:s22] =	ssyncadd.s32 $0xFFFFEE00  }
0x8a: {  	[spmem:s15] =	stream.linear.scatter [tilespmem:s1], [sflag:$0x9], $0x1200, $0x38;
	[tilespmem:$0x1EEC0] =	vst v63  }
0x8b: {  	_ =	swait.ge [sflag:s22], $0x1200  }
0x8c: {  	[sflag:s22] =	ssyncset.done $0x0  }
0x8d: {  	s21 =	rddreg [dreg:$0x15];
	[sflag:s22] =	ssyncadd.s32 $0xFFFFEE00  }
0x8e: {  	[spmem:s21] =	stream.linear.scatter [tilespmem:s1], [sflag:$0x9], $0x1200, $0x38;
	[tilespmem:$0x1EEC0] =	vst v63  }
0x8f: {  	_ =	swait.ge [sflag:s22], $0x1200  }
0x90: {  	[sflag:s22] =	ssyncset.done $0x0  }
0x91: {  	s23 =	rddreg [dreg:$0x16];
	[sflag:s22] =	ssyncadd.s32 $0xFFFFEE00  }
0x92: {  	[spmem:s23] =	stream.linear.scatter [tilespmem:s1], [sflag:$0x9], $0x1200, $0x38;
	[tilespmem:$0x1EEC0] =	vst v63  }
0x93: {  	_ =	swait.ge [sflag:s22], $0x1200  }
0x94: {  	[sflag:s22] =	ssyncset.done $0x0  }
0x95: {  	s24 =	rddreg [dreg:$0x17];
	[sflag:s22] =	ssyncadd.s32 $0xFFFFEE00  }
0x96: {  	[spmem:s24] =	stream.linear.scatter [tilespmem:s1], [sflag:$0x9], $0x1200, $0x38;
	[tilespmem:$0x1EEC0] =	vst v63  }
0x97: {  	_ =	swait.ge [sflag:s22], $0x1200  }
0x98: {  	[sflag:s22] =	ssyncset.done $0x0  }
0x99: {  	s28 =	rddreg [dreg:$0x18];
	[sflag:s22] =	ssyncadd.s32 $0xFFFFEE00  }
0x9a: {  	[spmem:s28] =	stream.linear.scatter [tilespmem:s1], [sflag:$0x9], $0x1200, $0x38;
	[tilespmem:$0x1EEC0] =	vst v63  }
0x9b: {  	_ =	swait.ge [sflag:s22], $0x1200  }
0x9c: {  	[sflag:s22] =	ssyncset.done $0x0  }
0x9d: {  	s31 =	rddreg [dreg:$0x19];
	[sflag:s22] =	ssyncadd.s32 $0xFFFFEE00  }
0x9e: {  	[spmem:s31] =	stream.linear.scatter [tilespmem:s1], [sflag:$0x9], $0xD80, $0x38;
	[tilespmem:$0x1EEC0] =	vst v63  }
0x9f: {  	_ =	swait.ge [sflag:s22], $0xD80  }
0xa0: {  	[sflag:s22] =	ssyncset.done $0x0  }
0xa1: {  	[sflag:s22] =	ssyncadd.s32 $0xFFFFF280  }
0xa2: {  	v1 =	vld [tilespmem:$0x8A40]  }
0xa3: {  	v2 =	vld [tilespmem:$0x8A50]  }
0xa4: {  	v3 =	vld [tilespmem:$0x8A60]  }
0xa5: {  	v4 =	vld [tilespmem:$0x8A70]  }
0xa6: {  	v5 =	vld [tilespmem:$0x8A80]  }
0xa7: {  	v6 =	vld [tilespmem:$0x8A90]  }
0xa8: {  	v7 =	vld [tilespmem:$0x8AA0]  }
0xa9: {  	v8 =	vld [tilespmem:$0x8AB0]  }
0xaa: {  	v9 =	vld [tilespmem:$0x8AC0]  }
0xab: {  	v10 =	vld [tilespmem:$0x8AD0]  }
0xac: {  	v11 =	vld [tilespmem:$0x8AE0]  }
0xad: {  	v12 =	vld [tilespmem:$0x8AF0]  }
0xae: {  	v13 =	vld [tilespmem:$0x8B00]  }
0xaf: {  	v14 =	vld [tilespmem:$0x8B10]  }
0xb0: {  	v15 =	vld [tilespmem:$0x8B20]  }
0xb1: {  	v16 =	vld [tilespmem:$0x8B30];
	[bflag:$0x0] =	sbarrier.arrive $0xFFFF  }
0xb2: {  	s1 =	rddreg [dreg:$0x1b]  }
0xb3: {  	[tilespmem:s29], [sflag:$0x9] =	stream.linear.gather [hbm4b:s1+s29], $0x20, $0x38;
	[tilespmem:$0x1EEC0] =	vst v63  }
0xb4: {  	_ =	swait.ge [sflag:s22], $0x20  }
0xb5: {  	s2 =	sld [smem:$0x7FC]  }
0xb6: {  	[sflag:s22] =	ssyncset.done $0x0  }
0xb7: {  	[sflag:s22] =	ssyncadd.s32 $0xFFFFFFE0  }
0xb8: {  	[tilespmem:s3], [sflag:$0x2] =	stream.linear.gather [hbm4b:s2+s29], $0x20, $0x38;
	[tilespmem:$0x1EEC0] =	vst v63  }
0xb9: {  	s10 =	simm.s32 $0x40  }
0xba: {  	[tilespmem:s10], [sflag:$0x3] =	stream.indirect.gather [hbm4b:s4+s25], $0x120, s29, s25, $0xb8;
	[tilespmem:$0x1EEC0] =	vst v63  }
0xbb: {  	s12 =	simm.s32 $0x2440  }
0xbc: {  	[tilespmem:s12], [sflag:$0x5] =	stream.indirect.gather [hbm4b:s5+s25], $0x110, s25, s25, $0xb8;
	[tilespmem:$0x1EEC0] =	vst v63  }
0xbd: {  	s14 =	simm.s32 $0x4640;
	s13 =	rddreg [dreg:$0x1c]  }
0xbe: {  	[tilespmem:s14], [sflag:$0x7] =	stream.linear.gather [hbm4b:s13+s29], $0x800, $0x38;
	[tilespmem:$0x1EEC0] =	vst v63  }
0xbf: {  	s21 =	simm.s32 $0x5640;
	s15 =	rddreg [dreg:$0x1d]  }
0xc0: {  	[tilespmem:s21], [sflag:$0x7] =	stream.linear.gather [hbm4b:s15+s29], $0x800, $0x38;
	[tilespmem:$0x1EEC0] =	vst v63  }
0xc1: {  	s24 =	simm.s32 $0x6640;
	s23 =	rddreg [dreg:$0x1e]  }
0xc2: {  	[tilespmem:s24], [sflag:$0x7] =	stream.linear.gather [hbm4b:s23+s29], $0x800, $0x38;
	[tilespmem:$0x1EEC0] =	vst v63  }
0xc3: {  	s30 =	simm.s32 $0x0;
	s31 =	simm.s32 $0x7640;
	s28 =	rddreg [dreg:$0x1f]  }
0xc4: {  	[tilespmem:s31], [sflag:$0x7] =	stream.linear.gather [hbm4b:s28+s29], $0x100, $0x38;
	[tilespmem:$0x1EEC0] =	vst v63  }
.LBB2_4:
0xc5: {  	s0 =	simm.s32 $0x2  }
0xc6: {  	s31 =	sshllo.u32 s30, $0x1;
	_ =	swait.ge [sflag:s0], $0x20  }
0xc7: {  	s12 =	sshll.u32 s31, $0x4;
	[sflag:s0] =	ssyncset.done $0x0;
	s13 =	rddreg [dreg:$0x1a]  }
0xc8: {  	s1 =	simm.s32 $0x1240;
	[sflag:s0] =	ssyncadd.s32 $0xFFFFFFE0;
	s0 =	sadd.s32 s13, s12  }
0xc9: {  	[tilespmem:s1], [sflag:$0x4] =	stream.indirect.gather [hbm4b:s4+s25], $0x120, s3, s25, $0xb8;
	[tilespmem:$0x1EEC0] =	vst v63  }
0xca: {  	s15 =	sshll.u32 s0, $0x4  }
0xcb: {  	s14 =	simm.s32 $0x30;
	s2 =	simm.s32 $0x3540;
	s1 =	sand.u32 $0x1FFFFF00, s15  }
0xcc: {  	[tilespmem:s2], [sflag:$0x6] =	stream.indirect.gather [hbm4b:s5+s25], $0x110, s14, s25, $0xb8;
	[tilespmem:$0x1EEC0] =	vst v63  }
0xcd: {  	s23 =	simm.s32 $0x4E40;
	s21 =	sadd.s32 s6, s1  }
0xce: {  	[tilespmem:s23], [sflag:$0x8] =	stream.linear.gather [hbm4b:s21+s29], $0x800, $0x38;
	[tilespmem:$0x1EEC0] =	vst v63  }
0xcf: {  	s28 =	simm.s32 $0x5E40;
	s0 =	sshll.u32 s0, $0x1;
	s24 =	sadd.s32 s7, s1  }
0xd0: {  	[tilespmem:s28], [sflag:$0x8] =	stream.linear.gather [hbm4b:s24+s29], $0x800, $0x38;
	[tilespmem:$0x1EEC0] =	vst v63  }
0xd1: {  	s3 =	simm.s32 $0x6E40;
	s0 =	sand.u32 $0x1FFFFFE0, s0;
	s1 =	sadd.s32 s8, s1  }
0xd2: {  	[tilespmem:s3], [sflag:$0x8] =	stream.linear.gather [hbm4b:s1+s29], $0x800, $0x38;
	[tilespmem:$0x1EEC0] =	vst v63  }
0xd3: {  	s10 =	simm.s32 $0x7740;
	s12 =	simm.s32 $0x3;
	s0 =	sadd.s32 s9, s0  }
0xd4: {  	[tilespmem:s10], [sflag:$0x8] =	stream.linear.gather [hbm4b:s0+s29], $0x100, $0x38;
	[tilespmem:$0x1EEC0] =	vst v63  }
0xd5: {  	_ =	swait.ge [sflag:s12], $0x1200  }
0xd6: {  	[sflag:s12] =	ssyncset.done $0x0  }
0xd7: {  	[sflag:s12] =	ssyncadd.s32 $0xFFFFEE00  }
0xd8: {  	_ =	swait.ge [sflag:s16], $0x1100  }
0xd9: {  	[sflag:s16] =	ssyncset.done $0x0  }
0xda: {  	[sflag:s16] =	ssyncadd.s32 $0xFFFFEF00  }
0xdb: {  	_ =	swait.ge [sflag:s18], $0x800  }
0xdc: {  	[sflag:s18] =	ssyncset.done $0x0  }
0xdd: {  	[sflag:s18] =	ssyncadd.s32 $0xFFFFF800  }
0xde: {  	_ =	swait.ge [sflag:s18], $0x800  }
0xdf: {  	[sflag:s18] =	ssyncset.done $0x0  }
0xe0: {  	[sflag:s18] =	ssyncadd.s32 $0xFFFFF800  }
0xe1: {  	_ =	swait.ge [sflag:s18], $0x800  }
0xe2: {  	[sflag:s18] =	ssyncset.done $0x0  }
0xe3: {  	[sflag:s18] =	ssyncadd.s32 $0xFFFFF800  }
0xe4: {  	_ =	swait.ge [sflag:s18], $0x100  }
0xe5: {  	[sflag:s18] =	ssyncset.done $0x0  }
0xe6: {  	s0 =	simm.s32 $0xD0;
	[sflag:s18] =	ssyncadd.s32 $0xFFFFFF00  }
0xe7: {  	s13 =	simm.s32 $0x7640;
	v17 =	vld [tilespmem:s0+$0x80]  }
0xe8: {  	s2 =	simm.s32 $0x24C0;
	v18 =	vld [tilespmem:s13+$0x0]  }
0xe9: {  	v19 =	vld [tilespmem:s2+$0x80];
	_ =	sdelay $0x2  }
0xea: {  	(v2sf) =	vpush v17, $0x8  }
0xeb: {  	(v2sf) =	vpush v18, $0x0  }
0xec: {  	(v2sf) =	vpush v19, $0x0  }
0xed: {  	(v2sf) =	vpush v18, $0x1  }
0xee: {  	(v2sf) =	vpush v17, $0x9;
	_ =	sdelay $0x1  }
0xef: {  	(v2sf) =	vpush v19, $0x1;
	_ =	sdelay $0x5  }
0xf0: {  	v20 =	vld [tilespmem:s2+$0xFFFFFF80]  }
0xf1: {  	v23 =	vld [tilespmem:s0+$0xFFFFFF70]  }
0xf2: {  	v24 =	vld [tilespmem:s0+$0xFFFFFF80]  }
0xf3: {  	v26 =	vld [tilespmem:s0+$0xFFFFFF90];
	s14 =	spop (v2sf)  }
0xf4: {  	v27 =	vld [tilespmem:s2+$0xFFFFFFC0];
	s15 =	spop (v2sf)  }
0xf5: {  	v28 =	vld [tilespmem:s2+$0xFFFFFFB0];
	s1 =	sadd.f32 s15, s14;
	s21 =	spop (v2sf)  }
0xf6: {  	v31 =	vld [tilespmem:s0+$0xFFFFFFA0];
	s10 =	spop (v2sf)  }
0xf7: {  	v32 =	vld [tilespmem:s0+$0xFFFFFFB0];
	s1 =	sadd.f32 s1, s21;
	s23 =	spop (v2sf)  }
0xf8: {  	s13 =	simm.s32 $0x0;
	v33 =	vld [tilespmem:s2+$0xFFFFFFE0];
	s3 =	sadd.f32 s10, s23  }
0xf9: {  	v21 =	vld [tilespmem:s13+$0x4640];
	s24 =	spop (v2sf);
	s1 =	smul.f32 $3.676470600e-03, s1  }
0xfa: {  	v22 =	vld [tilespmem:s13+$0x4650];
	s3 =	sadd.f32 s3, s24  }
0xfb: {  	v25 =	vld [tilespmem:s13+$0x4660];
	s28 =	smul.f32 s1, s1  }
0xfc: {  	v29 =	vld [tilespmem:s13+$0x4670];
	s3 =	smul.f32 $3.676470600e-03, s3  }
0xfd: {  	v18 =	vld [tilespmem:s2+$0xFFFFFFA0]  }
0xfe: {  	v19 =	vld [tilespmem:s2+$0xFFFFFF90];
	s3 =	ssub.f32 s3, s28  }
0xff: {  	v30 =	vld [tilespmem:s13+$0x4680]  }
0x100: {  	v34 =	vld [tilespmem:s2+$0xFFFFFFD0];
	v20 =	vadd.f32 v20, v21;
	v37 =	vmov s3  }
0x101: {  	v36 =	vld [tilespmem:s13+$0x46A0];
	v37 =	vadd.f32 $9.999999740e-06, v37  }
0x102: {  	v35 =	vld [tilespmem:s13+$0x4690];
	v20 =	vmul.f32 v20, v23;
	v18 =	vadd.f32 v18, v25  }
0x103: {  	v19 =	vadd.f32 v19, v22;
	v22 =	vld [tilespmem:s0+$0xFFFFFFD0];
	v54 =	vbroadcast v37, $0x0  }
0x104: {  	v21 =	vld [tilespmem:s0+$0xFFFFFFC0];
	v55 =	vadd.f32 v27, v30;
	(xrf2) =	vadd.scan.msk.f32 $0xffff, v20;
	v20 =	vadd.f32 v28, v29;
	v18 =	vmul.f32 v18, v26  }
0x105: {  	v56 =	vld [tilespmem:s13+$0x46B0];
	v19 =	vmul.f32 v19, v24;
	v57 =	vshra.s32 v54, $0x1;
	v25 =	vmul.f32 $5.000000000e-01, v54  }
0x106: {  	v58 =	vadd.f32 v33, v36;
	v23 =	vld [tilespmem:s2+$0xFFFFFFF0];
	(xrf2) =	vadd.scan.msk.f32 $0xffff, v18;
	v18 =	vmul.f32 v55, v32;
	v27 =	vsub.s32 $0x5F3759DF, v57  }
0x107: {  	v20 =	vmul.f32 v20, v31;
	(xrf2) =	vadd.scan.msk.f32 $0xffff, v19;
	v19 =	vadd.f32 v34, v35;
	v60 =	vmul.f32 v27, v25  }
0x108: {  	v59 =	vld [tilespmem:s0+$0xFFFFFFE0];
	(xrf2) =	vadd.scan.msk.f32 $0xffff, v18;
	v18 =	vmul.f32 v58, v22  }
0x109: {  	v19 =	vmul.f32 v19, v21;
	(xrf2) =	vadd.scan.msk.f32 $0xffff, v20;
	v21 =	vmul.f32 v27, v60  }
0x10a: {  	(xrf2) =	vadd.scan.msk.f32 $0xffff, v18  }
0x10b: {  	v20 =	vadd.f32 v23, v56;
	(xrf2) =	vadd.scan.msk.f32 $0xffff, v19;
	v19 =	vsub.f32 $1.500000000e+00, v21;
	_ =	sdelay $0x1  }
0x10c: {  	v18 =	vmul.f32 v20, v59;
	_ =	sdelay $0x1  }
0x10d: {  	(xrf2) =	vadd.scan.msk.f32 $0xffff, v18;
	v18 =	vmul.f32 v27, v19;
	v19, _, _ =	vpop (xrf2)  }
0x10e: {  	v21, _, _ =	vpop (xrf2)  }
0x10f: {  	v20 =	vmul.f32 v18, v25;
	v19 =	vbroadcast v19, $0xF;
	v22, _, _ =	vpop (xrf2)  }
0x110: {  	v22 =	vbroadcast v22, $0xF  }
0x111: {  	v20 =	vmul.f32 v20, v18;
	v21 =	vbroadcast v21, $0xF;
	v19 =	vnsel vm0, $0x0, v19  }
0x112: {  	v23, _, _ =	vpop (xrf2);
	v19 =	vsel vm1, v19, v22  }
0x113: {  	v61, _, _ =	vpop (xrf2);
	v20 =	vsub.f32 $1.500000000e+00, v20;
	v19 =	vsel vm2, v19, v21;
	v21 =	vbroadcast v23, $0xF  }
0x114: {  	v22 =	vbroadcast v61, $0xF;
	v62, _, _ =	vpop (xrf2)  }
0x115: {  	v23, _, _ =	vpop (xrf2);
	v18 =	vmul.f32 v20, v18  }
0x116: {  	v19 =	vsel vm3, v19, v22;
	v20 =	vbroadcast v23, $0xF;
	v22 =	vld [tilespmem:s0+$0x70]  }
0x117: {  	v23 =	vbroadcast v62, $0xF;
	v19 =	vsel vm4, v19, v21;
	v63 =	vmul.f32 v18, v25;
	v21, _, _ =	vpop (xrf2)  }
0x118: {  	v19 =	vsel vm5, v19, v20;
	v20 =	vbroadcast v21, $0xF  }
0x119: {  	v19 =	vsel vm6, v19, v23;
	v21 =	vmul.f32 v63, v18  }
0x11a: {  	v19 =	vsel vm7, v19, v20  }
0x11b: {  	v20 =	vmul.f32 s1, v17;
	v17 =	vsub.f32 $1.500000000e+00, v21;
	v19 =	vadd.f32 v19, v22;
	_ =	sdelay $0x1  }
0x11c: {  	v17 =	vmul.f32 v17, v18;
	v18 =	vsub.f32 v19, v20;
	_ =	sdelay $0x1  }
0x11d: {  	v18 =	vmul.f32 v18, v17;
	_ =	sdelay $0x1  }
0x11e: {  	v18 =	vmul.f32 $1.442695020e+00, v18;
	_ =	sdelay $0x1  }
0x11f: {  	(erf) = vpow2.f32 v18;
	_ =	sdelay $0x8  }
0x120: {  	v19 =	vpop (erf)  }
0x121: {  	s14 =	simm.s32 $0x7880;
	v18 =	vnsel vm8, $0x0, v19  }
0x122: {  	[tilespmem:s14+$0x40] =	vst v18  }
0x123: {  	v18 =	vld [tilespmem:s13+$0x5640]  }
0x124: {  	v20 =	vld [tilespmem:s2+$0x0];
	_ =	sdelay $0x1  }
0x125: {  	v21 =	vld [tilespmem:s0+$0xFFFFFFF0];
	_ =	sdelay $0x2  }
0x126: {  	v20 =	vadd.f32 v20, v18;
	_ =	sdelay $0x1  }
0x127: {  	v18 =	vmul.f32 s1, v17;
	v20 =	vadd.f32 v21, v20  }
0x128: {  	v21 =	vld [tilespmem:s13+$0x6640]  }
0x129: {  	v22 =	vmul.f32 v18, v1;
	v20 =	vmul.f32 v20, v17;
	_ =	sdelay $0x1  }
0x12a: {  	v20 =	vsub.f32 v20, v22;
	v22 =	vbroadcast v19, $0x0;
	_ =	sdelay $0x1  }
0x12b: {  	v20 =	vadd.f32 v20, v9;
	v21 =	vmul.f32 v22, v21;
	_ =	sdelay $0x1  }
0x12c: {  	v20 =	vmul.f32 v21, v20;
	_ =	sdelay $0x1  }
0x12d: {  	[tilespmem:s14+$0xFFFFFFC0] =	vst v20  }
0x12e: {  	v20 =	vld [tilespmem:s13+$0x5650]  }
0x12f: {  	v21 =	vld [tilespmem:s2+$0x10];
	_ =	sdelay $0x1  }
0x130: {  	v22 =	vld [tilespmem:s0+$0x0];
	_ =	sdelay $0x2  }
0x131: {  	v20 =	vadd.f32 v21, v20;
	_ =	sdelay $0x1  }
0x132: {  	v20 =	vadd.f32 v22, v20  }
0x133: {  	v21 =	vld [tilespmem:s13+$0x6650]  }
0x134: {  	v22 =	vmul.f32 v18, v2;
	v20 =	vmul.f32 v20, v17;
	_ =	sdelay $0x1  }
0x135: {  	v20 =	vsub.f32 v20, v22;
	v22 =	vbroadcast v19, $0x1;
	_ =	sdelay $0x1  }
0x136: {  	v20 =	vadd.f32 v20, v10;
	v21 =	vmul.f32 v22, v21;
	_ =	sdelay $0x1  }
0x137: {  	v20 =	vmul.f32 v20, v21;
	_ =	sdelay $0x1  }
0x138: {  	[tilespmem:s14+$0xFFFFFFD0] =	vst v20  }
0x139: {  	v20 =	vld [tilespmem:s13+$0x5660]  }
0x13a: {  	v21 =	vld [tilespmem:s2+$0x20];
	_ =	sdelay $0x1  }
0x13b: {  	v22 =	vld [tilespmem:s0+$0x10];
	_ =	sdelay $0x2  }
0x13c: {  	v20 =	vadd.f32 v21, v20;
	_ =	sdelay $0x1  }
0x13d: {  	v20 =	vadd.f32 v22, v20  }
0x13e: {  	v21 =	vld [tilespmem:s13+$0x6660]  }
0x13f: {  	v22 =	vmul.f32 v18, v3;
	v20 =	vmul.f32 v20, v17;
	_ =	sdelay $0x1  }
0x140: {  	v20 =	vsub.f32 v20, v22;
	v22 =	vbroadcast v19, $0x2;
	_ =	sdelay $0x1  }
0x141: {  	v20 =	vadd.f32 v20, v11;
	v21 =	vmul.f32 v21, v22;
	_ =	sdelay $0x1  }
0x142: {  	v20 =	vmul.f32 v20, v21;
	_ =	sdelay $0x1  }
0x143: {  	[tilespmem:s14+$0xFFFFFFE0] =	vst v20  }
0x144: {  	v20 =	vld [tilespmem:s2+$0x30]  }
0x145: {  	v21 =	vld [tilespmem:s13+$0x5670];
	_ =	sdelay $0x1  }
0x146: {  	v22 =	vld [tilespmem:s0+$0x20];
	_ =	sdelay $0x2  }
0x147: {  	v20 =	vadd.f32 v20, v21;
	_ =	sdelay $0x1  }
0x148: {  	v20 =	vadd.f32 v22, v20  }
0x149: {  	v21 =	vld [tilespmem:s13+$0x6670]  }
0x14a: {  	v22 =	vmul.f32 v18, v4;
	v20 =	vmul.f32 v20, v17;
	_ =	sdelay $0x1  }
0x14b: {  	v20 =	vsub.f32 v20, v22;
	v22 =	vbroadcast v19, $0x3;
	_ =	sdelay $0x1  }
0x14c: {  	v20 =	vadd.f32 v20, v12;
	v21 =	vmul.f32 v21, v22;
	_ =	sdelay $0x1  }
0x14d: {  	v20 =	vmul.f32 v20, v21;
	_ =	sdelay $0x1  }
0x14e: {  	[tilespmem:s14+$0xFFFFFFF0] =	vst v20  }
0x14f: {  	v20 =	vld [tilespmem:s13+$0x5680]  }
0x150: {  	v21 =	vld [tilespmem:s2+$0x40];
	_ =	sdelay $0x1  }
0x151: {  	v22 =	vld [tilespmem:s0+$0x30];
	_ =	sdelay $0x2  }
0x152: {  	v20 =	vadd.f32 v21, v20;
	_ =	sdelay $0x1  }
0x153: {  	v20 =	vadd.f32 v22, v20  }
0x154: {  	v21 =	vld [tilespmem:s13+$0x6680]  }
0x155: {  	v22 =	vmul.f32 v18, v5;
	v20 =	vmul.f32 v20, v17;
	_ =	sdelay $0x1  }
0x156: {  	v20 =	vsub.f32 v20, v22;
	v22 =	vbroadcast v19, $0x4;
	_ =	sdelay $0x1  }
0x157: {  	v20 =	vadd.f32 v20, v13;
	v21 =	vmul.f32 v21, v22;
	_ =	sdelay $0x1  }
0x158: {  	v20 =	vmul.f32 v20, v21;
	_ =	sdelay $0x1  }
0x159: {  	[tilespmem:s14+$0x0] =	vst v20  }
0x15a: {  	v20 =	vld [tilespmem:s13+$0x5690]  }
0x15b: {  	v21 =	vld [tilespmem:s2+$0x50];
	_ =	sdelay $0x1  }
0x15c: {  	v22 =	vld [tilespmem:s0+$0x40];
	_ =	sdelay $0x2  }
0x15d: {  	v20 =	vadd.f32 v21, v20;
	_ =	sdelay $0x1  }
0x15e: {  	v20 =	vadd.f32 v22, v20  }
0x15f: {  	v21 =	vld [tilespmem:s13+$0x6690]  }
0x160: {  	v22 =	vmul.f32 v18, v6;
	v20 =	vmul.f32 v20, v17;
	_ =	sdelay $0x1  }
0x161: {  	v20 =	vsub.f32 v20, v22;
	v22 =	vbroadcast v19, $0x5;
	_ =	sdelay $0x1  }
0x162: {  	v20 =	vadd.f32 v20, v14;
	v21 =	vmul.f32 v21, v22;
	_ =	sdelay $0x1  }
0x163: {  	v20 =	vmul.f32 v20, v21;
	_ =	sdelay $0x1  }
0x164: {  	[tilespmem:s14+$0x10] =	vst v20  }
0x165: {  	v22 =	vld [tilespmem:s13+$0x56A0]  }
0x166: {  	v23 =	vld [tilespmem:s2+$0x60];
	_ =	sdelay $0x1  }
0x167: {  	v21 =	vld [tilespmem:s0+$0x50];
	_ =	sdelay $0x2  }
0x168: {  	s12 =	sshll.u32 s30, $0x1;
	s21 =	simm.s32 $0x7650;
	s10 =	simm.s32 $0x200;
	v22 =	vadd.f32 v23, v22  }
0x169: {  	s23 =	simm.s32 $0x7880;
	s3 =	simm.s32 $0xD0;
	s1 =	simm.s32 $0x24C0;
	v20 =	vld [tilespmem:s13+$0x66A0]  }
.LBB2_5:
0x16a: {  	v21 =	vadd.f32 v21, v22;
	s14 =	sadd.s32 $0x90, s14;
	s2 =	sadd.s32 $0x110, s2;
	s0 =	sadd.s32 $0x120, s0  }
0x16b: {  	p0 =	sne.s32 s10, $0x1E00;
	s24 =	smov.u32 s10;
	s10 =	sadd.s32 $0x200, s10  }
0x16c: {  	v22 =	vmul.f32 v18, v7;
	v21 =	vmul.f32 v21, v17;
	_ =	sdelay $0x1  }
0x16d: {  	v21 =	vsub.f32 v21, v22;
	v22 =	vbroadcast v19, $0x6;
	_ =	sdelay $0x1  }
0x16e: {  	v21 =	vadd.f32 v21, v15;
	v20 =	vmul.f32 v20, v22;
	_ =	sdelay $0x1  }
0x16f: {  	v20 =	vmul.f32 v21, v20;
	_ =	sdelay $0x1  }
0x170: {  	[tilespmem:s23+$0x20] =	vst v20  }
0x171: {  	v20 =	vld [tilespmem:s13+$0x56B0]  }
0x172: {  	v21 =	vld [tilespmem:s1+$0x70];
	s1 =	smov.u32 s2  }
0x173: {  	v22 =	vld [tilespmem:s3+$0x60];
	s3 =	smov.u32 s0  }
0x174: {  	v23 =	vld [tilespmem:s13+$0x66B0];
	_ =	sdelay $0x2  }
0x175: {  	v20 =	vadd.f32 v21, v20;
	_ =	sdelay $0x1  }
0x176: {  	v20 =	vadd.f32 v22, v20  }
0x177: {  	v18 =	vmul.f32 v18, v8  }
0x178: {  	v17 =	vmul.f32 v20, v17  }
0x179: {  	v19 =	vbroadcast v19, $0x7  }
0x17a: {  	v17 =	vsub.f32 v17, v18  }
0x17b: {  	v18 =	vmul.f32 v23, v19  }
0x17c: {  	v17 =	vadd.f32 v17, v16;
	_ =	sdelay $0x1  }
0x17d: {  	v17 =	vmul.f32 v17, v18;
	_ =	sdelay $0x1  }
0x17e: {  	[tilespmem:s23+$0x30] =	vst v17;
	s23 =	smov.u32 s14  }
0x17f: {  	v17 =	vld [tilespmem:s0+$0x80]  }
0x180: {  	v18 =	vld [tilespmem:s21+$0x0]  }
0x181: {  	v19 =	vld [tilespmem:s2+$0x80];
	_ =	sdelay $0x2  }
0x182: {  	(v2sf) =	vpush v17, $0x8  }
0x183: {  	(v2sf) =	vpush v18, $0x0  }
0x184: {  	v20 =	vld [tilespmem:s2+$0xFFFFFFA0];
	(v2sf) =	vpush v19, $0x0  }
0x185: {  	v21 =	vld [tilespmem:s2+$0xFFFFFF90];
	(v2sf) =	vpush v18, $0x1  }
0x186: {  	s13 =	sshra.s32 s24, $0x2;
	v18 =	vld [tilespmem:s2+$0xFFFFFF80];
	(v2sf) =	vpush v17, $0x9  }
0x187: {  	v22 =	vld [tilespmem:s13+$0x4640]  }
0x188: {  	v23 =	vld [tilespmem:s13+$0x4650];
	(v2sf) =	vpush v19, $0x1  }
0x189: {  	v19 =	vld [tilespmem:s0+$0xFFFFFF70]  }
0x18a: {  	v24 =	vld [tilespmem:s0+$0xFFFFFF80]  }
0x18b: {  	v25 =	vld [tilespmem:s13+$0x4660]  }
0x18c: {  	v18 =	vadd.f32 v18, v22  }
0x18d: {  	v21 =	vadd.f32 v21, v23;
	v22 =	vld [tilespmem:s0+$0xFFFFFF90]  }
0x18e: {  	v18 =	vmul.f32 v18, v19;
	v19 =	vld [tilespmem:s2+$0xFFFFFFC0]  }
0x18f: {  	v21 =	vmul.f32 v21, v24;
	v23 =	vld [tilespmem:s2+$0xFFFFFFB0]  }
0x190: {  	v20 =	vadd.f32 v20, v25;
	v24 =	vld [tilespmem:s13+$0x4670];
	(xrf2) =	vadd.scan.msk.f32 $0xffff, v18  }
0x191: {  	v18 =	vld [tilespmem:s13+$0x4680];
	s24 =	spop (v2sf)  }
0x192: {  	v20 =	vmul.f32 v20, v22;
	v22 =	vld [tilespmem:s0+$0xFFFFFFA0];
	s28 =	spop (v2sf)  }
0x193: {  	s24 =	sadd.f32 s28, s24;
	v25 =	vld [tilespmem:s0+$0xFFFFFFB0];
	s28 =	spop (v2sf)  }
0x194: {  	v26 =	vld [tilespmem:s2+$0xFFFFFFE0];
	s15 =	spop (v2sf);
	(xrf2) =	vadd.scan.msk.f32 $0xffff, v20  }
0x195: {  	s24 =	sadd.f32 s24, s28;
	v20 =	vadd.f32 v23, v24;
	v23 =	vld [tilespmem:s2+$0xFFFFFFD0];
	s28 =	spop (v2sf)  }
0x196: {  	s15 =	sadd.f32 s15, s28;
	v18 =	vadd.f32 v19, v18;
	v19 =	vld [tilespmem:s13+$0x4690]  }
0x197: {  	s24 =	smul.f32 $3.676470600e-03, s24;
	v20 =	vmul.f32 v20, v22;
	v22 =	vld [tilespmem:s13+$0x46A0];
	s28 =	spop (v2sf);
	(xrf2) =	vadd.scan.msk.f32 $0xffff, v21  }
0x198: {  	s15 =	sadd.f32 s15, s28;
	v18 =	vmul.f32 v18, v25;
	v21 =	vld [tilespmem:s0+$0xFFFFFFC0]  }
0x199: {  	s28 =	smul.f32 s24, s24;
	v24 =	vld [tilespmem:s0+$0xFFFFFFD0];
	v25 =	vmul.f32 s24, v17  }
0x19a: {  	s15 =	smul.f32 $3.676470600e-03, s15;
	v17, _, _ =	vpop (xrf2);
	(xrf2) =	vadd.scan.msk.f32 $0xffff, v18  }
0x19b: {  	v17 =	vbroadcast v17, $0xF;
	v18 =	vadd.f32 v23, v19;
	v19 =	vld [tilespmem:s2+$0xFFFFFFF0]  }
0x19c: {  	s15 =	ssub.f32 s15, s28;
	v22 =	vadd.f32 v26, v22;
	v23 =	vld [tilespmem:s13+$0x46B0]  }
0x19d: {  	v18 =	vmul.f32 v18, v21;
	(xrf2) =	vadd.scan.msk.f32 $0xffff, v20  }
0x19e: {  	v20 =	vmov s15;
	v26 =	vmul.f32 v22, v24;
	v22 =	vld [tilespmem:s0+$0xFFFFFFE0];
	v24, _, _ =	vpop (xrf2)  }
0x19f: {  	v20 =	vadd.f32 $9.999999740e-06, v20  }
0x1a0: {  	(xrf2) =	vadd.scan.msk.f32 $0xffff, v26  }
0x1a1: {  	v20 =	vbroadcast v20, $0x0;
	v19 =	vadd.f32 v19, v23;
	v21, _, _ =	vpop (xrf2)  }
0x1a2: {  	v17 =	vnsel vm0, $0x0, v17;
	v26 =	vbroadcast v21, $0xF  }
0x1a3: {  	v23 =	vshra.s32 v20, $0x1;
	v20 =	vmul.f32 $5.000000000e-01, v20;
	v19 =	vmul.f32 v19, v22;
	(xrf2) =	vadd.scan.msk.f32 $0xffff, v18  }
0x1a4: {  	v18 =	vsub.s32 $0x5F3759DF, v23;
	v17 =	vsel vm1, v17, v26;
	v21, _, _ =	vpop (xrf2)  }
0x1a5: {  	v22 =	vmul.f32 v18, v20  }
0x1a6: {  	(xrf2) =	vadd.scan.msk.f32 $0xffff, v19  }
0x1a7: {  	v24 =	vbroadcast v24, $0xF;
	v19 =	vmul.f32 v18, v22;
	v23, _, _ =	vpop (xrf2)  }
0x1a8: {  	v23 =	vbroadcast v23, $0xF  }
0x1a9: {  	v17 =	vsel vm2, v17, v24;
	v19 =	vsub.f32 $1.500000000e+00, v19  }
0x1aa: {  	v17 =	vsel vm3, v17, v23;
	v22, _, _ =	vpop (xrf2)  }
0x1ab: {  	v18 =	vmul.f32 v18, v19;
	v19 =	vbroadcast v22, $0xF;
	_ =	sdelay $0x1  }
0x1ac: {  	v21 =	vbroadcast v21, $0xF;
	v22 =	vmul.f32 v18, v20;
	v23, _, _ =	vpop (xrf2)  }
0x1ad: {  	v24 =	vbroadcast v23, $0xF  }
0x1ae: {  	v17 =	vsel vm4, v17, v21;
	v22 =	vmul.f32 v22, v18;
	v21 =	vld [tilespmem:s0+$0x70]  }
0x1af: {  	v17 =	vsel vm5, v17, v24;
	v23, _, _ =	vpop (xrf2)  }
0x1b0: {  	v22 =	vsub.f32 $1.500000000e+00, v22;
	v17 =	vsel vm6, v17, v19;
	v19 =	vbroadcast v23, $0xF;
	_ =	sdelay $0x1  }
0x1b1: {  	v18 =	vmul.f32 v22, v18;
	v17 =	vsel vm7, v17, v19  }
0x1b2: {  	v19 =	vadd.f32 v17, v21  }
0x1b3: {  	v17 =	vmul.f32 v18, v20;
	_ =	sdelay $0x1  }
0x1b4: {  	v17 =	vmul.f32 v17, v18;
	_ =	sdelay $0x1  }
0x1b5: {  	v17 =	vsub.f32 $1.500000000e+00, v17;
	_ =	sdelay $0x1  }
0x1b6: {  	v17 =	vmul.f32 v17, v18;
	v18 =	vsub.f32 v19, v25;
	_ =	sdelay $0x1  }
0x1b7: {  	v19 =	vmul.f32 v18, v17;
	v18 =	vmul.f32 s24, v17;
	_ =	sdelay $0x1  }
0x1b8: {  	v19 =	vmul.f32 $1.442695020e+00, v19;
	_ =	sdelay $0x1  }
0x1b9: {  	(erf) = vpow2.f32 v19;
	_ =	sdelay $0x8  }
0x1ba: {  	v19 =	vpop (erf)  }
0x1bb: {  	v20 =	vnsel vm8, $0x0, v19  }
0x1bc: {  	[tilespmem:s14+$0x40] =	vst v20  }
0x1bd: {  	v20 =	vld [tilespmem:s13+$0x5640]  }
0x1be: {  	v21 =	vld [tilespmem:s2+$0x0];
	_ =	sdelay $0x1  }
0x1bf: {  	v22 =	vld [tilespmem:s0+$0xFFFFFFF0];
	_ =	sdelay $0x2  }
0x1c0: {  	v20 =	vadd.f32 v21, v20;
	_ =	sdelay $0x1  }
0x1c1: {  	v20 =	vadd.f32 v22, v20  }
0x1c2: {  	v21 =	vld [tilespmem:s13+$0x6640]  }
0x1c3: {  	v22 =	vmul.f32 v18, v1;
	v20 =	vmul.f32 v20, v17;
	_ =	sdelay $0x1  }
0x1c4: {  	v20 =	vsub.f32 v20, v22;
	v22 =	vbroadcast v19, $0x0;
	_ =	sdelay $0x1  }
0x1c5: {  	v20 =	vadd.f32 v20, v9;
	v21 =	vmul.f32 v22, v21;
	_ =	sdelay $0x1  }
0x1c6: {  	v20 =	vmul.f32 v21, v20;
	_ =	sdelay $0x1  }
0x1c7: {  	[tilespmem:s14+$0xFFFFFFC0] =	vst v20  }
0x1c8: {  	v20 =	vld [tilespmem:s13+$0x5650]  }
0x1c9: {  	v21 =	vld [tilespmem:s2+$0x10];
	_ =	sdelay $0x1  }
0x1ca: {  	v22 =	vld [tilespmem:s0+$0x0];
	_ =	sdelay $0x2  }
0x1cb: {  	v20 =	vadd.f32 v21, v20;
	_ =	sdelay $0x1  }
0x1cc: {  	v20 =	vadd.f32 v22, v20  }
0x1cd: {  	v21 =	vld [tilespmem:s13+$0x6650]  }
0x1ce: {  	v22 =	vmul.f32 v18, v2;
	v20 =	vmul.f32 v20, v17;
	_ =	sdelay $0x1  }
0x1cf: {  	v20 =	vsub.f32 v20, v22;
	v22 =	vbroadcast v19, $0x1;
	_ =	sdelay $0x1  }
0x1d0: {  	v20 =	vadd.f32 v20, v10;
	v21 =	vmul.f32 v22, v21;
	_ =	sdelay $0x1  }
0x1d1: {  	v20 =	vmul.f32 v20, v21;
	_ =	sdelay $0x1  }
0x1d2: {  	[tilespmem:s14+$0xFFFFFFD0] =	vst v20  }
0x1d3: {  	v20 =	vld [tilespmem:s13+$0x5660]  }
0x1d4: {  	v21 =	vld [tilespmem:s2+$0x20];
	_ =	sdelay $0x1  }
0x1d5: {  	v22 =	vld [tilespmem:s0+$0x10];
	_ =	sdelay $0x2  }
0x1d6: {  	v20 =	vadd.f32 v21, v20;
	_ =	sdelay $0x1  }
0x1d7: {  	v20 =	vadd.f32 v22, v20  }
0x1d8: {  	v21 =	vld [tilespmem:s13+$0x6660]  }
0x1d9: {  	v22 =	vmul.f32 v18, v3;
	v20 =	vmul.f32 v20, v17;
	_ =	sdelay $0x1  }
0x1da: {  	v20 =	vsub.f32 v20, v22;
	v22 =	vbroadcast v19, $0x2;
	_ =	sdelay $0x1  }
0x1db: {  	v20 =	vadd.f32 v20, v11;
	v21 =	vmul.f32 v21, v22;
	_ =	sdelay $0x1  }
0x1dc: {  	v20 =	vmul.f32 v20, v21;
	_ =	sdelay $0x1  }
0x1dd: {  	[tilespmem:s14+$0xFFFFFFE0] =	vst v20  }
0x1de: {  	v20 =	vld [tilespmem:s2+$0x30]  }
0x1df: {  	v21 =	vld [tilespmem:s13+$0x5670];
	_ =	sdelay $0x1  }
0x1e0: {  	v22 =	vld [tilespmem:s0+$0x20];
	_ =	sdelay $0x2  }
0x1e1: {  	v20 =	vadd.f32 v20, v21;
	_ =	sdelay $0x1  }
0x1e2: {  	v20 =	vadd.f32 v22, v20  }
0x1e3: {  	v21 =	vld [tilespmem:s13+$0x6670]  }
0x1e4: {  	v22 =	vmul.f32 v18, v4;
	v20 =	vmul.f32 v20, v17;
	_ =	sdelay $0x1  }
0x1e5: {  	v20 =	vsub.f32 v20, v22;
	v22 =	vbroadcast v19, $0x3;
	_ =	sdelay $0x1  }
0x1e6: {  	v20 =	vadd.f32 v20, v12;
	v21 =	vmul.f32 v21, v22;
	_ =	sdelay $0x1  }
0x1e7: {  	v20 =	vmul.f32 v20, v21;
	_ =	sdelay $0x1  }
0x1e8: {  	[tilespmem:s14+$0xFFFFFFF0] =	vst v20  }
0x1e9: {  	v20 =	vld [tilespmem:s13+$0x5680]  }
0x1ea: {  	v21 =	vld [tilespmem:s2+$0x40]  }
0x1eb: {  	v22 =	vld [tilespmem:s13+$0x6680]  }
0x1ec: {  	v23 =	vld [tilespmem:s0+$0x30];
	_ =	sdelay $0x2  }
0x1ed: {  	v20 =	vadd.f32 v21, v20;
	_ =	sdelay $0x1  }
0x1ee: {  	v20 =	vadd.f32 v23, v20;
	_ =	sdelay $0x1  }
0x1ef: {  	v21 =	vmul.f32 v18, v5;
	v20 =	vmul.f32 v20, v17;
	_ =	sdelay $0x1  }
0x1f0: {  	v20 =	vsub.f32 v20, v21;
	v21 =	vbroadcast v19, $0x4;
	_ =	sdelay $0x1  }
0x1f1: {  	v20 =	vadd.f32 v20, v13;
	v21 =	vmul.f32 v22, v21;
	_ =	sdelay $0x1  }
0x1f2: {  	v20 =	vmul.f32 v20, v21;
	_ =	sdelay $0x1  }
0x1f3: {  	[tilespmem:s14+$0x0] =	vst v20  }
0x1f4: {  	v20 =	vld [tilespmem:s13+$0x5690]  }
0x1f5: {  	v21 =	vld [tilespmem:s2+$0x50]  }
0x1f6: {  	v22 =	vld [tilespmem:s0+$0x40]  }
0x1f7: {  	v23 =	vld [tilespmem:s13+$0x6690];
	_ =	sdelay $0x2  }
0x1f8: {  	v20 =	vadd.f32 v21, v20;
	_ =	sdelay $0x1  }
0x1f9: {  	v20 =	vadd.f32 v22, v20;
	_ =	sdelay $0x1  }
0x1fa: {  	v21 =	vmul.f32 v18, v6;
	v20 =	vmul.f32 v20, v17;
	_ =	sdelay $0x1  }
0x1fb: {  	v20 =	vsub.f32 v20, v21;
	v21 =	vbroadcast v19, $0x5;
	_ =	sdelay $0x1  }
0x1fc: {  	v20 =	vadd.f32 v20, v14;
	v21 =	vmul.f32 v23, v21;
	_ =	sdelay $0x1  }
0x1fd: {  	v20 =	vmul.f32 v20, v21;
	_ =	sdelay $0x1  }
0x1fe: {  	[tilespmem:s14+$0x10] =	vst v20  }
0x1ff: {  	v22 =	vld [tilespmem:s13+$0x56A0]  }
0x200: {  	v23 =	vld [tilespmem:s2+$0x60]  }
0x201: {  	v21 =	vld [tilespmem:s0+$0x50]  }
.Ltmp3:
0x202: {  	v20 =	vld [tilespmem:s13+$0x66A0];
	(pc) =	sbr.rel @p0 .LBB2_5-.Ltmp3, $3  }
0x203: {  	_ =	sdelay $0x1  }
0x204: {  	v22 =	vadd.f32 v23, v22  }
0x205: {  	s21 =	sadd.s32 $0x10, s21  }
0x206: {  	v21 =	vadd.f32 v21, v22;
	_ =	sdelay $0x1  }
0x207: {  	v22 =	vmul.f32 v18, v7;
	v21 =	vmul.f32 v21, v17;
	_ =	sdelay $0x1  }
0x208: {  	v21 =	vsub.f32 v21, v22;
	v22 =	vbroadcast v19, $0x6;
	_ =	sdelay $0x1  }
0x209: {  	v21 =	vadd.f32 v21, v15;
	v20 =	vmul.f32 v20, v22;
	_ =	sdelay $0x1  }
0x20a: {  	v20 =	vmul.f32 v21, v20;
	_ =	sdelay $0x1  }
0x20b: {  	[tilespmem:s23+$0x20] =	vst v20  }
0x20c: {  	v20 =	vld [tilespmem:s13+$0x56B0]  }
0x20d: {  	v21 =	vld [tilespmem:s1+$0x70];
	_ =	sdelay $0x1  }
0x20e: {  	v22 =	vld [tilespmem:s3+$0x60];
	_ =	sdelay $0x2  }
0x20f: {  	v20 =	vadd.f32 v21, v20;
	_ =	sdelay $0x1  }
0x210: {  	v20 =	vadd.f32 v22, v20  }
0x211: {  	v21 =	vld [tilespmem:s13+$0x66B0]  }
0x212: {  	v18 =	vmul.f32 v18, v8;
	v17 =	vmul.f32 v20, v17;
	_ =	sdelay $0x1  }
0x213: {  	v19 =	vbroadcast v19, $0x7;
	v17 =	vsub.f32 v17, v18;
	_ =	sdelay $0x1  }
0x214: {  	v18 =	vmul.f32 v21, v19;
	v17 =	vadd.f32 v17, v16;
	_ =	sdelay $0x1  }
0x215: {  	v17 =	vmul.f32 v17, v18  }
0x216: {  	s28 =	rddreg [dreg:$0x2]  }
0x217: {  	s0 =	simm.s32 $0x0;
	s2 =	simm.s32 $0x7840;
	p0 =	seq.s32 s30, $0x13B;
	[tilespmem:s23+$0x30] =	vst v17  }
0x218: {  	[spmem:s28] =	stream.indirect.scatter.add.f32 [tilespmem:s2], [sflag:$0x9], $0x90, s0, s25, $0xb8;
	[tilespmem:$0x1EEC0] =	vst v63  }
0x219: {  	s0 =	sadd.s32 @!p0 s26, s12;
	_ =	swait.ge [sflag:s22], $0x900  }
0x21a: {  	s0 =	sshll.u32 @!p0 s0, $0x2;
	[sflag:s22] =	ssyncset.done $0x0  }
0x21b: {  	s1 =	simm.s32 @!p0 $0x0;
	s0 =	sadd.s32 @!p0 s0, s17;
	[sflag:s22] =	ssyncadd.s32 $0xFFFFF700  }
0x21c: {  	[tilespmem:s1], [sflag:$0x1] =	stream.linear.gather @!p0 [hbm4b:s0+s1], $0x20, $0x38;
	[tilespmem:$0x1EEC0] =	vst v63  }
0x21d: {  	s0 =	simm.s32 @!p0 $0x1  }
0x21e: {  	_ =	swait.ge @!p0 [sflag:s0], $0x20  }
0x21f: {  	[sflag:s0] =	ssyncset.done @!p0 $0x0  }
0x220: {  	s3 =	simm.s32 @!p0 $0x40;
	s2 =	simm.s32 @!p0 $0x10;
	[sflag:s0] =	ssyncadd.s32 @!p0 $0xFFFFFFE0  }
0x221: {  	[tilespmem:s3], [sflag:$0x3] =	stream.indirect.gather @!p0 [hbm4b:s4+s2], $0x120, s1, s2, $0xb8;
	[tilespmem:$0x1EEC0] =	vst v63  }
0x222: {  	s3 =	sld [smem:$0x7FD];
	_ =	sdelay $0x1  }
0x223: {  	s0 =	sshll.u32 @!p0 s30, $0x5  }
0x224: {  	s0 =	sadd.s32 @!p0 s0, s3;
	s3 =	simm.s32 @!p0 $0x2440  }
0x225: {  	[tilespmem:s3], [sflag:$0x5] =	stream.indirect.gather @!p0 [hbm4b:s5+s2], $0x110, s2, s2, $0xb8;
	[tilespmem:$0x1EEC0] =	vst v63  }
0x226: {  	s2 =	sshll.u32 @!p0 s0, $0x4  }
0x227: {  	s2 =	sand.u32 @!p0 $0x1FFFFE00, s2  }
0x228: {  	s10 =	simm.s32 @!p0 $0x4640;
	s3 =	sadd.s32 @!p0 s6, s2  }
0x229: {  	[tilespmem:s10], [sflag:$0x7] =	stream.linear.gather @!p0 [hbm4b:s3+s1], $0x800, $0x38;
	[tilespmem:$0x1EEC0] =	vst v63  }
0x22a: {  	s0 =	sshll.u32 @!p0 s0, $0x1;
	s3 =	sadd.s32 @!p0 s7, s2;
	s10 =	simm.s32 @!p0 $0x5640  }
0x22b: {  	[tilespmem:s10], [sflag:$0x7] =	stream.linear.gather @!p0 [hbm4b:s3+s1], $0x800, $0x38;
	[tilespmem:$0x1EEC0] =	vst v63  }
0x22c: {  	s0 =	sand.u32 @!p0 $0x1FFFFFC0, s0;
	s2 =	sadd.s32 @!p0 s8, s2;
	s3 =	simm.s32 @!p0 $0x6640  }
0x22d: {  	[tilespmem:s3], [sflag:$0x7] =	stream.linear.gather @!p0 [hbm4b:s2+s1], $0x800, $0x38;
	[tilespmem:$0x1EEC0] =	vst v63  }
0x22e: {  	s0 =	sadd.s32 @!p0 s9, s0;
	s2 =	simm.s32 @!p0 $0x7640  }
0x22f: {  	[tilespmem:s2], [sflag:$0x7] =	stream.linear.gather @!p0 [hbm4b:s0+s1], $0x100, $0x38;
	[tilespmem:$0x1EEC0] =	vst v63  }
0x230: {  	_ =	swait.ge [sflag:s19], $0x1200  }
0x231: {  	[sflag:s19] =	ssyncset.done $0x0  }
0x232: {  	[sflag:s19] =	ssyncadd.s32 $0xFFFFEE00  }
0x233: {  	_ =	swait.ge [sflag:s20], $0x1100  }
0x234: {  	[sflag:s20] =	ssyncset.done $0x0  }
0x235: {  	[sflag:s20] =	ssyncadd.s32 $0xFFFFEF00  }
0x236: {  	_ =	swait.ge [sflag:s11], $0x800  }
0x237: {  	[sflag:s11] =	ssyncset.done $0x0  }
0x238: {  	[sflag:s11] =	ssyncadd.s32 $0xFFFFF800  }
0x239: {  	_ =	swait.ge [sflag:s11], $0x800  }
0x23a: {  	[sflag:s11] =	ssyncset.done $0x0  }
0x23b: {  	[sflag:s11] =	ssyncadd.s32 $0xFFFFF800  }
0x23c: {  	_ =	swait.ge [sflag:s11], $0x800  }
0x23d: {  	[sflag:s11] =	ssyncset.done $0x0  }
0x23e: {  	[sflag:s11] =	ssyncadd.s32 $0xFFFFF800  }
0x23f: {  	_ =	swait.ge [sflag:s11], $0x100  }
0x240: {  	[sflag:s11] =	ssyncset.done $0x0  }
0x241: {  	s2 =	simm.s32 $0x1350;
	[sflag:s11] =	ssyncadd.s32 $0xFFFFFF00  }
0x242: {  	s13 =	simm.s32 $0x7740;
	v17 =	vld [tilespmem:s2+$0x0]  }
0x243: {  	s0 =	simm.s32 $0x3640;
	v18 =	vld [tilespmem:s13+$0x0]  }
0x244: {  	v19 =	vld [tilespmem:s0+$0x0];
	_ =	sdelay $0x2  }
0x245: {  	(v2sf) =	vpush v17, $0x8  }
0x246: {  	(v2sf) =	vpush v18, $0x0  }
0x247: {  	(v2sf) =	vpush v19, $0x0  }
0x248: {  	(v2sf) =	vpush v18, $0x1  }
0x249: {  	(v2sf) =	vpush v17, $0x9;
	_ =	sdelay $0x1  }
0x24a: {  	(v2sf) =	vpush v19, $0x1;
	_ =	sdelay $0x5  }
0x24b: {  	s14 =	simm.s32 $0x870;
	v20 =	vld [tilespmem:s0+$0xFFFFFF00]  }
0x24c: {  	v21 =	vld [tilespmem:s14+$0x45D0]  }
0x24d: {  	v22 =	vld [tilespmem:s14+$0x45E0]  }
0x24e: {  	v23 =	vld [tilespmem:s2+$0xFFFFFEF0];
	s3 =	spop (v2sf)  }
0x24f: {  	v24 =	vld [tilespmem:s2+$0xFFFFFF00];
	s10 =	spop (v2sf)  }
0x250: {  	v25 =	vld [tilespmem:s14+$0x45F0];
	s1 =	sadd.f32 s10, s3;
	s12 =	spop (v2sf)  }
0x251: {  	v26 =	vld [tilespmem:s2+$0xFFFFFF10];
	s15 =	spop (v2sf)  }
0x252: {  	v27 =	vld [tilespmem:s0+$0xFFFFFF40];
	s1 =	sadd.f32 s1, s12;
	s21 =	spop (v2sf)  }
0x253: {  	v28 =	vld [tilespmem:s0+$0xFFFFFF30];
	s3 =	sadd.f32 s15, s21  }
0x254: {  	v29 =	vld [tilespmem:s14+$0x4600];
	s23 =	spop (v2sf);
	s1 =	smul.f32 $3.676470600e-03, s1  }
0x255: {  	v30 =	vld [tilespmem:s14+$0x4610];
	s3 =	sadd.f32 s3, s23  }
0x256: {  	v31 =	vld [tilespmem:s2+$0xFFFFFF20];
	s24 =	smul.f32 s1, s1  }
0x257: {  	v32 =	vld [tilespmem:s2+$0xFFFFFF30];
	s3 =	smul.f32 $3.676470600e-03, s3  }
0x258: {  	v18 =	vld [tilespmem:s0+$0xFFFFFF20]  }
0x259: {  	v19 =	vld [tilespmem:s0+$0xFFFFFF10];
	s3 =	ssub.f32 s3, s24  }
0x25a: {  	v33 =	vld [tilespmem:s0+$0xFFFFFF60]  }
0x25b: {  	v34 =	vld [tilespmem:s0+$0xFFFFFF50];
	v20 =	vadd.f32 v20, v21;
	v37 =	vmov s3  }
0x25c: {  	v36 =	vld [tilespmem:s14+$0x4630];
	v37 =	vadd.f32 $9.999999740e-06, v37  }
0x25d: {  	v35 =	vld [tilespmem:s14+$0x4620];
	v20 =	vmul.f32 v20, v23;
	v18 =	vadd.f32 v18, v25  }
0x25e: {  	v19 =	vadd.f32 v19, v22;
	v22 =	vld [tilespmem:s2+$0xFFFFFF50];
	v54 =	vbroadcast v37, $0x0  }
0x25f: {  	v21 =	vld [tilespmem:s2+$0xFFFFFF40];
	v55 =	vadd.f32 v27, v30;
	(xrf2) =	vadd.scan.msk.f32 $0xffff, v20;
	v20 =	vadd.f32 v28, v29;
	v18 =	vmul.f32 v18, v26  }
0x260: {  	v56 =	vld [tilespmem:s14+$0x4640];
	v19 =	vmul.f32 v19, v24;
	v57 =	vshra.s32 v54, $0x1;
	v25 =	vmul.f32 $5.000000000e-01, v54  }
0x261: {  	v58 =	vadd.f32 v33, v36;
	v23 =	vld [tilespmem:s0+$0xFFFFFF70];
	(xrf2) =	vadd.scan.msk.f32 $0xffff, v18;
	v18 =	vmul.f32 v55, v32;
	v27 =	vsub.s32 $0x5F3759DF, v57  }
0x262: {  	v20 =	vmul.f32 v20, v31;
	(xrf2) =	vadd.scan.msk.f32 $0xffff, v19;
	v19 =	vadd.f32 v34, v35;
	v60 =	vmul.f32 v27, v25  }
0x263: {  	v59 =	vld [tilespmem:s2+$0xFFFFFF60];
	(xrf2) =	vadd.scan.msk.f32 $0xffff, v18;
	v18 =	vmul.f32 v58, v22  }
0x264: {  	v19 =	vmul.f32 v19, v21;
	(xrf2) =	vadd.scan.msk.f32 $0xffff, v20;
	v21 =	vmul.f32 v27, v60  }
0x265: {  	(xrf2) =	vadd.scan.msk.f32 $0xffff, v18  }
0x266: {  	v20 =	vadd.f32 v23, v56;
	(xrf2) =	vadd.scan.msk.f32 $0xffff, v19;
	v19 =	vsub.f32 $1.500000000e+00, v21;
	_ =	sdelay $0x1  }
0x267: {  	v18 =	vmul.f32 v20, v59;
	_ =	sdelay $0x1  }
0x268: {  	(xrf2) =	vadd.scan.msk.f32 $0xffff, v18;
	v18 =	vmul.f32 v27, v19;
	v19, _, _ =	vpop (xrf2)  }
0x269: {  	v21, _, _ =	vpop (xrf2)  }
0x26a: {  	v20 =	vmul.f32 v18, v25;
	v19 =	vbroadcast v19, $0xF;
	v22, _, _ =	vpop (xrf2)  }
0x26b: {  	v22 =	vbroadcast v22, $0xF  }
0x26c: {  	v20 =	vmul.f32 v20, v18;
	v21 =	vbroadcast v21, $0xF;
	v19 =	vnsel vm0, $0x0, v19  }
0x26d: {  	v23, _, _ =	vpop (xrf2);
	v19 =	vsel vm1, v19, v22  }
0x26e: {  	v61, _, _ =	vpop (xrf2);
	v20 =	vsub.f32 $1.500000000e+00, v20;
	v19 =	vsel vm2, v19, v21;
	v21 =	vbroadcast v23, $0xF  }
0x26f: {  	v22 =	vbroadcast v61, $0xF;
	v62, _, _ =	vpop (xrf2)  }
0x270: {  	v23, _, _ =	vpop (xrf2);
	v18 =	vmul.f32 v20, v18  }
0x271: {  	v19 =	vsel vm3, v19, v22;
	v20 =	vbroadcast v23, $0xF;
	v22 =	vld [tilespmem:s2+$0xFFFFFFF0]  }
0x272: {  	v23 =	vbroadcast v62, $0xF;
	v19 =	vsel vm4, v19, v21;
	v63 =	vmul.f32 v18, v25;
	v21, _, _ =	vpop (xrf2)  }
0x273: {  	v19 =	vsel vm5, v19, v20;
	v20 =	vbroadcast v21, $0xF  }
0x274: {  	v19 =	vsel vm6, v19, v23;
	v21 =	vmul.f32 v63, v18  }
0x275: {  	v19 =	vsel vm7, v19, v20  }
0x276: {  	v20 =	vmul.f32 s1, v17;
	v17 =	vsub.f32 $1.500000000e+00, v21;
	v19 =	vadd.f32 v19, v22;
	_ =	sdelay $0x1  }
0x277: {  	v17 =	vmul.f32 v17, v18;
	v18 =	vsub.f32 v19, v20;
	_ =	sdelay $0x1  }
0x278: {  	v18 =	vmul.f32 v18, v17;
	_ =	sdelay $0x1  }
0x279: {  	v18 =	vmul.f32 $1.442695020e+00, v18;
	_ =	sdelay $0x1  }
0x27a: {  	(erf) = vpow2.f32 v18;
	_ =	sdelay $0x8  }
0x27b: {  	v19 =	vpop (erf)  }
0x27c: {  	s12 =	simm.s32 $0x81C0;
	v18 =	vnsel vm8, $0x0, v19  }
0x27d: {  	[tilespmem:s12+$0x0] =	vst v18  }
0x27e: {  	v18 =	vld [tilespmem:s14+$0x55D0]  }
0x27f: {  	v20 =	vld [tilespmem:s0+$0xFFFFFF80];
	_ =	sdelay $0x1  }
0x280: {  	v21 =	vld [tilespmem:s2+$0xFFFFFF70];
	_ =	sdelay $0x2  }
0x281: {  	v20 =	vadd.f32 v20, v18;
	_ =	sdelay $0x1  }
0x282: {  	v18 =	vmul.f32 s1, v17;
	v20 =	vadd.f32 v21, v20  }
0x283: {  	v21 =	vld [tilespmem:s14+$0x65D0]  }
0x284: {  	v22 =	vmul.f32 v18, v1;
	v20 =	vmul.f32 v20, v17;
	_ =	sdelay $0x1  }
0x285: {  	v20 =	vsub.f32 v20, v22;
	v22 =	vbroadcast v19, $0x0;
	_ =	sdelay $0x1  }
0x286: {  	v20 =	vadd.f32 v20, v9;
	v21 =	vmul.f32 v22, v21;
	_ =	sdelay $0x1  }
0x287: {  	v20 =	vmul.f32 v21, v20;
	_ =	sdelay $0x1  }
0x288: {  	[tilespmem:s12+$0xFFFFFF80] =	vst v20  }
0x289: {  	v20 =	vld [tilespmem:s14+$0x55E0]  }
0x28a: {  	v21 =	vld [tilespmem:s0+$0xFFFFFF90];
	_ =	sdelay $0x1  }
0x28b: {  	v22 =	vld [tilespmem:s2+$0xFFFFFF80];
	_ =	sdelay $0x2  }
0x28c: {  	v20 =	vadd.f32 v21, v20;
	_ =	sdelay $0x1  }
0x28d: {  	v20 =	vadd.f32 v22, v20  }
0x28e: {  	v21 =	vld [tilespmem:s14+$0x65E0]  }
0x28f: {  	v22 =	vmul.f32 v18, v2;
	v20 =	vmul.f32 v20, v17;
	_ =	sdelay $0x1  }
0x290: {  	v20 =	vsub.f32 v20, v22;
	v22 =	vbroadcast v19, $0x1;
	_ =	sdelay $0x1  }
0x291: {  	v20 =	vadd.f32 v20, v10;
	v21 =	vmul.f32 v22, v21;
	_ =	sdelay $0x1  }
0x292: {  	v20 =	vmul.f32 v20, v21;
	_ =	sdelay $0x1  }
0x293: {  	[tilespmem:s12+$0xFFFFFF90] =	vst v20  }
0x294: {  	v20 =	vld [tilespmem:s14+$0x55F0]  }
0x295: {  	v21 =	vld [tilespmem:s0+$0xFFFFFFA0];
	_ =	sdelay $0x1  }
0x296: {  	v22 =	vld [tilespmem:s2+$0xFFFFFF90];
	_ =	sdelay $0x2  }
0x297: {  	v20 =	vadd.f32 v21, v20;
	_ =	sdelay $0x1  }
0x298: {  	v20 =	vadd.f32 v22, v20  }
0x299: {  	v21 =	vld [tilespmem:s14+$0x65F0]  }
0x29a: {  	v22 =	vmul.f32 v18, v3;
	v20 =	vmul.f32 v20, v17;
	_ =	sdelay $0x1  }
0x29b: {  	v20 =	vsub.f32 v20, v22;
	v22 =	vbroadcast v19, $0x2;
	_ =	sdelay $0x1  }
0x29c: {  	v20 =	vadd.f32 v20, v11;
	v21 =	vmul.f32 v21, v22;
	_ =	sdelay $0x1  }
0x29d: {  	v20 =	vmul.f32 v20, v21;
	_ =	sdelay $0x1  }
0x29e: {  	[tilespmem:s12+$0xFFFFFFA0] =	vst v20  }
0x29f: {  	v20 =	vld [tilespmem:s0+$0xFFFFFFB0]  }
0x2a0: {  	v21 =	vld [tilespmem:s14+$0x5600];
	_ =	sdelay $0x1  }
0x2a1: {  	v22 =	vld [tilespmem:s2+$0xFFFFFFA0];
	_ =	sdelay $0x2  }
0x2a2: {  	v20 =	vadd.f32 v20, v21;
	_ =	sdelay $0x1  }
0x2a3: {  	v20 =	vadd.f32 v22, v20  }
0x2a4: {  	v21 =	vld [tilespmem:s14+$0x6600]  }
0x2a5: {  	v22 =	vmul.f32 v18, v4;
	v20 =	vmul.f32 v20, v17;
	_ =	sdelay $0x1  }
0x2a6: {  	v20 =	vsub.f32 v20, v22;
	v22 =	vbroadcast v19, $0x3;
	_ =	sdelay $0x1  }
0x2a7: {  	v20 =	vadd.f32 v20, v12;
	v21 =	vmul.f32 v21, v22;
	_ =	sdelay $0x1  }
0x2a8: {  	v20 =	vmul.f32 v20, v21;
	_ =	sdelay $0x1  }
0x2a9: {  	[tilespmem:s12+$0xFFFFFFB0] =	vst v20  }
0x2aa: {  	v20 =	vld [tilespmem:s14+$0x5610]  }
0x2ab: {  	v21 =	vld [tilespmem:s0+$0xFFFFFFC0];
	_ =	sdelay $0x1  }
0x2ac: {  	v22 =	vld [tilespmem:s2+$0xFFFFFFB0];
	_ =	sdelay $0x2  }
0x2ad: {  	v20 =	vadd.f32 v21, v20;
	_ =	sdelay $0x1  }
0x2ae: {  	v20 =	vadd.f32 v22, v20  }
0x2af: {  	v21 =	vld [tilespmem:s14+$0x6610]  }
0x2b0: {  	v22 =	vmul.f32 v18, v5;
	v20 =	vmul.f32 v20, v17;
	_ =	sdelay $0x1  }
0x2b1: {  	v20 =	vsub.f32 v20, v22;
	v22 =	vbroadcast v19, $0x4;
	_ =	sdelay $0x1  }
0x2b2: {  	v20 =	vadd.f32 v20, v13;
	v21 =	vmul.f32 v21, v22;
	_ =	sdelay $0x1  }
0x2b3: {  	v20 =	vmul.f32 v20, v21;
	_ =	sdelay $0x1  }
0x2b4: {  	[tilespmem:s12+$0xFFFFFFC0] =	vst v20  }
0x2b5: {  	v20 =	vld [tilespmem:s14+$0x5620]  }
0x2b6: {  	v21 =	vld [tilespmem:s0+$0xFFFFFFD0];
	_ =	sdelay $0x1  }
0x2b7: {  	v22 =	vld [tilespmem:s2+$0xFFFFFFC0];
	_ =	sdelay $0x2  }
0x2b8: {  	v20 =	vadd.f32 v21, v20;
	_ =	sdelay $0x1  }
0x2b9: {  	v20 =	vadd.f32 v22, v20  }
0x2ba: {  	v21 =	vld [tilespmem:s14+$0x6620]  }
0x2bb: {  	v22 =	vmul.f32 v18, v6;
	v20 =	vmul.f32 v20, v17;
	_ =	sdelay $0x1  }
0x2bc: {  	v20 =	vsub.f32 v20, v22;
	v22 =	vbroadcast v19, $0x5;
	_ =	sdelay $0x1  }
0x2bd: {  	v20 =	vadd.f32 v20, v14;
	v21 =	vmul.f32 v21, v22;
	_ =	sdelay $0x1  }
0x2be: {  	v20 =	vmul.f32 v20, v21;
	_ =	sdelay $0x1  }
0x2bf: {  	[tilespmem:s12+$0xFFFFFFD0] =	vst v20  }
0x2c0: {  	v22 =	vld [tilespmem:s14+$0x5630]  }
0x2c1: {  	v23 =	vld [tilespmem:s0+$0xFFFFFFE0];
	_ =	sdelay $0x1  }
0x2c2: {  	v21 =	vld [tilespmem:s2+$0xFFFFFFD0];
	_ =	sdelay $0x2  }
0x2c3: {  	s10 =	simm.s32 $0x3750;
	v22 =	vadd.f32 v23, v22  }
0x2c4: {  	s23 =	simm.s32 $0x81C0;
	s3 =	simm.s32 $0x23C0;
	s1 =	simm.s32 $0x1350;
	v20 =	vld [tilespmem:s14+$0x6630]  }
.LBB2_7:
0x2c5: {  	v21 =	vadd.f32 v21, v22;
	s12 =	sadd.s32 $0x90, s12;
	s13 =	sadd.s32 $0x10, s13;
	s2 =	sadd.s32 $0x120, s2  }
0x2c6: {  	p1 =	sne.s32 s3, $0x3FC0;
	s21 =	smov.u32 s3;
	s3 =	sadd.s32 $0x200, s3  }
0x2c7: {  	v22 =	vmul.f32 v18, v7;
	v21 =	vmul.f32 v21, v17;
	_ =	sdelay $0x1  }
0x2c8: {  	v21 =	vsub.f32 v21, v22;
	v22 =	vbroadcast v19, $0x6;
	_ =	sdelay $0x1  }
0x2c9: {  	v21 =	vadd.f32 v21, v15;
	v20 =	vmul.f32 v20, v22;
	_ =	sdelay $0x1  }
0x2ca: {  	v20 =	vmul.f32 v21, v20;
	_ =	sdelay $0x1  }
0x2cb: {  	[tilespmem:s23+$0xFFFFFFE0] =	vst v20  }
0x2cc: {  	v20 =	vld [tilespmem:s14+$0x5640]  }
0x2cd: {  	v21 =	vld [tilespmem:s0+$0xFFFFFFF0];
	s0 =	smov.u32 s10  }
0x2ce: {  	v22 =	vld [tilespmem:s1+$0xFFFFFFE0];
	s1 =	smov.u32 s2  }
0x2cf: {  	v23 =	vld [tilespmem:s14+$0x6640];
	_ =	sdelay $0x2  }
0x2d0: {  	v20 =	vadd.f32 v21, v20;
	_ =	sdelay $0x1  }
0x2d1: {  	v20 =	vadd.f32 v22, v20  }
0x2d2: {  	v18 =	vmul.f32 v18, v8  }
0x2d3: {  	v17 =	vmul.f32 v20, v17  }
0x2d4: {  	v19 =	vbroadcast v19, $0x7  }
0x2d5: {  	v17 =	vsub.f32 v17, v18  }
0x2d6: {  	v18 =	vmul.f32 v23, v19  }
0x2d7: {  	v17 =	vadd.f32 v17, v16;
	_ =	sdelay $0x1  }
0x2d8: {  	v17 =	vmul.f32 v17, v18;
	_ =	sdelay $0x1  }
0x2d9: {  	[tilespmem:s23+$0xFFFFFFF0] =	vst v17;
	s23 =	smov.u32 s12  }
0x2da: {  	v17 =	vld [tilespmem:s2+$0x0]  }
0x2db: {  	v18 =	vld [tilespmem:s13+$0x0]  }
0x2dc: {  	v19 =	vld [tilespmem:s10+$0x0];
	_ =	sdelay $0x2  }
0x2dd: {  	(v2sf) =	vpush v17, $0x8  }
0x2de: {  	(v2sf) =	vpush v18, $0x0  }
0x2df: {  	v20 =	vld [tilespmem:s10+$0xFFFFFF20];
	(v2sf) =	vpush v19, $0x0  }
0x2e0: {  	v21 =	vld [tilespmem:s10+$0xFFFFFF10];
	(v2sf) =	vpush v18, $0x1  }
0x2e1: {  	s14 =	sshra.s32 s21, $0x2;
	v18 =	vld [tilespmem:s10+$0xFFFFFF00];
	(v2sf) =	vpush v17, $0x9  }
0x2e2: {  	v22 =	vld [tilespmem:s14+$0x45D0]  }
0x2e3: {  	v23 =	vld [tilespmem:s14+$0x45E0];
	(v2sf) =	vpush v19, $0x1  }
0x2e4: {  	v19 =	vld [tilespmem:s2+$0xFFFFFEF0]  }
0x2e5: {  	v24 =	vld [tilespmem:s2+$0xFFFFFF00]  }
0x2e6: {  	v25 =	vld [tilespmem:s14+$0x45F0]  }
0x2e7: {  	v18 =	vadd.f32 v18, v22  }
0x2e8: {  	v21 =	vadd.f32 v21, v23;
	v22 =	vld [tilespmem:s2+$0xFFFFFF10]  }
0x2e9: {  	v18 =	vmul.f32 v18, v19;
	v19 =	vld [tilespmem:s10+$0xFFFFFF40]  }
0x2ea: {  	v21 =	vmul.f32 v21, v24;
	v23 =	vld [tilespmem:s10+$0xFFFFFF30]  }
0x2eb: {  	v20 =	vadd.f32 v20, v25;
	v24 =	vld [tilespmem:s14+$0x4600];
	(xrf2) =	vadd.scan.msk.f32 $0xffff, v18  }
0x2ec: {  	v18 =	vld [tilespmem:s14+$0x4610];
	s15 =	spop (v2sf)  }
0x2ed: {  	v20 =	vmul.f32 v20, v22;
	v22 =	vld [tilespmem:s2+$0xFFFFFF20];
	s21 =	spop (v2sf)  }
0x2ee: {  	s15 =	sadd.f32 s21, s15;
	v25 =	vld [tilespmem:s2+$0xFFFFFF30];
	s21 =	spop (v2sf)  }
0x2ef: {  	v26 =	vld [tilespmem:s10+$0xFFFFFF60];
	s24 =	spop (v2sf);
	(xrf2) =	vadd.scan.msk.f32 $0xffff, v20  }
0x2f0: {  	s15 =	sadd.f32 s15, s21;
	v20 =	vadd.f32 v23, v24;
	v23 =	vld [tilespmem:s10+$0xFFFFFF50];
	s21 =	spop (v2sf)  }
0x2f1: {  	s24 =	sadd.f32 s24, s21;
	v18 =	vadd.f32 v19, v18;
	v19 =	vld [tilespmem:s14+$0x4620]  }
0x2f2: {  	s21 =	smul.f32 $3.676470600e-03, s15;
	v20 =	vmul.f32 v20, v22;
	v22 =	vld [tilespmem:s14+$0x4630];
	s15 =	spop (v2sf);
	(xrf2) =	vadd.scan.msk.f32 $0xffff, v21  }
0x2f3: {  	s15 =	sadd.f32 s24, s15;
	v18 =	vmul.f32 v18, v25;
	v21 =	vld [tilespmem:s2+$0xFFFFFF40]  }
0x2f4: {  	s24 =	smul.f32 s21, s21;
	v24 =	vld [tilespmem:s2+$0xFFFFFF50];
	v25 =	vmul.f32 s21, v17  }
0x2f5: {  	s15 =	smul.f32 $3.676470600e-03, s15;
	v17, _, _ =	vpop (xrf2);
	(xrf2) =	vadd.scan.msk.f32 $0xffff, v18  }
0x2f6: {  	v17 =	vbroadcast v17, $0xF;
	v18 =	vadd.f32 v23, v19;
	v19 =	vld [tilespmem:s10+$0xFFFFFF70]  }
0x2f7: {  	s15 =	ssub.f32 s15, s24;
	v22 =	vadd.f32 v26, v22;
	v23 =	vld [tilespmem:s14+$0x4640]  }
0x2f8: {  	v18 =	vmul.f32 v18, v21;
	(xrf2) =	vadd.scan.msk.f32 $0xffff, v20  }
0x2f9: {  	v20 =	vmov s15;
	v26 =	vmul.f32 v22, v24;
	v22 =	vld [tilespmem:s2+$0xFFFFFF60];
	v24, _, _ =	vpop (xrf2)  }
0x2fa: {  	v20 =	vadd.f32 $9.999999740e-06, v20  }
0x2fb: {  	(xrf2) =	vadd.scan.msk.f32 $0xffff, v26  }
0x2fc: {  	v20 =	vbroadcast v20, $0x0;
	v19 =	vadd.f32 v19, v23;
	v21, _, _ =	vpop (xrf2)  }
0x2fd: {  	v17 =	vnsel vm0, $0x0, v17;
	v26 =	vbroadcast v21, $0xF  }
0x2fe: {  	v23 =	vshra.s32 v20, $0x1;
	v20 =	vmul.f32 $5.000000000e-01, v20;
	v19 =	vmul.f32 v19, v22;
	(xrf2) =	vadd.scan.msk.f32 $0xffff, v18  }
0x2ff: {  	v18 =	vsub.s32 $0x5F3759DF, v23;
	v17 =	vsel vm1, v17, v26;
	v21, _, _ =	vpop (xrf2)  }
0x300: {  	v22 =	vmul.f32 v18, v20  }
0x301: {  	(xrf2) =	vadd.scan.msk.f32 $0xffff, v19  }
0x302: {  	v24 =	vbroadcast v24, $0xF;
	v19 =	vmul.f32 v18, v22;
	v23, _, _ =	vpop (xrf2)  }
0x303: {  	v23 =	vbroadcast v23, $0xF  }
0x304: {  	v17 =	vsel vm2, v17, v24;
	v19 =	vsub.f32 $1.500000000e+00, v19  }
0x305: {  	v17 =	vsel vm3, v17, v23;
	v22, _, _ =	vpop (xrf2)  }
0x306: {  	v18 =	vmul.f32 v18, v19;
	v19 =	vbroadcast v22, $0xF;
	_ =	sdelay $0x1  }
0x307: {  	v21 =	vbroadcast v21, $0xF;
	v22 =	vmul.f32 v18, v20;
	v23, _, _ =	vpop (xrf2)  }
0x308: {  	v24 =	vbroadcast v23, $0xF  }
0x309: {  	v17 =	vsel vm4, v17, v21;
	v22 =	vmul.f32 v22, v18;
	v21 =	vld [tilespmem:s2+$0xFFFFFFF0]  }
0x30a: {  	v17 =	vsel vm5, v17, v24;
	v23, _, _ =	vpop (xrf2)  }
0x30b: {  	v22 =	vsub.f32 $1.500000000e+00, v22;
	v17 =	vsel vm6, v17, v19;
	v19 =	vbroadcast v23, $0xF;
	_ =	sdelay $0x1  }
0x30c: {  	v18 =	vmul.f32 v22, v18;
	v17 =	vsel vm7, v17, v19  }
0x30d: {  	v19 =	vadd.f32 v17, v21  }
0x30e: {  	v17 =	vmul.f32 v18, v20;
	_ =	sdelay $0x1  }
0x30f: {  	v17 =	vmul.f32 v17, v18;
	_ =	sdelay $0x1  }
0x310: {  	v17 =	vsub.f32 $1.500000000e+00, v17;
	_ =	sdelay $0x1  }
0x311: {  	v17 =	vmul.f32 v17, v18;
	v18 =	vsub.f32 v19, v25;
	_ =	sdelay $0x1  }
0x312: {  	v19 =	vmul.f32 v18, v17;
	v18 =	vmul.f32 s21, v17;
	_ =	sdelay $0x1  }
0x313: {  	v19 =	vmul.f32 $1.442695020e+00, v19;
	_ =	sdelay $0x1  }
0x314: {  	(erf) = vpow2.f32 v19;
	_ =	sdelay $0x8  }
0x315: {  	v19 =	vpop (erf)  }
0x316: {  	v20 =	vnsel vm8, $0x0, v19  }
0x317: {  	[tilespmem:s12+$0x0] =	vst v20  }
0x318: {  	v20 =	vld [tilespmem:s14+$0x55D0]  }
0x319: {  	v21 =	vld [tilespmem:s10+$0xFFFFFF80];
	_ =	sdelay $0x1  }
0x31a: {  	v22 =	vld [tilespmem:s2+$0xFFFFFF70];
	_ =	sdelay $0x2  }
0x31b: {  	v20 =	vadd.f32 v21, v20;
	_ =	sdelay $0x1  }
0x31c: {  	v20 =	vadd.f32 v22, v20  }
0x31d: {  	v21 =	vld [tilespmem:s14+$0x65D0]  }
0x31e: {  	v22 =	vmul.f32 v18, v1;
	v20 =	vmul.f32 v20, v17;
	_ =	sdelay $0x1  }
0x31f: {  	v20 =	vsub.f32 v20, v22;
	v22 =	vbroadcast v19, $0x0;
	_ =	sdelay $0x1  }
0x320: {  	v20 =	vadd.f32 v20, v9;
	v21 =	vmul.f32 v22, v21;
	_ =	sdelay $0x1  }
0x321: {  	v20 =	vmul.f32 v21, v20;
	_ =	sdelay $0x1  }
0x322: {  	[tilespmem:s12+$0xFFFFFF80] =	vst v20  }
0x323: {  	v20 =	vld [tilespmem:s14+$0x55E0]  }
0x324: {  	v21 =	vld [tilespmem:s10+$0xFFFFFF90];
	_ =	sdelay $0x1  }
0x325: {  	v22 =	vld [tilespmem:s2+$0xFFFFFF80];
	_ =	sdelay $0x2  }
0x326: {  	v20 =	vadd.f32 v21, v20;
	_ =	sdelay $0x1  }
0x327: {  	v20 =	vadd.f32 v22, v20  }
0x328: {  	v21 =	vld [tilespmem:s14+$0x65E0]  }
0x329: {  	v22 =	vmul.f32 v18, v2;
	v20 =	vmul.f32 v20, v17;
	_ =	sdelay $0x1  }
0x32a: {  	v20 =	vsub.f32 v20, v22;
	v22 =	vbroadcast v19, $0x1;
	_ =	sdelay $0x1  }
0x32b: {  	v20 =	vadd.f32 v20, v10;
	v21 =	vmul.f32 v22, v21;
	_ =	sdelay $0x1  }
0x32c: {  	v20 =	vmul.f32 v20, v21;
	_ =	sdelay $0x1  }
0x32d: {  	[tilespmem:s12+$0xFFFFFF90] =	vst v20  }
0x32e: {  	v20 =	vld [tilespmem:s14+$0x55F0]  }
0x32f: {  	v21 =	vld [tilespmem:s10+$0xFFFFFFA0];
	_ =	sdelay $0x1  }
0x330: {  	v22 =	vld [tilespmem:s2+$0xFFFFFF90];
	_ =	sdelay $0x2  }
0x331: {  	v20 =	vadd.f32 v21, v20;
	_ =	sdelay $0x1  }
0x332: {  	v20 =	vadd.f32 v22, v20  }
0x333: {  	v21 =	vld [tilespmem:s14+$0x65F0]  }
0x334: {  	v22 =	vmul.f32 v18, v3;
	v20 =	vmul.f32 v20, v17;
	_ =	sdelay $0x1  }
0x335: {  	v20 =	vsub.f32 v20, v22;
	v22 =	vbroadcast v19, $0x2;
	_ =	sdelay $0x1  }
0x336: {  	v20 =	vadd.f32 v20, v11;
	v21 =	vmul.f32 v21, v22;
	_ =	sdelay $0x1  }
0x337: {  	v20 =	vmul.f32 v20, v21;
	_ =	sdelay $0x1  }
0x338: {  	[tilespmem:s12+$0xFFFFFFA0] =	vst v20  }
0x339: {  	v20 =	vld [tilespmem:s10+$0xFFFFFFB0]  }
0x33a: {  	v21 =	vld [tilespmem:s14+$0x5600];
	_ =	sdelay $0x1  }
0x33b: {  	v22 =	vld [tilespmem:s2+$0xFFFFFFA0];
	_ =	sdelay $0x2  }
0x33c: {  	v20 =	vadd.f32 v20, v21;
	_ =	sdelay $0x1  }
0x33d: {  	v20 =	vadd.f32 v22, v20  }
0x33e: {  	v21 =	vld [tilespmem:s14+$0x6600]  }
0x33f: {  	v22 =	vmul.f32 v18, v4;
	v20 =	vmul.f32 v20, v17;
	_ =	sdelay $0x1  }
0x340: {  	v20 =	vsub.f32 v20, v22;
	v22 =	vbroadcast v19, $0x3;
	_ =	sdelay $0x1  }
0x341: {  	v20 =	vadd.f32 v20, v12;
	v21 =	vmul.f32 v21, v22;
	_ =	sdelay $0x1  }
0x342: {  	v20 =	vmul.f32 v20, v21;
	_ =	sdelay $0x1  }
0x343: {  	[tilespmem:s12+$0xFFFFFFB0] =	vst v20  }
0x344: {  	v20 =	vld [tilespmem:s14+$0x5610]  }
0x345: {  	v21 =	vld [tilespmem:s10+$0xFFFFFFC0]  }
0x346: {  	v22 =	vld [tilespmem:s14+$0x6610]  }
0x347: {  	v23 =	vld [tilespmem:s2+$0xFFFFFFB0];
	_ =	sdelay $0x2  }
0x348: {  	v20 =	vadd.f32 v21, v20;
	_ =	sdelay $0x1  }
0x349: {  	v20 =	vadd.f32 v23, v20;
	_ =	sdelay $0x1  }
0x34a: {  	v21 =	vmul.f32 v18, v5;
	v20 =	vmul.f32 v20, v17;
	_ =	sdelay $0x1  }
0x34b: {  	v20 =	vsub.f32 v20, v21;
	v21 =	vbroadcast v19, $0x4;
	_ =	sdelay $0x1  }
0x34c: {  	v20 =	vadd.f32 v20, v13;
	v21 =	vmul.f32 v22, v21;
	_ =	sdelay $0x1  }
0x34d: {  	v20 =	vmul.f32 v20, v21;
	_ =	sdelay $0x1  }
0x34e: {  	[tilespmem:s12+$0xFFFFFFC0] =	vst v20  }
0x34f: {  	v20 =	vld [tilespmem:s14+$0x5620]  }
0x350: {  	v21 =	vld [tilespmem:s10+$0xFFFFFFD0]  }
0x351: {  	v22 =	vld [tilespmem:s2+$0xFFFFFFC0]  }
0x352: {  	v23 =	vld [tilespmem:s14+$0x6620];
	_ =	sdelay $0x2  }
0x353: {  	v20 =	vadd.f32 v21, v20;
	_ =	sdelay $0x1  }
0x354: {  	v20 =	vadd.f32 v22, v20;
	_ =	sdelay $0x1  }
0x355: {  	v21 =	vmul.f32 v18, v6;
	v20 =	vmul.f32 v20, v17;
	_ =	sdelay $0x1  }
0x356: {  	v20 =	vsub.f32 v20, v21;
	v21 =	vbroadcast v19, $0x5;
	_ =	sdelay $0x1  }
0x357: {  	v20 =	vadd.f32 v20, v14;
	v21 =	vmul.f32 v23, v21;
	_ =	sdelay $0x1  }
0x358: {  	v20 =	vmul.f32 v20, v21;
	_ =	sdelay $0x1  }
0x359: {  	[tilespmem:s12+$0xFFFFFFD0] =	vst v20  }
0x35a: {  	v22 =	vld [tilespmem:s14+$0x5630]  }
0x35b: {  	v23 =	vld [tilespmem:s10+$0xFFFFFFE0]  }
0x35c: {  	v21 =	vld [tilespmem:s2+$0xFFFFFFD0]  }
.Ltmp4:
0x35d: {  	v20 =	vld [tilespmem:s14+$0x6630];
	(pc) =	sbr.rel @p1 .LBB2_7-.Ltmp4, $3  }
0x35e: {  	_ =	sdelay $0x1  }
0x35f: {  	v22 =	vadd.f32 v23, v22  }
0x360: {  	s10 =	sadd.s32 $0x110, s10  }
0x361: {  	v21 =	vadd.f32 v21, v22;
	_ =	sdelay $0x1  }
0x362: {  	v59 =	vmul.f32 v18, v7;
	v21 =	vmul.f32 v21, v17;
	_ =	sdelay $0x1  }
0x363: {  	v60 =	vbroadcast v19, $0x6;
	v21 =	vsub.f32 v21, v59;
	_ =	sdelay $0x1  }
0x364: {  	v20 =	vmul.f32 v20, v60;
	v21 =	vadd.f32 v21, v15;
	_ =	sdelay $0x1  }
0x365: {  	v20 =	vmul.f32 v21, v20;
	_ =	sdelay $0x1  }
0x366: {  	[tilespmem:s23+$0xFFFFFFE0] =	vst v20  }
0x367: {  	v20 =	vld [tilespmem:s14+$0x5640]  }
0x368: {  	v61 =	vld [tilespmem:s0+$0xFFFFFFF0];
	_ =	sdelay $0x1  }
0x369: {  	v62 =	vld [tilespmem:s1+$0xFFFFFFE0];
	_ =	sdelay $0x2  }
0x36a: {  	v20 =	vadd.f32 v61, v20;
	_ =	sdelay $0x1  }
0x36b: {  	v20 =	vadd.f32 v62, v20  }
0x36c: {  	v63 =	vld [tilespmem:s14+$0x6640]  }
0x36d: {  	v18 =	vmul.f32 v18, v8;
	v17 =	vmul.f32 v20, v17;
	_ =	sdelay $0x1  }
0x36e: {  	v19 =	vbroadcast v19, $0x7;
	v17 =	vsub.f32 v17, v18;
	_ =	sdelay $0x1  }
0x36f: {  	v18 =	vmul.f32 v63, v19;
	v17 =	vadd.f32 v17, v16;
	_ =	sdelay $0x1  }
0x370: {  	v17 =	vmul.f32 v17, v18;
	_ =	sdelay $0x1  }
.Ltmp5:
0x371: {  	s3 =	simm.s32 $0x20;
	s24 =	simm.s32 $0x8140;
	[tilespmem:s23+$0xFFFFFFF0] =	vst v17;
	(pc) =	sbr.rel @p0 .LBB2_10-.Ltmp5, $4  }
0x372: {  	[spmem:s28] =	stream.indirect.scatter.add.f32 [tilespmem:s24], [sflag:$0x9], $0x90, s3, s25, $0xb8;
	[tilespmem:$0x1EEC0] =	vst v63  }
0x373: {  	_ =	swait.ge [sflag:s22], $0x900  }
0x374: {  	[sflag:s22] =	ssyncset.done $0x0  }
0x375: {  	[sflag:s22] =	ssyncadd.s32 $0xFFFFF700  }
.Ltmp6:
0x376: {  	(pc) =	sbr.rel .LBB2_4-.Ltmp6, $4  }
0x377: {  	s0 =	sadd.s32 s26, s31  }
0x378: {  	s0 =	sshll.u32 s0, $0x2  }
0x379: {  	s1 =	simm.s32 $0x0;
	s30 =	sadd.s32 $0x1, s30;
	s0 =	sadd.s32 s0, s17  }
0x37a: {  	[tilespmem:s3], [sflag:$0x2] =	stream.linear.gather [hbm4b:s0+s1], $0x20, $0x38;
	[tilespmem:$0x1EEC0] =	vst v63  }
.LBB2_11:
0x37b: {  	_ =	sfence.sel $0x180000  }
0x37c: {  	[bflag:$0x0] =	sbarrier.arrive $0xFFFF  }
0x37d: {  	_ =	strace $0x90000047  }
0x37e: {  	s0 =	stileid.u32;
	[bflag:$0x2] =	sbarrier.arrive $0xFFFF  }
0x37f: {  	p0 =	sne.s32 s0, $0x0;
	s0 =	rddreg [dreg:$0x3]  }
0x380: {  	s0 =	sadd.s32 @!p0 $0x100000, s0  }
0x381: {  	[sflag:s0] =	ssyncadd.tile.s32 @!p0 $0x1;
	_ =	shalt  }
.Lfunc_end2:
_tile_overlayer_lowered:
.L_overlay_start_2:
0x382: {  	(tag) =	ssettag $0x2  }
0x383: {  	s0 =	rddreg [dreg:$0x0];
	s2 =	stileid.u32  }
0x384: {  	s1 =	rddreg [dreg:$0x1];
	p0 =	sne.s32 s2, $0x0  }
0x385: {  	s3 =	rddreg [dreg:$0x2];
	[bflag:$0x3] =	sbarrier.arrive $0xFFFF;
	s2 =	simm.s32 @!p0 $0x1C09  }
0x386: {  	[timem:s3], [sflag:s2] =	dma.local @!p0 [hbm:s0], s1  }
0x387: {  	s0 =	simm.s32 @!p0 $0x9  }
0x388: {  	_ =	swait.ge @!p0 [sflag:s0], s1  }
0x389: {  	s1 =	ssub.s32 @!p0 $0x0, s1;
	[sflag:s0] =	ssyncset.done @!p0 $0x0  }
0x38a: {  	[sflag:s0] =	ssyncadd.s32 @!p0 s1  }
0x38b: {  	[bflag:$0x3] =	sbarrier.arrive $0xFFFF  }
0x38c: {  	_ =	shalt  }

</sc_bundles>
